<compile_context>
chip_gen: v7x
topology: tpu7x:2x2x1
jax: 0.10.2.dev20260603
libtpu: 0.0.44.dev20260713+nightly
codegen_flags: <defaults>
</compile_context>

<pallas_src>
import jax
import jax.numpy as jnp
from jax import lax
from jax.experimental import pallas as pl
from jax.experimental.pallas import tpu as pltpu
from jax.experimental.pallas import tpu_sc as plsc

_VOCAB = 1000000
_EMB = 64
_BATCH = 4096
_SEQ = 200
_CLS = 5

_NC = 2
_NS = 16
_NW = _NC * _NS
_BPW = _BATCH // _NW
_LANES = 16
_CHUNKS = _EMB // _LANES


_DEPTH = 4


def _pool_body(inputs_hbm, table_hbm, out_hbm, idx_v, rows_v, pooled_v,
               isem, gsem0, gsem1, gsem2, gsem3):
    wid = lax.axis_index("s") * _NC + lax.axis_index("c")
    base = wid * _BPW
    fbase = base * _SEQ

    gsems = (gsem0, gsem1, gsem2, gsem3)

    def idx_slice(i):
        return idx_v.at[pl.ds(i * _SEQ, _SEQ)]

    def gather_start(i, b):
        pltpu.async_copy(table_hbm.at[idx_slice(i)], rows_v.at[b], gsems[b])

    def gather_wait(i, b):
        pltpu.make_async_copy(table_hbm.at[idx_slice(i)], rows_v.at[b],
                              gsems[b]).wait()

    def accumulate(i, buf):
        rows = rows_v.at[buf]
        zero = jnp.zeros((_LANES,), jnp.float32)

        @plsc.parallel_loop(0, _SEQ, 8,
                            carry=tuple(zero for _ in range(2 * _CHUNKS)))
        def acc(t, carry):
            out = list(carry)
            for k in range(8):
                half = k % 2
                for c in range(_CHUNKS):
                    out[half * _CHUNKS + c] = (
                        out[half * _CHUNKS + c]
                        + rows[t + k, pl.ds(c * _LANES, _LANES)]
                    )
            return tuple(out)

        inv = jnp.float32(1.0 / _SEQ)
        for c in range(_CHUNKS):
            pooled_v[i, pl.ds(c * _LANES, _LANES)] = (
                (acc[c] + acc[_CHUNKS + c]) * inv
            )

    pltpu.async_copy(inputs_hbm.at[pl.ds(fbase, _BPW * _SEQ)], idx_v, isem)
    pltpu.make_async_copy(inputs_hbm.at[pl.ds(fbase, _BPW * _SEQ)],
                          idx_v, isem).wait()

    for d in range(_DEPTH):
        gather_start(d, d)

    def step(i, b):
        gather_wait(i, b)
        accumulate(i, b)

        @pl.when(i + _DEPTH < _BPW)
        def _():
            gather_start(i + _DEPTH, b)

    def outer(g, _):
        for d in range(_DEPTH):
            step(g * _DEPTH + d, d)
        return 0

    lax.fori_loop(0, _BPW // _DEPTH, outer, 0)

    pltpu.sync_copy(pooled_v, out_hbm.at[pl.ds(base, _BPW)])


_pool = pl.kernel(
    out_type=jax.ShapeDtypeStruct((_BATCH, _EMB), jnp.float32),
    mesh=plsc.VectorSubcoreMesh(core_axis_name="c", subcore_axis_name="s",
                                num_cores=_NC, num_subcores=_NS),
    scratch_types=[
        pltpu.VMEM((_BPW * _SEQ,), jnp.int32),
        pltpu.VMEM((_DEPTH, _SEQ, _EMB), jnp.float32),
        pltpu.VMEM((_BPW, _EMB), jnp.float32),
        pltpu.SemaphoreType.DMA,
        pltpu.SemaphoreType.DMA,
        pltpu.SemaphoreType.DMA,
        pltpu.SemaphoreType.DMA,
        pltpu.SemaphoreType.DMA,
    ],
    compiler_params=pltpu.CompilerParams(use_tc_tiling_on_sc=False),
)(_pool_body)


def _linear_body(pooled_ref, wt_ref, b_ref, out_ref):
    out_ref[...] = (
        jnp.dot(pooled_ref[...], wt_ref[...],
                preferred_element_type=jnp.float32)
        + b_ref[...]
    )


def _linear(pooled, wt, b2):
    return pl.pallas_call(
        _linear_body,
        out_shape=jax.ShapeDtypeStruct((_BATCH, _CLS), jnp.float32),
    )(pooled, wt, b2)


def kernel(inputs, emb_table, W, b):
    pooled = _pool(inputs.reshape(-1), emb_table)
    return _linear(pooled, W.T, b[None, :])

# --- scband reference (transcript-rebuilt; emitter-appended) ---
"""Pipeline reference for scband-fast-text-12429635354675 (READ-ONLY COPY).

The authoritative reference and input builder live on the scoring server;
editing this copy changes nothing except your own understanding.
"""

import jax, jax.numpy as jnp
import numpy as np

VOCAB = 1000000
EMB = 64
BATCH = 4096
SEQ = 200
NUM_CLASSES = 5

def setup_inputs(seed: int = 0) -> dict:
    key = jax.random.key(seed)
    k1, k2, k3, k4 = jax.random.split(key, 4)
    inputs = jax.random.randint(k1, (BATCH, SEQ), 0, VOCAB, dtype=jnp.int64 if jax.config.jax_enable_x64 else jnp.int32).astype(jnp.int32)
    emb_table = jax.random.normal(k2, (VOCAB, EMB), dtype=jnp.float32) * 0.02
    # nn.Linear(EMB, 5): weight [5, EMB], bias [5]
    bound = 1.0 / np.sqrt(EMB)
    W = jax.random.uniform(k3, (NUM_CLASSES, EMB), dtype=jnp.float32, minval=-bound, maxval=bound)
    b = jax.random.uniform(k4, (NUM_CLASSES,), dtype=jnp.float32, minval=-bound, maxval=bound)
    return {"inputs": inputs, "emb_table": emb_table, "W": W, "b": b}

def reference(inputs, emb_table, W, b):
    # embedding lookup (SparseCore gather)
    emb = jnp.take(emb_table, inputs, axis=0)          # [B, S, EMB]
    pooled = jnp.mean(emb, axis=1)                      # [B, EMB]
    out = pooled @ W.T + b                              # [B, 5]
    return out

if __name__ == "__main__":
    import jax
    _d = setup_inputs()
    print(jax.jit(kernel)(*tuple(_d.values())))

</pallas_src>

<mosaic_0001>
#map = affine_map<(d0, d1) -> (0)>
#map1 = affine_map<(d0, d1) -> (0, 0)>
module attributes {stable_mosaic.version = 14 : i64} {
  func.func @_pool_body(%arg0: i32, %arg1: i32, %arg2: memref<819200xi32, #tpu.memory_space<hbm>>, %arg3: memref<1000000x64xf32, #tpu.memory_space<hbm>>, %arg4: memref<4096x64xf32, #tpu.memory_space<hbm>>, %arg5: memref<25600xi32, #tpu.memory_space<vmem>>, %arg6: memref<4x200x64xf32, #tpu.memory_space<vmem>>, %arg7: memref<128x64xf32, #tpu.memory_space<vmem>>, %arg8: memref<!tpu.dma_semaphore, #tpu.memory_space<semaphore_mem>>, %arg9: memref<!tpu.dma_semaphore, #tpu.memory_space<semaphore_mem>>, %arg10: memref<!tpu.dma_semaphore, #tpu.memory_space<semaphore_mem>>, %arg11: memref<!tpu.dma_semaphore, #tpu.memory_space<semaphore_mem>>, %arg12: memref<!tpu.dma_semaphore, #tpu.memory_space<semaphore_mem>>) attributes {dimension_semantics = [#tpu.dimension_semantics<core_parallel>, #tpu.dimension_semantics<subcore_parallel>], iteration_bounds = array<i64: 2, 16>, scalar_prefetch = 0 : i64, scratch_operands = 8 : i64, tpu.core_type = #tpu.core_type<sc_vector_subcore>, window_params = [{transform_indices = #map}, {transform_indices = #map1}, {transform_indices = #map1}]} {
    %mul3A = arith.constant 2 : i32
    %mul3A_0 = arith.muli %arg1, %mul3A : i32
    %add3A = arith.addi %mul3A_0, %arg0 : i32
    %mul3A_1 = arith.constant 128 : i32
    %mul3A_2 = arith.muli %add3A, %mul3A_1 : i32
    %mul3A_3 = arith.constant 200 : i32
    %mul3A_4 = arith.muli %mul3A_2, %mul3A_3 : i32
    %dma_start3A = tpu.memref_slice %arg2[%mul3A_4] : memref<819200xi32, #tpu.memory_space<hbm>> -> memref<25600xi32, #tpu.memory_space<hbm>>
    %dma_start3A_5 = tpu.memref_slice %arg2[%mul3A_4] : memref<819200xi32, #tpu.memory_space<hbm>> -> memref<25600xi32, #tpu.memory_space<hbm>>
    tpu.enqueue_dma source(%dma_start3A_5 : memref<25600xi32, #tpu.memory_space<hbm>>) target(%arg5 : memref<25600xi32, #tpu.memory_space<vmem>>) target_semaphore(%arg8 : memref<!tpu.dma_semaphore, #tpu.memory_space<semaphore_mem>>)
    %dma_wait3A = tpu.memref_slice %arg2[%mul3A_4] : memref<819200xi32, #tpu.memory_space<hbm>> -> memref<25600xi32, #tpu.memory_space<hbm>>
    %dma_wait3A_6 = tpu.memref_slice %arg2[%mul3A_4] : memref<819200xi32, #tpu.memory_space<hbm>> -> memref<25600xi32, #tpu.memory_space<hbm>>
    tpu.wait_dma2 semaphore(%arg8 : memref<!tpu.dma_semaphore, #tpu.memory_space<semaphore_mem>>) src(%dma_wait3A_6 : memref<25600xi32, #tpu.memory_space<hbm>>) dst(%arg5 : memref<25600xi32, #tpu.memory_space<vmem>>)
    %dma_start3A_7 = arith.constant 0 : i32
    %dma_start3A_8 = arith.constant 0 : i32
    %dma_start3A_9 = arith.constant 0 : i32
    %dma_start3A_10 = tpu.memref_slice %arg6[%dma_start3A_7, %dma_start3A_8, %dma_start3A_9] : memref<4x200x64xf32, #tpu.memory_space<vmem>> -> memref<1x200x64xf32, #tpu.memory_space<vmem>>
    %dma_start3A_11 = tpu.memref_squeeze %dma_start3A_10 : memref<1x200x64xf32, #tpu.memory_space<vmem>> -> memref<200x64xf32, #tpu.memory_space<vmem>>
    %dma_start3A_12 = arith.constant 0 : i32
    %dma_start3A_13 = tpu.memref_slice %arg5[%dma_start3A_12] : memref<25600xi32, #tpu.memory_space<vmem>> -> memref<200xi32, #tpu.memory_space<vmem>>
    %dma_start3A_14 = arith.constant 0 : i32
    %dma_start3A_15 = arith.constant 0 : i32
    %dma_start3A_16 = tpu.memref_slice %arg3[%dma_start3A_14, %dma_start3A_15] : memref<1000000x64xf32, #tpu.memory_space<hbm>> -> memref<1000000x64xf32, #tpu.memory_space<hbm>>
    tpu.enqueue_indirect_dma source(%dma_start3A_16 : memref<1000000x64xf32, #tpu.memory_space<hbm>>) target(%dma_start3A_11 : memref<200x64xf32, #tpu.memory_space<vmem>>) offsets(%dma_start3A_13 : memref<200xi32, #tpu.memory_space<vmem>>) semaphore(%arg9 : memref<!tpu.dma_semaphore, #tpu.memory_space<semaphore_mem>>)
    %dma_start3A_17 = arith.constant 1 : i32
    %dma_start3A_18 = arith.constant 0 : i32
    %dma_start3A_19 = arith.constant 0 : i32
    %dma_start3A_20 = tpu.memref_slice %arg6[%dma_start3A_17, %dma_start3A_18, %dma_start3A_19] : memref<4x200x64xf32, #tpu.memory_space<vmem>> -> memref<1x200x64xf32, #tpu.memory_space<vmem>>
    %dma_start3A_21 = tpu.memref_squeeze %dma_start3A_20 : memref<1x200x64xf32, #tpu.memory_space<vmem>> -> memref<200x64xf32, #tpu.memory_space<vmem>>
    %dma_start3A_22 = arith.constant 200 : i32
    %dma_start3A_23 = tpu.memref_slice %arg5[%dma_start3A_22] : memref<25600xi32, #tpu.memory_space<vmem>> -> memref<200xi32, #tpu.memory_space<vmem>>
    %dma_start3A_24 = arith.constant 0 : i32
    %dma_start3A_25 = arith.constant 0 : i32
    %dma_start3A_26 = tpu.memref_slice %arg3[%dma_start3A_24, %dma_start3A_25] : memref<1000000x64xf32, #tpu.memory_space<hbm>> -> memref<1000000x64xf32, #tpu.memory_space<hbm>>
    tpu.enqueue_indirect_dma source(%dma_start3A_26 : memref<1000000x64xf32, #tpu.memory_space<hbm>>) target(%dma_start3A_21 : memref<200x64xf32, #tpu.memory_space<vmem>>) offsets(%dma_start3A_23 : memref<200xi32, #tpu.memory_space<vmem>>) semaphore(%arg10 : memref<!tpu.dma_semaphore, #tpu.memory_space<semaphore_mem>>)
    %dma_start3A_27 = arith.constant 2 : i32
    %dma_start3A_28 = arith.constant 0 : i32
    %dma_start3A_29 = arith.constant 0 : i32
    %dma_start3A_30 = tpu.memref_slice %arg6[%dma_start3A_27, %dma_start3A_28, %dma_start3A_29] : memref<4x200x64xf32, #tpu.memory_space<vmem>> -> memref<1x200x64xf32, #tpu.memory_space<vmem>>
    %dma_start3A_31 = tpu.memref_squeeze %dma_start3A_30 : memref<1x200x64xf32, #tpu.memory_space<vmem>> -> memref<200x64xf32, #tpu.memory_space<vmem>>
    %dma_start3A_32 = arith.constant 400 : i32
    %dma_start3A_33 = tpu.memref_slice %arg5[%dma_start3A_32] : memref<25600xi32, #tpu.memory_space<vmem>> -> memref<200xi32, #tpu.memory_space<vmem>>
    %dma_start3A_34 = arith.constant 0 : i32
    %dma_start3A_35 = arith.constant 0 : i32
    %dma_start3A_36 = tpu.memref_slice %arg3[%dma_start3A_34, %dma_start3A_35] : memref<1000000x64xf32, #tpu.memory_space<hbm>> -> memref<1000000x64xf32, #tpu.memory_space<hbm>>
    tpu.enqueue_indirect_dma source(%dma_start3A_36 : memref<1000000x64xf32, #tpu.memory_space<hbm>>) target(%dma_start3A_31 : memref<200x64xf32, #tpu.memory_space<vmem>>) offsets(%dma_start3A_33 : memref<200xi32, #tpu.memory_space<vmem>>) semaphore(%arg11 : memref<!tpu.dma_semaphore, #tpu.memory_space<semaphore_mem>>)
    %dma_start3A_37 = arith.constant 3 : i32
    %dma_start3A_38 = arith.constant 0 : i32
    %dma_start3A_39 = arith.constant 0 : i32
    %dma_start3A_40 = tpu.memref_slice %arg6[%dma_start3A_37, %dma_start3A_38, %dma_start3A_39] : memref<4x200x64xf32, #tpu.memory_space<vmem>> -> memref<1x200x64xf32, #tpu.memory_space<vmem>>
    %dma_start3A_41 = tpu.memref_squeeze %dma_start3A_40 : memref<1x200x64xf32, #tpu.memory_space<vmem>> -> memref<200x64xf32, #tpu.memory_space<vmem>>
    %dma_start3A_42 = arith.constant 600 : i32
    %dma_start3A_43 = tpu.memref_slice %arg5[%dma_start3A_42] : memref<25600xi32, #tpu.memory_space<vmem>> -> memref<200xi32, #tpu.memory_space<vmem>>
    %dma_start3A_44 = arith.constant 0 : i32
    %dma_start3A_45 = arith.constant 0 : i32
    %dma_start3A_46 = tpu.memref_slice %arg3[%dma_start3A_44, %dma_start3A_45] : memref<1000000x64xf32, #tpu.memory_space<hbm>> -> memref<1000000x64xf32, #tpu.memory_space<hbm>>
    tpu.enqueue_indirect_dma source(%dma_start3A_46 : memref<1000000x64xf32, #tpu.memory_space<hbm>>) target(%dma_start3A_41 : memref<200x64xf32, #tpu.memory_space<vmem>>) offsets(%dma_start3A_43 : memref<200xi32, #tpu.memory_space<vmem>>) semaphore(%arg12 : memref<!tpu.dma_semaphore, #tpu.memory_space<semaphore_mem>>)
    %scan3A = arith.constant 0 : i32
    %scan3A_47 = arith.constant 0 : i32
    %scan3A_48 = arith.constant 32 : i32
    %scan3A_49 = arith.addi %scan3A_47, %scan3A_48 : i32
    %scan3A_50 = arith.constant 1 : i32
    %scan3A_51 = scf.for %scan3A_53 = %scan3A_47 to %scan3A_49 step %scan3A_50 iter_args(%scan3A_54 = %scan3A) -> (i32)  : i32 {
      %mul3A_55 = arith.constant 4 : i32
      %mul3A_56 = arith.muli %scan3A_53, %mul3A_55 : i32
      %add3A_57 = arith.constant 0 : i32
      %add3A_58 = arith.addi %mul3A_56, %add3A_57 : i32
      %mul3A_59 = arith.constant 200 : i32
      %mul3A_60 = arith.muli %add3A_58, %mul3A_59 : i32
      %dma_wait3A_61 = arith.constant 0 : i32
      %dma_wait3A_62 = arith.constant 0 : i32
      %dma_wait3A_63 = arith.constant 0 : i32
      %dma_wait3A_64 = tpu.memref_slice %arg6[%dma_wait3A_61, %dma_wait3A_62, %dma_wait3A_63] : memref<4x200x64xf32, #tpu.memory_space<vmem>> -> memref<1x200x64xf32, #tpu.memory_space<vmem>>
      %dma_wait3A_65 = tpu.memref_squeeze %dma_wait3A_64 : memref<1x200x64xf32, #tpu.memory_space<vmem>> -> memref<200x64xf32, #tpu.memory_space<vmem>>
      %dma_wait3A_66 = tpu.memref_slice %arg5[%mul3A_60] : memref<25600xi32, #tpu.memory_space<vmem>> -> memref<200xi32, #tpu.memory_space<vmem>>
      %dma_wait3A_67 = arith.constant 0 : i32
      %dma_wait3A_68 = arith.constant 0 : i32
      %dma_wait3A_69 = tpu.memref_slice %arg3[%dma_wait3A_67, %dma_wait3A_68] : memref<1000000x64xf32, #tpu.memory_space<hbm>> -> memref<1000000x64xf32, #tpu.memory_space<hbm>>
      tpu.wait_indirect_dma semaphore(%arg9 : memref<!tpu.dma_semaphore, #tpu.memory_space<semaphore_mem>>) src(%dma_wait3A_69 : memref<1000000x64xf32, #tpu.memory_space<hbm>>) dst(%dma_wait3A_65 : memref<200x64xf32, #tpu.memory_space<vmem>>)
      %broadcast_in_dim3A = arith.constant 0.000000e+00 : f32
      %broadcast_in_dim3A_70 = vector.broadcast %broadcast_in_dim3A : f32 to vector<16xf32>
      %parallel_loop3A = arith.constant 0 : i32
      %parallel_loop3A_71 = arith.constant 200 : i32
      %parallel_loop3A_72 = arith.constant 8 : i32
      %parallel_loop3A_73 = arith.constant 0 : i32
      %parallel_loop3A_74:8 = scf.for %parallel_loop3A_310 = %parallel_loop3A to %parallel_loop3A_71 step %parallel_loop3A_72 iter_args(%parallel_loop3A_311 = %broadcast_in_dim3A_70, %parallel_loop3A_312 = %broadcast_in_dim3A_70, %parallel_loop3A_313 = %broadcast_in_dim3A_70, %parallel_loop3A_314 = %broadcast_in_dim3A_70, %parallel_loop3A_315 = %broadcast_in_dim3A_70, %parallel_loop3A_316 = %broadcast_in_dim3A_70, %parallel_loop3A_317 = %broadcast_in_dim3A_70, %parallel_loop3A_318 = %broadcast_in_dim3A_70) -> (vector<16xf32>, vector<16xf32>, vector<16xf32>, vector<16xf32>, vector<16xf32>, vector<16xf32>, vector<16xf32>, vector<16xf32>)  : i32 {
        %parallel_loop3A_319 = arith.constant 0 : i32
        %parallel_loop3A_320 = arith.addi %parallel_loop3A_310, %parallel_loop3A_319 : i32
        %parallel_loop3A_321 = arith.constant 0 : i32
        %parallel_loop3A_322 = arith.constant 0 : i32
        %parallel_loop3A_323 = tpu.memref_slice %arg6[%parallel_loop3A_73, %parallel_loop3A_321, %parallel_loop3A_322] : memref<4x200x64xf32, #tpu.memory_space<vmem>> -> memref<1x200x64xf32, #tpu.memory_space<vmem>>
        %parallel_loop3A_324 = tpu.memref_squeeze %parallel_loop3A_323 : memref<1x200x64xf32, #tpu.memory_space<vmem>> -> memref<200x64xf32, #tpu.memory_space<vmem>>
        %parallel_loop3A_325 = arith.index_cast %parallel_loop3A_320 : i32 to index
        %parallel_loop3A_326 = arith.constant 0 : index
        %parallel_loop3A_327 = tpu.vector_load %parallel_loop3A_324[%parallel_loop3A_325, %parallel_loop3A_326] {strides = array<i32>} : memref<200x64xf32, #tpu.memory_space<vmem>>, vector<1x16xf32>,
        %parallel_loop3A_328 = vector.shape_cast %parallel_loop3A_327 : vector<1x16xf32> to vector<16xf32>
        %parallel_loop3A_329 = arith.addf %parallel_loop3A_311, %parallel_loop3A_328 : vector<16xf32>
        %parallel_loop3A_330 = arith.constant 0 : i32
        %parallel_loop3A_331 = arith.addi %parallel_loop3A_310, %parallel_loop3A_330 : i32
        %parallel_loop3A_332 = arith.constant 0 : i32
        %parallel_loop3A_333 = arith.constant 0 : i32
        %parallel_loop3A_334 = tpu.memref_slice %arg6[%parallel_loop3A_73, %parallel_loop3A_332, %parallel_loop3A_333] : memref<4x200x64xf32, #tpu.memory_space<vmem>> -> memref<1x200x64xf32, #tpu.memory_space<vmem>>
        %parallel_loop3A_335 = tpu.memref_squeeze %parallel_loop3A_334 : memref<1x200x64xf32, #tpu.memory_space<vmem>> -> memref<200x64xf32, #tpu.memory_space<vmem>>
        %parallel_loop3A_336 = arith.index_cast %parallel_loop3A_331 : i32 to index
        %parallel_loop3A_337 = arith.constant 16 : index
        %parallel_loop3A_338 = tpu.vector_load %parallel_loop3A_335[%parallel_loop3A_336, %parallel_loop3A_337] {strides = array<i32>} : memref<200x64xf32, #tpu.memory_space<vmem>>, vector<1x16xf32>,
        %parallel_loop3A_339 = vector.shape_cast %parallel_loop3A_338 : vector<1x16xf32> to vector<16xf32>
        %parallel_loop3A_340 = arith.addf %parallel_loop3A_312, %parallel_loop3A_339 : vector<16xf32>
        %parallel_loop3A_341 = arith.constant 0 : i32
        %parallel_loop3A_342 = arith.addi %parallel_loop3A_310, %parallel_loop3A_341 : i32
        %parallel_loop3A_343 = arith.constant 0 : i32
        %parallel_loop3A_344 = arith.constant 0 : i32
        %parallel_loop3A_345 = tpu.memref_slice %arg6[%parallel_loop3A_73, %parallel_loop3A_343, %parallel_loop3A_344] : memref<4x200x64xf32, #tpu.memory_space<vmem>> -> memref<1x200x64xf32, #tpu.memory_space<vmem>>
        %parallel_loop3A_346 = tpu.memref_squeeze %parallel_loop3A_345 : memref<1x200x64xf32, #tpu.memory_space<vmem>> -> memref<200x64xf32, #tpu.memory_space<vmem>>
        %parallel_loop3A_347 = arith.index_cast %parallel_loop3A_342 : i32 to index
        %parallel_loop3A_348 = arith.constant 32 : index
        %parallel_loop3A_349 = tpu.vector_load %parallel_loop3A_346[%parallel_loop3A_347, %parallel_loop3A_348] {strides = array<i32>} : memref<200x64xf32, #tpu.memory_space<vmem>>, vector<1x16xf32>,
        %parallel_loop3A_350 = vector.shape_cast %parallel_loop3A_349 : vector<1x16xf32> to vector<16xf32>
        %parallel_loop3A_351 = arith.addf %parallel_loop3A_313, %parallel_loop3A_350 : vector<16xf32>
        %parallel_loop3A_352 = arith.constant 0 : i32
        %parallel_loop3A_353 = arith.addi %parallel_loop3A_310, %parallel_loop3A_352 : i32
        %parallel_loop3A_354 = arith.constant 0 : i32
        %parallel_loop3A_355 = arith.constant 0 : i32
        %parallel_loop3A_356 = tpu.memref_slice %arg6[%parallel_loop3A_73, %parallel_loop3A_354, %parallel_loop3A_355] : memref<4x200x64xf32, #tpu.memory_space<vmem>> -> memref<1x200x64xf32, #tpu.memory_space<vmem>>
        %parallel_loop3A_357 = tpu.memref_squeeze %parallel_loop3A_356 : memref<1x200x64xf32, #tpu.memory_space<vmem>> -> memref<200x64xf32, #tpu.memory_space<vmem>>
        %parallel_loop3A_358 = arith.index_cast %parallel_loop3A_353 : i32 to index
        %parallel_loop3A_359 = arith.constant 48 : index
        %parallel_loop3A_360 = tpu.vector_load %parallel_loop3A_357[%parallel_loop3A_358, %parallel_loop3A_359] {strides = array<i32>} : memref<200x64xf32, #tpu.memory_space<vmem>>, vector<1x16xf32>,
        %parallel_loop3A_361 = vector.shape_cast %parallel_loop3A_360 : vector<1x16xf32> to vector<16xf32>
        %parallel_loop3A_362 = arith.addf %parallel_loop3A_314, %parallel_loop3A_361 : vector<16xf32>
        %parallel_loop3A_363 = arith.constant 1 : i32
        %parallel_loop3A_364 = arith.addi %parallel_loop3A_310, %parallel_loop3A_363 : i32
        %parallel_loop3A_365 = arith.constant 0 : i32
        %parallel_loop3A_366 = arith.constant 0 : i32
        %parallel_loop3A_367 = tpu.memref_slice %arg6[%parallel_loop3A_73, %parallel_loop3A_365, %parallel_loop3A_366] : memref<4x200x64xf32, #tpu.memory_space<vmem>> -> memref<1x200x64xf32, #tpu.memory_space<vmem>>
        %parallel_loop3A_368 = tpu.memref_squeeze %parallel_loop3A_367 : memref<1x200x64xf32, #tpu.memory_space<vmem>> -> memref<200x64xf32, #tpu.memory_space<vmem>>
        %parallel_loop3A_369 = arith.index_cast %parallel_loop3A_364 : i32 to index
        %parallel_loop3A_370 = arith.constant 0 : index
        %parallel_loop3A_371 = tpu.vector_load %parallel_loop3A_368[%parallel_loop3A_369, %parallel_loop3A_370] {strides = array<i32>} : memref<200x64xf32, #tpu.memory_space<vmem>>, vector<1x16xf32>,
        %parallel_loop3A_372 = vector.shape_cast %parallel_loop3A_371 : vector<1x16xf32> to vector<16xf32>
        %parallel_loop3A_373 = arith.addf %parallel_loop3A_315, %parallel_loop3A_372 : vector<16xf32>
        %parallel_loop3A_374 = arith.constant 1 : i32
        %parallel_loop3A_375 = arith.addi %parallel_loop3A_310, %parallel_loop3A_374 : i32
        %parallel_loop3A_376 = arith.constant 0 : i32
        %parallel_loop3A_377 = arith.constant 0 : i32
        %parallel_loop3A_378 = tpu.memref_slice %arg6[%parallel_loop3A_73, %parallel_loop3A_376, %parallel_loop3A_377] : memref<4x200x64xf32, #tpu.memory_space<vmem>> -> memref<1x200x64xf32, #tpu.memory_space<vmem>>
        %parallel_loop3A_379 = tpu.memref_squeeze %parallel_loop3A_378 : memref<1x200x64xf32, #tpu.memory_space<vmem>> -> memref<200x64xf32, #tpu.memory_space<vmem>>
        %parallel_loop3A_380 = arith.index_cast %parallel_loop3A_375 : i32 to index
        %parallel_loop3A_381 = arith.constant 16 : index
        %parallel_loop3A_382 = tpu.vector_load %parallel_loop3A_379[%parallel_loop3A_380, %parallel_loop3A_381] {strides = array<i32>} : memref<200x64xf32, #tpu.memory_space<vmem>>, vector<1x16xf32>,
        %parallel_loop3A_383 = vector.shape_cast %parallel_loop3A_382 : vector<1x16xf32> to vector<16xf32>
        %parallel_loop3A_384 = arith.addf %parallel_loop3A_316, %parallel_loop3A_383 : vector<16xf32>
        %parallel_loop3A_385 = arith.constant 1 : i32
        %parallel_loop3A_386 = arith.addi %parallel_loop3A_310, %parallel_loop3A_385 : i32
        %parallel_loop3A_387 = arith.constant 0 : i32
        %parallel_loop3A_388 = arith.constant 0 : i32
        %parallel_loop3A_389 = tpu.memref_slice %arg6[%parallel_loop3A_73, %parallel_loop3A_387, %parallel_loop3A_388] : memref<4x200x64xf32, #tpu.memory_space<vmem>> -> memref<1x200x64xf32, #tpu.memory_space<vmem>>
        %parallel_loop3A_390 = tpu.memref_squeeze %parallel_loop3A_389 : memref<1x200x64xf32, #tpu.memory_space<vmem>> -> memref<200x64xf32, #tpu.memory_space<vmem>>
        %parallel_loop3A_391 = arith.index_cast %parallel_loop3A_386 : i32 to index
        %parallel_loop3A_392 = arith.constant 32 : index
        %parallel_loop3A_393 = tpu.vector_load %parallel_loop3A_390[%parallel_loop3A_391, %parallel_loop3A_392] {strides = array<i32>} : memref<200x64xf32, #tpu.memory_space<vmem>>, vector<1x16xf32>,
        %parallel_loop3A_394 = vector.shape_cast %parallel_loop3A_393 : vector<1x16xf32> to vector<16xf32>
        %parallel_loop3A_395 = arith.addf %parallel_loop3A_317, %parallel_loop3A_394 : vector<16xf32>
        %parallel_loop3A_396 = arith.constant 1 : i32
        %parallel_loop3A_397 = arith.addi %parallel_loop3A_310, %parallel_loop3A_396 : i32
        %parallel_loop3A_398 = arith.constant 0 : i32
        %parallel_loop3A_399 = arith.constant 0 : i32
        %parallel_loop3A_400 = tpu.memref_slice %arg6[%parallel_loop3A_73, %parallel_loop3A_398, %parallel_loop3A_399] : memref<4x200x64xf32, #tpu.memory_space<vmem>> -> memref<1x200x64xf32, #tpu.memory_space<vmem>>
        %parallel_loop3A_401 = tpu.memref_squeeze %parallel_loop3A_400 : memref<1x200x64xf32, #tpu.memory_space<vmem>> -> memref<200x64xf32, #tpu.memory_space<vmem>>
        %parallel_loop3A_402 = arith.index_cast %parallel_loop3A_397 : i32 to index
        %parallel_loop3A_403 = arith.constant 48 : index
        %parallel_loop3A_404 = tpu.vector_load %parallel_loop3A_401[%parallel_loop3A_402, %parallel_loop3A_403] {strides = array<i32>} : memref<200x64xf32, #tpu.memory_space<vmem>>, vector<1x16xf32>,
        %parallel_loop3A_405 = vector.shape_cast %parallel_loop3A_404 : vector<1x16xf32> to vector<16xf32>
        %parallel_loop3A_406 = arith.addf %parallel_loop3A_318, %parallel_loop3A_405 : vector<16xf32>
        %parallel_loop3A_407 = arith.constant 2 : i32
        %parallel_loop3A_408 = arith.addi %parallel_loop3A_310, %parallel_loop3A_407 : i32
        %parallel_loop3A_409 = arith.constant 0 : i32
        %parallel_loop3A_410 = arith.constant 0 : i32
        %parallel_loop3A_411 = tpu.memref_slice %arg6[%parallel_loop3A_73, %parallel_loop3A_409, %parallel_loop3A_410] : memref<4x200x64xf32, #tpu.memory_space<vmem>> -> memref<1x200x64xf32, #tpu.memory_space<vmem>>
        %parallel_loop3A_412 = tpu.memref_squeeze %parallel_loop3A_411 : memref<1x200x64xf32, #tpu.memory_space<vmem>> -> memref<200x64xf32, #tpu.memory_space<vmem>>
        %parallel_loop3A_413 = arith.index_cast %parallel_loop3A_408 : i32 to index
        %parallel_loop3A_414 = arith.constant 0 : index
        %parallel_loop3A_415 = tpu.vector_load %parallel_loop3A_412[%parallel_loop3A_413, %parallel_loop3A_414] {strides = array<i32>} : memref<200x64xf32, #tpu.memory_space<vmem>>, vector<1x16xf32>,
        %parallel_loop3A_416 = vector.shape_cast %parallel_loop3A_415 : vector<1x16xf32> to vector<16xf32>
        %parallel_loop3A_417 = arith.addf %parallel_loop3A_329, %parallel_loop3A_416 : vector<16xf32>
        %parallel_loop3A_418 = arith.constant 2 : i32
        %parallel_loop3A_419 = arith.addi %parallel_loop3A_310, %parallel_loop3A_418 : i32
        %parallel_loop3A_420 = arith.constant 0 : i32
        %parallel_loop3A_421 = arith.constant 0 : i32
        %parallel_loop3A_422 = tpu.memref_slice %arg6[%parallel_loop3A_73, %parallel_loop3A_420, %parallel_loop3A_421] : memref<4x200x64xf32, #tpu.memory_space<vmem>> -> memref<1x200x64xf32, #tpu.memory_space<vmem>>
        %parallel_loop3A_423 = tpu.memref_squeeze %parallel_loop3A_422 : memref<1x200x64xf32, #tpu.memory_space<vmem>> -> memref<200x64xf32, #tpu.memory_space<vmem>>
        %parallel_loop3A_424 = arith.index_cast %parallel_loop3A_419 : i32 to index
        %parallel_loop3A_425 = arith.constant 16 : index
        %parallel_loop3A_426 = tpu.vector_load %parallel_loop3A_423[%parallel_loop3A_424, %parallel_loop3A_425] {strides = array<i32>} : memref<200x64xf32, #tpu.memory_space<vmem>>, vector<1x16xf32>,
        %parallel_loop3A_427 = vector.shape_cast %parallel_loop3A_426 : vector<1x16xf32> to vector<16xf32>
        %parallel_loop3A_428 = arith.addf %parallel_loop3A_340, %parallel_loop3A_427 : vector<16xf32>
        %parallel_loop3A_429 = arith.constant 2 : i32
        %parallel_loop3A_430 = arith.addi %parallel_loop3A_310, %parallel_loop3A_429 : i32
        %parallel_loop3A_431 = arith.constant 0 : i32
        %parallel_loop3A_432 = arith.constant 0 : i32
        %parallel_loop3A_433 = tpu.memref_slice %arg6[%parallel_loop3A_73, %parallel_loop3A_431, %parallel_loop3A_432] : memref<4x200x64xf32, #tpu.memory_space<vmem>> -> memref<1x200x64xf32, #tpu.memory_space<vmem>>
        %parallel_loop3A_434 = tpu.memref_squeeze %parallel_loop3A_433 : memref<1x200x64xf32, #tpu.memory_space<vmem>> -> memref<200x64xf32, #tpu.memory_space<vmem>>
        %parallel_loop3A_435 = arith.index_cast %parallel_loop3A_430 : i32 to index
        %parallel_loop3A_436 = arith.constant 32 : index
        %parallel_loop3A_437 = tpu.vector_load %parallel_loop3A_434[%parallel_loop3A_435, %parallel_loop3A_436] {strides = array<i32>} : memref<200x64xf32, #tpu.memory_space<vmem>>, vector<1x16xf32>,
        %parallel_loop3A_438 = vector.shape_cast %parallel_loop3A_437 : vector<1x16xf32> to vector<16xf32>
        %parallel_loop3A_439 = arith.addf %parallel_loop3A_351, %parallel_loop3A_438 : vector<16xf32>
        %parallel_loop3A_440 = arith.constant 2 : i32
        %parallel_loop3A_441 = arith.addi %parallel_loop3A_310, %parallel_loop3A_440 : i32
        %parallel_loop3A_442 = arith.constant 0 : i32
        %parallel_loop3A_443 = arith.constant 0 : i32
        %parallel_loop3A_444 = tpu.memref_slice %arg6[%parallel_loop3A_73, %parallel_loop3A_442, %parallel_loop3A_443] : memref<4x200x64xf32, #tpu.memory_space<vmem>> -> memref<1x200x64xf32, #tpu.memory_space<vmem>>
        %parallel_loop3A_445 = tpu.memref_squeeze %parallel_loop3A_444 : memref<1x200x64xf32, #tpu.memory_space<vmem>> -> memref<200x64xf32, #tpu.memory_space<vmem>>
        %parallel_loop3A_446 = arith.index_cast %parallel_loop3A_441 : i32 to index
        %parallel_loop3A_447 = arith.constant 48 : index
        %parallel_loop3A_448 = tpu.vector_load %parallel_loop3A_445[%parallel_loop3A_446, %parallel_loop3A_447] {strides = array<i32>} : memref<200x64xf32, #tpu.memory_space<vmem>>, vector<1x16xf32>,
        %parallel_loop3A_449 = vector.shape_cast %parallel_loop3A_448 : vector<1x16xf32> to vector<16xf32>
        %parallel_loop3A_450 = arith.addf %parallel_loop3A_362, %parallel_loop3A_449 : vector<16xf32>
        %parallel_loop3A_451 = arith.constant 3 : i32
        %parallel_loop3A_452 = arith.addi %parallel_loop3A_310, %parallel_loop3A_451 : i32
        %parallel_loop3A_453 = arith.constant 0 : i32
        %parallel_loop3A_454 = arith.constant 0 : i32
        %parallel_loop3A_455 = tpu.memref_slice %arg6[%parallel_loop3A_73, %parallel_loop3A_453, %parallel_loop3A_454] : memref<4x200x64xf32, #tpu.memory_space<vmem>> -> memref<1x200x64xf32, #tpu.memory_space<vmem>>
        %parallel_loop3A_456 = tpu.memref_squeeze %parallel_loop3A_455 : memref<1x200x64xf32, #tpu.memory_space<vmem>> -> memref<200x64xf32, #tpu.memory_space<vmem>>
        %parallel_loop3A_457 = arith.index_cast %parallel_loop3A_452 : i32 to index
        %parallel_loop3A_458 = arith.constant 0 : index
        %parallel_loop3A_459 = tpu.vector_load %parallel_loop3A_456[%parallel_loop3A_457, %parallel_loop3A_458] {strides = array<i32>} : memref<200x64xf32, #tpu.memory_space<vmem>>, vector<1x16xf32>,
        %parallel_loop3A_460 = vector.shape_cast %parallel_loop3A_459 : vector<1x16xf32> to vector<16xf32>
        %parallel_loop3A_461 = arith.addf %parallel_loop3A_373, %parallel_loop3A_460 : vector<16xf32>
        %parallel_loop3A_462 = arith.constant 3 : i32
        %parallel_loop3A_463 = arith.addi %parallel_loop3A_310, %parallel_loop3A_462 : i32
        %parallel_loop3A_464 = arith.constant 0 : i32
        %parallel_loop3A_465 = arith.constant 0 : i32
        %parallel_loop3A_466 = tpu.memref_slice %arg6[%parallel_loop3A_73, %parallel_loop3A_464, %parallel_loop3A_465] : memref<4x200x64xf32, #tpu.memory_space<vmem>> -> memref<1x200x64xf32, #tpu.memory_space<vmem>>
        %parallel_loop3A_467 = tpu.memref_squeeze %parallel_loop3A_466 : memref<1x200x64xf32, #tpu.memory_space<vmem>> -> memref<200x64xf32, #tpu.memory_space<vmem>>
        %parallel_loop3A_468 = arith.index_cast %parallel_loop3A_463 : i32 to index
        %parallel_loop3A_469 = arith.constant 16 : index
        %parallel_loop3A_470 = tpu.vector_load %parallel_loop3A_467[%parallel_loop3A_468, %parallel_loop3A_469] {strides = array<i32>} : memref<200x64xf32, #tpu.memory_space<vmem>>, vector<1x16xf32>,
        %parallel_loop3A_471 = vector.shape_cast %parallel_loop3A_470 : vector<1x16xf32> to vector<16xf32>
        %parallel_loop3A_472 = arith.addf %parallel_loop3A_384, %parallel_loop3A_471 : vector<16xf32>
        %parallel_loop3A_473 = arith.constant 3 : i32
        %parallel_loop3A_474 = arith.addi %parallel_loop3A_310, %parallel_loop3A_473 : i32
        %parallel_loop3A_475 = arith.constant 0 : i32
        %parallel_loop3A_476 = arith.constant 0 : i32
        %parallel_loop3A_477 = tpu.memref_slice %arg6[%parallel_loop3A_73, %parallel_loop3A_475, %parallel_loop3A_476] : memref<4x200x64xf32, #tpu.memory_space<vmem>> -> memref<1x200x64xf32, #tpu.memory_space<vmem>>
        %parallel_loop3A_478 = tpu.memref_squeeze %parallel_loop3A_477 : memref<1x200x64xf32, #tpu.memory_space<vmem>> -> memref<200x64xf32, #tpu.memory_space<vmem>>
        %parallel_loop3A_479 = arith.index_cast %parallel_loop3A_474 : i32 to index
        %parallel_loop3A_480 = arith.constant 32 : index
        %parallel_loop3A_481 = tpu.vector_load %parallel_loop3A_478[%parallel_loop3A_479, %parallel_loop3A_480] {strides = array<i32>} : memref<200x64xf32, #tpu.memory_space<vmem>>, vector<1x16xf32>,
        %parallel_loop3A_482 = vector.shape_cast %parallel_loop3A_481 : vector<1x16xf32> to vector<16xf32>
        %parallel_loop3A_483 = arith.addf %parallel_loop3A_395, %parallel_loop3A_482 : vector<16xf32>
        %parallel_loop3A_484 = arith.constant 3 : i32
        %parallel_loop3A_485 = arith.addi %parallel_loop3A_310, %parallel_loop3A_484 : i32
        %parallel_loop3A_486 = arith.constant 0 : i32
        %parallel_loop3A_487 = arith.constant 0 : i32
        %parallel_loop3A_488 = tpu.memref_slice %arg6[%parallel_loop3A_73, %parallel_loop3A_486, %parallel_loop3A_487] : memref<4x200x64xf32, #tpu.memory_space<vmem>> -> memref<1x200x64xf32, #tpu.memory_space<vmem>>
        %parallel_loop3A_489 = tpu.memref_squeeze %parallel_loop3A_488 : memref<1x200x64xf32, #tpu.memory_space<vmem>> -> memref<200x64xf32, #tpu.memory_space<vmem>>
        %parallel_loop3A_490 = arith.index_cast %parallel_loop3A_485 : i32 to index
        %parallel_loop3A_491 = arith.constant 48 : index
        %parallel_loop3A_492 = tpu.vector_load %parallel_loop3A_489[%parallel_loop3A_490, %parallel_loop3A_491] {strides = array<i32>} : memref<200x64xf32, #tpu.memory_space<vmem>>, vector<1x16xf32>,
        %parallel_loop3A_493 = vector.shape_cast %parallel_loop3A_492 : vector<1x16xf32> to vector<16xf32>
        %parallel_loop3A_494 = arith.addf %parallel_loop3A_406, %parallel_loop3A_493 : vector<16xf32>
        %parallel_loop3A_495 = arith.constant 4 : i32
        %parallel_loop3A_496 = arith.addi %parallel_loop3A_310, %parallel_loop3A_495 : i32
        %parallel_loop3A_497 = arith.constant 0 : i32
        %parallel_loop3A_498 = arith.constant 0 : i32
        %parallel_loop3A_499 = tpu.memref_slice %arg6[%parallel_loop3A_73, %parallel_loop3A_497, %parallel_loop3A_498] : memref<4x200x64xf32, #tpu.memory_space<vmem>> -> memref<1x200x64xf32, #tpu.memory_space<vmem>>
        %parallel_loop3A_500 = tpu.memref_squeeze %parallel_loop3A_499 : memref<1x200x64xf32, #tpu.memory_space<vmem>> -> memref<200x64xf32, #tpu.memory_space<vmem>>
        %parallel_loop3A_501 = arith.index_cast %parallel_loop3A_496 : i32 to index
        %parallel_loop3A_502 = arith.constant 0 : index
        %parallel_loop3A_503 = tpu.vector_load %parallel_loop3A_500[%parallel_loop3A_501, %parallel_loop3A_502] {strides = array<i32>} : memref<200x64xf32, #tpu.memory_space<vmem>>, vector<1x16xf32>,
        %parallel_loop3A_504 = vector.shape_cast %parallel_loop3A_503 : vector<1x16xf32> to vector<16xf32>
        %parallel_loop3A_505 = arith.addf %parallel_loop3A_417, %parallel_loop3A_504 : vector<16xf32>
        %parallel_loop3A_506 = arith.constant 4 : i32
        %parallel_loop3A_507 = arith.addi %parallel_loop3A_310, %parallel_loop3A_506 : i32
        %parallel_loop3A_508 = arith.constant 0 : i32
        %parallel_loop3A_509 = arith.constant 0 : i32
        %parallel_loop3A_510 = tpu.memref_slice %arg6[%parallel_loop3A_73, %parallel_loop3A_508, %parallel_loop3A_509] : memref<4x200x64xf32, #tpu.memory_space<vmem>> -> memref<1x200x64xf32, #tpu.memory_space<vmem>>
        %parallel_loop3A_511 = tpu.memref_squeeze %parallel_loop3A_510 : memref<1x200x64xf32, #tpu.memory_space<vmem>> -> memref<200x64xf32, #tpu.memory_space<vmem>>
        %parallel_loop3A_512 = arith.index_cast %parallel_loop3A_507 : i32 to index
        %parallel_loop3A_513 = arith.constant 16 : index
        %parallel_loop3A_514 = tpu.vector_load %parallel_loop3A_511[%parallel_loop3A_512, %parallel_loop3A_513] {strides = array<i32>} : memref<200x64xf32, #tpu.memory_space<vmem>>, vector<1x16xf32>,
        %parallel_loop3A_515 = vector.shape_cast %parallel_loop3A_514 : vector<1x16xf32> to vector<16xf32>
        %parallel_loop3A_516 = arith.addf %parallel_loop3A_428, %parallel_loop3A_515 : vector<16xf32>
        %parallel_loop3A_517 = arith.constant 4 : i32
        %parallel_loop3A_518 = arith.addi %parallel_loop3A_310, %parallel_loop3A_517 : i32
        %parallel_loop3A_519 = arith.constant 0 : i32
        %parallel_loop3A_520 = arith.constant 0 : i32
        %parallel_loop3A_521 = tpu.memref_slice %arg6[%parallel_loop3A_73, %parallel_loop3A_519, %parallel_loop3A_520] : memref<4x200x64xf32, #tpu.memory_space<vmem>> -> memref<1x200x64xf32, #tpu.memory_space<vmem>>
        %parallel_loop3A_522 = tpu.memref_squeeze %parallel_loop3A_521 : memref<1x200x64xf32, #tpu.memory_space<vmem>> -> memref<200x64xf32, #tpu.memory_space<vmem>>
        %parallel_loop3A_523 = arith.index_cast %parallel_loop3A_518 : i32 to index
        %parallel_loop3A_524 = arith.constant 32 : index
        %parallel_loop3A_525 = tpu.vector_load %parallel_loop3A_522[%parallel_loop3A_523, %parallel_loop3A_524] {strides = array<i32>} : memref<200x64xf32, #tpu.memory_space<vmem>>, vector<1x16xf32>,
        %parallel_loop3A_526 = vector.shape_cast %parallel_loop3A_525 : vector<1x16xf32> to vector<16xf32>
        %parallel_loop3A_527 = arith.addf %parallel_loop3A_439, %parallel_loop3A_526 : vector<16xf32>
        %parallel_loop3A_528 = arith.constant 4 : i32
        %parallel_loop3A_529 = arith.addi %parallel_loop3A_310, %parallel_loop3A_528 : i32
        %parallel_loop3A_530 = arith.constant 0 : i32
        %parallel_loop3A_531 = arith.constant 0 : i32
        %parallel_loop3A_532 = tpu.memref_slice %arg6[%parallel_loop3A_73, %parallel_loop3A_530, %parallel_loop3A_531] : memref<4x200x64xf32, #tpu.memory_space<vmem>> -> memref<1x200x64xf32, #tpu.memory_space<vmem>>
        %parallel_loop3A_533 = tpu.memref_squeeze %parallel_loop3A_532 : memref<1x200x64xf32, #tpu.memory_space<vmem>> -> memref<200x64xf32, #tpu.memory_space<vmem>>
        %parallel_loop3A_534 = arith.index_cast %parallel_loop3A_529 : i32 to index
        %parallel_loop3A_535 = arith.constant 48 : index
        %parallel_loop3A_536 = tpu.vector_load %parallel_loop3A_533[%parallel_loop3A_534, %parallel_loop3A_535] {strides = array<i32>} : memref<200x64xf32, #tpu.memory_space<vmem>>, vector<1x16xf32>,
        %parallel_loop3A_537 = vector.shape_cast %parallel_loop3A_536 : vector<1x16xf32> to vector<16xf32>
        %parallel_loop3A_538 = arith.addf %parallel_loop3A_450, %parallel_loop3A_537 : vector<16xf32>
        %parallel_loop3A_539 = arith.constant 5 : i32
        %parallel_loop3A_540 = arith.addi %parallel_loop3A_310, %parallel_loop3A_539 : i32
        %parallel_loop3A_541 = arith.constant 0 : i32
        %parallel_loop3A_542 = arith.constant 0 : i32
        %parallel_loop3A_543 = tpu.memref_slice %arg6[%parallel_loop3A_73, %parallel_loop3A_541, %parallel_loop3A_542] : memref<4x200x64xf32, #tpu.memory_space<vmem>> -> memref<1x200x64xf32, #tpu.memory_space<vmem>>
        %parallel_loop3A_544 = tpu.memref_squeeze %parallel_loop3A_543 : memref<1x200x64xf32, #tpu.memory_space<vmem>> -> memref<200x64xf32, #tpu.memory_space<vmem>>
        %parallel_loop3A_545 = arith.index_cast %parallel_loop3A_540 : i32 to index
        %parallel_loop3A_546 = arith.constant 0 : index
        %parallel_loop3A_547 = tpu.vector_load %parallel_loop3A_544[%parallel_loop3A_545, %parallel_loop3A_546] {strides = array<i32>} : memref<200x64xf32, #tpu.memory_space<vmem>>, vector<1x16xf32>,
        %parallel_loop3A_548 = vector.shape_cast %parallel_loop3A_547 : vector<1x16xf32> to vector<16xf32>
        %parallel_loop3A_549 = arith.addf %parallel_loop3A_461, %parallel_loop3A_548 : vector<16xf32>
        %parallel_loop3A_550 = arith.constant 5 : i32
        %parallel_loop3A_551 = arith.addi %parallel_loop3A_310, %parallel_loop3A_550 : i32
        %parallel_loop3A_552 = arith.constant 0 : i32
        %parallel_loop3A_553 = arith.constant 0 : i32
        %parallel_loop3A_554 = tpu.memref_slice %arg6[%parallel_loop3A_73, %parallel_loop3A_552, %parallel_loop3A_553] : memref<4x200x64xf32, #tpu.memory_space<vmem>> -> memref<1x200x64xf32, #tpu.memory_space<vmem>>
        %parallel_loop3A_555 = tpu.memref_squeeze %parallel_loop3A_554 : memref<1x200x64xf32, #tpu.memory_space<vmem>> -> memref<200x64xf32, #tpu.memory_space<vmem>>
        %parallel_loop3A_556 = arith.index_cast %parallel_loop3A_551 : i32 to index
        %parallel_loop3A_557 = arith.constant 16 : index
        %parallel_loop3A_558 = tpu.vector_load %parallel_loop3A_555[%parallel_loop3A_556, %parallel_loop3A_557] {strides = array<i32>} : memref<200x64xf32, #tpu.memory_space<vmem>>, vector<1x16xf32>,
        %parallel_loop3A_559 = vector.shape_cast %parallel_loop3A_558 : vector<1x16xf32> to vector<16xf32>
        %parallel_loop3A_560 = arith.addf %parallel_loop3A_472, %parallel_loop3A_559 : vector<16xf32>
        %parallel_loop3A_561 = arith.constant 5 : i32
        %parallel_loop3A_562 = arith.addi %parallel_loop3A_310, %parallel_loop3A_561 : i32
        %parallel_loop3A_563 = arith.constant 0 : i32
        %parallel_loop3A_564 = arith.constant 0 : i32
        %parallel_loop3A_565 = tpu.memref_slice %arg6[%parallel_loop3A_73, %parallel_loop3A_563, %parallel_loop3A_564] : memref<4x200x64xf32, #tpu.memory_space<vmem>> -> memref<1x200x64xf32, #tpu.memory_space<vmem>>
        %parallel_loop3A_566 = tpu.memref_squeeze %parallel_loop3A_565 : memref<1x200x64xf32, #tpu.memory_space<vmem>> -> memref<200x64xf32, #tpu.memory_space<vmem>>
        %parallel_loop3A_567 = arith.index_cast %parallel_loop3A_562 : i32 to index
        %parallel_loop3A_568 = arith.constant 32 : index
        %parallel_loop3A_569 = tpu.vector_load %parallel_loop3A_566[%parallel_loop3A_567, %parallel_loop3A_568] {strides = array<i32>} : memref<200x64xf32, #tpu.memory_space<vmem>>, vector<1x16xf32>,
        %parallel_loop3A_570 = vector.shape_cast %parallel_loop3A_569 : vector<1x16xf32> to vector<16xf32>
        %parallel_loop3A_571 = arith.addf %parallel_loop3A_483, %parallel_loop3A_570 : vector<16xf32>
        %parallel_loop3A_572 = arith.constant 5 : i32
        %parallel_loop3A_573 = arith.addi %parallel_loop3A_310, %parallel_loop3A_572 : i32
        %parallel_loop3A_574 = arith.constant 0 : i32
        %parallel_loop3A_575 = arith.constant 0 : i32
        %parallel_loop3A_576 = tpu.memref_slice %arg6[%parallel_loop3A_73, %parallel_loop3A_574, %parallel_loop3A_575] : memref<4x200x64xf32, #tpu.memory_space<vmem>> -> memref<1x200x64xf32, #tpu.memory_space<vmem>>
        %parallel_loop3A_577 = tpu.memref_squeeze %parallel_loop3A_576 : memref<1x200x64xf32, #tpu.memory_space<vmem>> -> memref<200x64xf32, #tpu.memory_space<vmem>>
        %parallel_loop3A_578 = arith.index_cast %parallel_loop3A_573 : i32 to index
        %parallel_loop3A_579 = arith.constant 48 : index
        %parallel_loop3A_580 = tpu.vector_load %parallel_loop3A_577[%parallel_loop3A_578, %parallel_loop3A_579] {strides = array<i32>} : memref<200x64xf32, #tpu.memory_space<vmem>>, vector<1x16xf32>,
        %parallel_loop3A_581 = vector.shape_cast %parallel_loop3A_580 : vector<1x16xf32> to vector<16xf32>
        %parallel_loop3A_582 = arith.addf %parallel_loop3A_494, %parallel_loop3A_581 : vector<16xf32>
        %parallel_loop3A_583 = arith.constant 6 : i32
        %parallel_loop3A_584 = arith.addi %parallel_loop3A_310, %parallel_loop3A_583 : i32
        %parallel_loop3A_585 = arith.constant 0 : i32
        %parallel_loop3A_586 = arith.constant 0 : i32
        %parallel_loop3A_587 = tpu.memref_slice %arg6[%parallel_loop3A_73, %parallel_loop3A_585, %parallel_loop3A_586] : memref<4x200x64xf32, #tpu.memory_space<vmem>> -> memref<1x200x64xf32, #tpu.memory_space<vmem>>
        %parallel_loop3A_588 = tpu.memref_squeeze %parallel_loop3A_587 : memref<1x200x64xf32, #tpu.memory_space<vmem>> -> memref<200x64xf32, #tpu.memory_space<vmem>>
        %parallel_loop3A_589 = arith.index_cast %parallel_loop3A_584 : i32 to index
        %parallel_loop3A_590 = arith.constant 0 : index
        %parallel_loop3A_591 = tpu.vector_load %parallel_loop3A_588[%parallel_loop3A_589, %parallel_loop3A_590] {strides = array<i32>} : memref<200x64xf32, #tpu.memory_space<vmem>>, vector<1x16xf32>,
        %parallel_loop3A_592 = vector.shape_cast %parallel_loop3A_591 : vector<1x16xf32> to vector<16xf32>
        %parallel_loop3A_593 = arith.addf %parallel_loop3A_505, %parallel_loop3A_592 : vector<16xf32>
        %parallel_loop3A_594 = arith.constant 6 : i32
        %parallel_loop3A_595 = arith.addi %parallel_loop3A_310, %parallel_loop3A_594 : i32
        %parallel_loop3A_596 = arith.constant 0 : i32
        %parallel_loop3A_597 = arith.constant 0 : i32
        %parallel_loop3A_598 = tpu.memref_slice %arg6[%parallel_loop3A_73, %parallel_loop3A_596, %parallel_loop3A_597] : memref<4x200x64xf32, #tpu.memory_space<vmem>> -> memref<1x200x64xf32, #tpu.memory_space<vmem>>
        %parallel_loop3A_599 = tpu.memref_squeeze %parallel_loop3A_598 : memref<1x200x64xf32, #tpu.memory_space<vmem>> -> memref<200x64xf32, #tpu.memory_space<vmem>>
        %parallel_loop3A_600 = arith.index_cast %parallel_loop3A_595 : i32 to index
        %parallel_loop3A_601 = arith.constant 16 : index
        %parallel_loop3A_602 = tpu.vector_load %parallel_loop3A_599[%parallel_loop3A_600, %parallel_loop3A_601] {strides = array<i32>} : memref<200x64xf32, #tpu.memory_space<vmem>>, vector<1x16xf32>,
        %parallel_loop3A_603 = vector.shape_cast %parallel_loop3A_602 : vector<1x16xf32> to vector<16xf32>
        %parallel_loop3A_604 = arith.addf %parallel_loop3A_516, %parallel_loop3A_603 : vector<16xf32>
        %parallel_loop3A_605 = arith.constant 6 : i32
        %parallel_loop3A_606 = arith.addi %parallel_loop3A_310, %parallel_loop3A_605 : i32
        %parallel_loop3A_607 = arith.constant 0 : i32
        %parallel_loop3A_608 = arith.constant 0 : i32
        %parallel_loop3A_609 = tpu.memref_slice %arg6[%parallel_loop3A_73, %parallel_loop3A_607, %parallel_loop3A_608] : memref<4x200x64xf32, #tpu.memory_space<vmem>> -> memref<1x200x64xf32, #tpu.memory_space<vmem>>
        %parallel_loop3A_610 = tpu.memref_squeeze %parallel_loop3A_609 : memref<1x200x64xf32, #tpu.memory_space<vmem>> -> memref<200x64xf32, #tpu.memory_space<vmem>>
        %parallel_loop3A_611 = arith.index_cast %parallel_loop3A_606 : i32 to index
        %parallel_loop3A_612 = arith.constant 32 : index
        %parallel_loop3A_613 = tpu.vector_load %parallel_loop3A_610[%parallel_loop3A_611, %parallel_loop3A_612] {strides = array<i32>} : memref<200x64xf32, #tpu.memory_space<vmem>>, vector<1x16xf32>,
        %parallel_loop3A_614 = vector.shape_cast %parallel_loop3A_613 : vector<1x16xf32> to vector<16xf32>
        %parallel_loop3A_615 = arith.addf %parallel_loop3A_527, %parallel_loop3A_614 : vector<16xf32>
        %parallel_loop3A_616 = arith.constant 6 : i32
        %parallel_loop3A_617 = arith.addi %parallel_loop3A_310, %parallel_loop3A_616 : i32
        %parallel_loop3A_618 = arith.constant 0 : i32
        %parallel_loop3A_619 = arith.constant 0 : i32
        %parallel_loop3A_620 = tpu.memref_slice %arg6[%parallel_loop3A_73, %parallel_loop3A_618, %parallel_loop3A_619] : memref<4x200x64xf32, #tpu.memory_space<vmem>> -> memref<1x200x64xf32, #tpu.memory_space<vmem>>
        %parallel_loop3A_621 = tpu.memref_squeeze %parallel_loop3A_620 : memref<1x200x64xf32, #tpu.memory_space<vmem>> -> memref<200x64xf32, #tpu.memory_space<vmem>>
        %parallel_loop3A_622 = arith.index_cast %parallel_loop3A_617 : i32 to index
        %parallel_loop3A_623 = arith.constant 48 : index
        %parallel_loop3A_624 = tpu.vector_load %parallel_loop3A_621[%parallel_loop3A_622, %parallel_loop3A_623] {strides = array<i32>} : memref<200x64xf32, #tpu.memory_space<vmem>>, vector<1x16xf32>,
        %parallel_loop3A_625 = vector.shape_cast %parallel_loop3A_624 : vector<1x16xf32> to vector<16xf32>
        %parallel_loop3A_626 = arith.addf %parallel_loop3A_538, %parallel_loop3A_625 : vector<16xf32>
        %parallel_loop3A_627 = arith.constant 7 : i32
        %parallel_loop3A_628 = arith.addi %parallel_loop3A_310, %parallel_loop3A_627 : i32
        %parallel_loop3A_629 = arith.constant 0 : i32
        %parallel_loop3A_630 = arith.constant 0 : i32
        %parallel_loop3A_631 = tpu.memref_slice %arg6[%parallel_loop3A_73, %parallel_loop3A_629, %parallel_loop3A_630] : memref<4x200x64xf32, #tpu.memory_space<vmem>> -> memref<1x200x64xf32, #tpu.memory_space<vmem>>
        %parallel_loop3A_632 = tpu.memref_squeeze %parallel_loop3A_631 : memref<1x200x64xf32, #tpu.memory_space<vmem>> -> memref<200x64xf32, #tpu.memory_space<vmem>>
        %parallel_loop3A_633 = arith.index_cast %parallel_loop3A_628 : i32 to index
        %parallel_loop3A_634 = arith.constant 0 : index
        %parallel_loop3A_635 = tpu.vector_load %parallel_loop3A_632[%parallel_loop3A_633, %parallel_loop3A_634] {strides = array<i32>} : memref<200x64xf32, #tpu.memory_space<vmem>>, vector<1x16xf32>,
        %parallel_loop3A_636 = vector.shape_cast %parallel_loop3A_635 : vector<1x16xf32> to vector<16xf32>
        %parallel_loop3A_637 = arith.addf %parallel_loop3A_549, %parallel_loop3A_636 : vector<16xf32>
        %parallel_loop3A_638 = arith.constant 7 : i32
        %parallel_loop3A_639 = arith.addi %parallel_loop3A_310, %parallel_loop3A_638 : i32
        %parallel_loop3A_640 = arith.constant 0 : i32
        %parallel_loop3A_641 = arith.constant 0 : i32
        %parallel_loop3A_642 = tpu.memref_slice %arg6[%parallel_loop3A_73, %parallel_loop3A_640, %parallel_loop3A_641] : memref<4x200x64xf32, #tpu.memory_space<vmem>> -> memref<1x200x64xf32, #tpu.memory_space<vmem>>
        %parallel_loop3A_643 = tpu.memref_squeeze %parallel_loop3A_642 : memref<1x200x64xf32, #tpu.memory_space<vmem>> -> memref<200x64xf32, #tpu.memory_space<vmem>>
        %parallel_loop3A_644 = arith.index_cast %parallel_loop3A_639 : i32 to index
        %parallel_loop3A_645 = arith.constant 16 : index
        %parallel_loop3A_646 = tpu.vector_load %parallel_loop3A_643[%parallel_loop3A_644, %parallel_loop3A_645] {strides = array<i32>} : memref<200x64xf32, #tpu.memory_space<vmem>>, vector<1x16xf32>,
        %parallel_loop3A_647 = vector.shape_cast %parallel_loop3A_646 : vector<1x16xf32> to vector<16xf32>
        %parallel_loop3A_648 = arith.addf %parallel_loop3A_560, %parallel_loop3A_647 : vector<16xf32>
        %parallel_loop3A_649 = arith.constant 7 : i32
        %parallel_loop3A_650 = arith.addi %parallel_loop3A_310, %parallel_loop3A_649 : i32
        %parallel_loop3A_651 = arith.constant 0 : i32
        %parallel_loop3A_652 = arith.constant 0 : i32
        %parallel_loop3A_653 = tpu.memref_slice %arg6[%parallel_loop3A_73, %parallel_loop3A_651, %parallel_loop3A_652] : memref<4x200x64xf32, #tpu.memory_space<vmem>> -> memref<1x200x64xf32, #tpu.memory_space<vmem>>
        %parallel_loop3A_654 = tpu.memref_squeeze %parallel_loop3A_653 : memref<1x200x64xf32, #tpu.memory_space<vmem>> -> memref<200x64xf32, #tpu.memory_space<vmem>>
        %parallel_loop3A_655 = arith.index_cast %parallel_loop3A_650 : i32 to index
        %parallel_loop3A_656 = arith.constant 32 : index
        %parallel_loop3A_657 = tpu.vector_load %parallel_loop3A_654[%parallel_loop3A_655, %parallel_loop3A_656] {strides = array<i32>} : memref<200x64xf32, #tpu.memory_space<vmem>>, vector<1x16xf32>,
        %parallel_loop3A_658 = vector.shape_cast %parallel_loop3A_657 : vector<1x16xf32> to vector<16xf32>
        %parallel_loop3A_659 = arith.addf %parallel_loop3A_571, %parallel_loop3A_658 : vector<16xf32>
        %parallel_loop3A_660 = arith.constant 7 : i32
        %parallel_loop3A_661 = arith.addi %parallel_loop3A_310, %parallel_loop3A_660 : i32
        %parallel_loop3A_662 = arith.constant 0 : i32
        %parallel_loop3A_663 = arith.constant 0 : i32
        %parallel_loop3A_664 = tpu.memref_slice %arg6[%parallel_loop3A_73, %parallel_loop3A_662, %parallel_loop3A_663] : memref<4x200x64xf32, #tpu.memory_space<vmem>> -> memref<1x200x64xf32, #tpu.memory_space<vmem>>
        %parallel_loop3A_665 = tpu.memref_squeeze %parallel_loop3A_664 : memref<1x200x64xf32, #tpu.memory_space<vmem>> -> memref<200x64xf32, #tpu.memory_space<vmem>>
        %parallel_loop3A_666 = arith.index_cast %parallel_loop3A_661 : i32 to index
        %parallel_loop3A_667 = arith.constant 48 : index
        %parallel_loop3A_668 = tpu.vector_load %parallel_loop3A_665[%parallel_loop3A_666, %parallel_loop3A_667] {strides = array<i32>} : memref<200x64xf32, #tpu.memory_space<vmem>>, vector<1x16xf32>,
        %parallel_loop3A_669 = vector.shape_cast %parallel_loop3A_668 : vector<1x16xf32> to vector<16xf32>
        %parallel_loop3A_670 = arith.addf %parallel_loop3A_582, %parallel_loop3A_669 : vector<16xf32>
        scf.yield %parallel_loop3A_593, %parallel_loop3A_604, %parallel_loop3A_615, %parallel_loop3A_626, %parallel_loop3A_637, %parallel_loop3A_648, %parallel_loop3A_659, %parallel_loop3A_670 : vector<16xf32>, vector<16xf32>, vector<16xf32>, vector<16xf32>, vector<16xf32>, vector<16xf32>, vector<16xf32>, vector<16xf32>
      } {sc.loop_unroll_factor = 1 : i64, sc.parallel_access}
      %add3A_75 = arith.addf %parallel_loop3A_74#0, %parallel_loop3A_74#4 : vector<16xf32>
      %mul3A_76 = arith.constant 5.000000e-03 : f32
      %mul3A_77 = vector.broadcast %mul3A_76 : f32 to vector<16xf32>
      %mul3A_78 = arith.mulf %add3A_75, %mul3A_77 : vector<16xf32>
      %swap3A = arith.index_cast %add3A_58 : i32 to index
      %swap3A_79 = arith.constant 0 : index
      %swap3A_80 = tpu.vector_load %arg7[%swap3A, %swap3A_79] {strides = array<i32>} : memref<128x64xf32, #tpu.memory_space<vmem>>, vector<1x16xf32>,
      %swap3A_81 = vector.shape_cast %swap3A_80 : vector<1x16xf32> to vector<16xf32>
      %swap3A_82 = vector.shape_cast %mul3A_78 : vector<16xf32> to vector<1x16xf32>
      tpu.vector_store %arg7[%swap3A, %swap3A_79], %swap3A_82 {strides = array<i32>} : memref<128x64xf32, #tpu.memory_space<vmem>>, vector<1x16xf32>,
      %add3A_83 = arith.addf %parallel_loop3A_74#1, %parallel_loop3A_74#5 : vector<16xf32>
      %mul3A_84 = arith.constant 5.000000e-03 : f32
      %mul3A_85 = vector.broadcast %mul3A_84 : f32 to vector<16xf32>
      %mul3A_86 = arith.mulf %add3A_83, %mul3A_85 : vector<16xf32>
      %swap3A_87 = arith.index_cast %add3A_58 : i32 to index
      %swap3A_88 = arith.constant 16 : index
      %swap3A_89 = tpu.vector_load %arg7[%swap3A_87, %swap3A_88] {strides = array<i32>} : memref<128x64xf32, #tpu.memory_space<vmem>>, vector<1x16xf32>,
      %swap3A_90 = vector.shape_cast %swap3A_89 : vector<1x16xf32> to vector<16xf32>
      %swap3A_91 = vector.shape_cast %mul3A_86 : vector<16xf32> to vector<1x16xf32>
      tpu.vector_store %arg7[%swap3A_87, %swap3A_88], %swap3A_91 {strides = array<i32>} : memref<128x64xf32, #tpu.memory_space<vmem>>, vector<1x16xf32>,
      %add3A_92 = arith.addf %parallel_loop3A_74#2, %parallel_loop3A_74#6 : vector<16xf32>
      %mul3A_93 = arith.constant 5.000000e-03 : f32
      %mul3A_94 = vector.broadcast %mul3A_93 : f32 to vector<16xf32>
      %mul3A_95 = arith.mulf %add3A_92, %mul3A_94 : vector<16xf32>
      %swap3A_96 = arith.index_cast %add3A_58 : i32 to index
      %swap3A_97 = arith.constant 32 : index
      %swap3A_98 = tpu.vector_load %arg7[%swap3A_96, %swap3A_97] {strides = array<i32>} : memref<128x64xf32, #tpu.memory_space<vmem>>, vector<1x16xf32>,
      %swap3A_99 = vector.shape_cast %swap3A_98 : vector<1x16xf32> to vector<16xf32>
      %swap3A_100 = vector.shape_cast %mul3A_95 : vector<16xf32> to vector<1x16xf32>
      tpu.vector_store %arg7[%swap3A_96, %swap3A_97], %swap3A_100 {strides = array<i32>} : memref<128x64xf32, #tpu.memory_space<vmem>>, vector<1x16xf32>,
      %add3A_101 = arith.addf %parallel_loop3A_74#3, %parallel_loop3A_74#7 : vector<16xf32>
      %mul3A_102 = arith.constant 5.000000e-03 : f32
      %mul3A_103 = vector.broadcast %mul3A_102 : f32 to vector<16xf32>
      %mul3A_104 = arith.mulf %add3A_101, %mul3A_103 : vector<16xf32>
      %swap3A_105 = arith.index_cast %add3A_58 : i32 to index
      %swap3A_106 = arith.constant 48 : index
      %swap3A_107 = tpu.vector_load %arg7[%swap3A_105, %swap3A_106] {strides = array<i32>} : memref<128x64xf32, #tpu.memory_space<vmem>>, vector<1x16xf32>,
      %swap3A_108 = vector.shape_cast %swap3A_107 : vector<1x16xf32> to vector<16xf32>
      %swap3A_109 = vector.shape_cast %mul3A_104 : vector<16xf32> to vector<1x16xf32>
      tpu.vector_store %arg7[%swap3A_105, %swap3A_106], %swap3A_109 {strides = array<i32>} : memref<128x64xf32, #tpu.memory_space<vmem>>, vector<1x16xf32>,
      %add3A_110 = arith.constant 4 : i32
      %add3A_111 = arith.addi %add3A_58, %add3A_110 : i32
      %lt3A = arith.constant 128 : i32
      %lt3A_112 = arith.cmpi slt, %add3A_111, %lt3A : i32
      %convert_element_type3A = arith.extui %lt3A_112 : i1 to i32
      %cond3A = arith.constant 0 : i32
      %cond3A_113 = arith.cmpi ne, %convert_element_type3A, %cond3A : i32
      scf.if %cond3A_113 {
        %add3A_310 = arith.constant 4 : i32
        %add3A_311 = arith.addi %add3A_58, %add3A_310 : i32
        %mul3A_312 = arith.constant 200 : i32
        %mul3A_313 = arith.muli %add3A_311, %mul3A_312 : i32
        %dma_start3A_314 = arith.constant 0 : i32
        %dma_start3A_315 = arith.constant 0 : i32
        %dma_start3A_316 = arith.constant 0 : i32
        %dma_start3A_317 = tpu.memref_slice %arg6[%dma_start3A_314, %dma_start3A_315, %dma_start3A_316] : memref<4x200x64xf32, #tpu.memory_space<vmem>> -> memref<1x200x64xf32, #tpu.memory_space<vmem>>
        %dma_start3A_318 = tpu.memref_squeeze %dma_start3A_317 : memref<1x200x64xf32, #tpu.memory_space<vmem>> -> memref<200x64xf32, #tpu.memory_space<vmem>>
        %dma_start3A_319 = tpu.memref_slice %arg5[%mul3A_313] : memref<25600xi32, #tpu.memory_space<vmem>> -> memref<200xi32, #tpu.memory_space<vmem>>
        %dma_start3A_320 = arith.constant 0 : i32
        %dma_start3A_321 = arith.constant 0 : i32
        %dma_start3A_322 = tpu.memref_slice %arg3[%dma_start3A_320, %dma_start3A_321] : memref<1000000x64xf32, #tpu.memory_space<hbm>> -> memref<1000000x64xf32, #tpu.memory_space<hbm>>
        tpu.enqueue_indirect_dma source(%dma_start3A_322 : memref<1000000x64xf32, #tpu.memory_space<hbm>>) target(%dma_start3A_318 : memref<200x64xf32, #tpu.memory_space<vmem>>) offsets(%dma_start3A_319 : memref<200xi32, #tpu.memory_space<vmem>>) semaphore(%arg9 : memref<!tpu.dma_semaphore, #tpu.memory_space<semaphore_mem>>)
      } else {
      }
      %mul3A_114 = arith.constant 4 : i32
      %mul3A_115 = arith.muli %scan3A_53, %mul3A_114 : i32
      %add3A_116 = arith.constant 1 : i32
      %add3A_117 = arith.addi %mul3A_115, %add3A_116 : i32
      %mul3A_118 = arith.constant 200 : i32
      %mul3A_119 = arith.muli %add3A_117, %mul3A_118 : i32
      %dma_wait3A_120 = arith.constant 1 : i32
      %dma_wait3A_121 = arith.constant 0 : i32
      %dma_wait3A_122 = arith.constant 0 : i32
      %dma_wait3A_123 = tpu.memref_slice %arg6[%dma_wait3A_120, %dma_wait3A_121, %dma_wait3A_122] : memref<4x200x64xf32, #tpu.memory_space<vmem>> -> memref<1x200x64xf32, #tpu.memory_space<vmem>>
      %dma_wait3A_124 = tpu.memref_squeeze %dma_wait3A_123 : memref<1x200x64xf32, #tpu.memory_space<vmem>> -> memref<200x64xf32, #tpu.memory_space<vmem>>
      %dma_wait3A_125 = tpu.memref_slice %arg5[%mul3A_119] : memref<25600xi32, #tpu.memory_space<vmem>> -> memref<200xi32, #tpu.memory_space<vmem>>
      %dma_wait3A_126 = arith.constant 0 : i32
      %dma_wait3A_127 = arith.constant 0 : i32
      %dma_wait3A_128 = tpu.memref_slice %arg3[%dma_wait3A_126, %dma_wait3A_127] : memref<1000000x64xf32, #tpu.memory_space<hbm>> -> memref<1000000x64xf32, #tpu.memory_space<hbm>>
      tpu.wait_indirect_dma semaphore(%arg10 : memref<!tpu.dma_semaphore, #tpu.memory_space<semaphore_mem>>) src(%dma_wait3A_128 : memref<1000000x64xf32, #tpu.memory_space<hbm>>) dst(%dma_wait3A_124 : memref<200x64xf32, #tpu.memory_space<vmem>>)
      %broadcast_in_dim3A_129 = arith.constant 0.000000e+00 : f32
      %broadcast_in_dim3A_130 = vector.broadcast %broadcast_in_dim3A_129 : f32 to vector<16xf32>
      %parallel_loop3A_131 = arith.constant 0 : i32
      %parallel_loop3A_132 = arith.constant 200 : i32
      %parallel_loop3A_133 = arith.constant 8 : i32
      %parallel_loop3A_134 = arith.constant 1 : i32
      %parallel_loop3A_135:8 = scf.for %parallel_loop3A_310 = %parallel_loop3A_131 to %parallel_loop3A_132 step %parallel_loop3A_133 iter_args(%parallel_loop3A_311 = %broadcast_in_dim3A_130, %parallel_loop3A_312 = %broadcast_in_dim3A_130, %parallel_loop3A_313 = %broadcast_in_dim3A_130, %parallel_loop3A_314 = %broadcast_in_dim3A_130, %parallel_loop3A_315 = %broadcast_in_dim3A_130, %parallel_loop3A_316 = %broadcast_in_dim3A_130, %parallel_loop3A_317 = %broadcast_in_dim3A_130, %parallel_loop3A_318 = %broadcast_in_dim3A_130) -> (vector<16xf32>, vector<16xf32>, vector<16xf32>, vector<16xf32>, vector<16xf32>, vector<16xf32>, vector<16xf32>, vector<16xf32>)  : i32 {
        %parallel_loop3A_319 = arith.constant 0 : i32
        %parallel_loop3A_320 = arith.addi %parallel_loop3A_310, %parallel_loop3A_319 : i32
        %parallel_loop3A_321 = arith.constant 0 : i32
        %parallel_loop3A_322 = arith.constant 0 : i32
        %parallel_loop3A_323 = tpu.memref_slice %arg6[%parallel_loop3A_134, %parallel_loop3A_321, %parallel_loop3A_322] : memref<4x200x64xf32, #tpu.memory_space<vmem>> -> memref<1x200x64xf32, #tpu.memory_space<vmem>>
        %parallel_loop3A_324 = tpu.memref_squeeze %parallel_loop3A_323 : memref<1x200x64xf32, #tpu.memory_space<vmem>> -> memref<200x64xf32, #tpu.memory_space<vmem>>
        %parallel_loop3A_325 = arith.index_cast %parallel_loop3A_320 : i32 to index
        %parallel_loop3A_326 = arith.constant 0 : index
        %parallel_loop3A_327 = tpu.vector_load %parallel_loop3A_324[%parallel_loop3A_325, %parallel_loop3A_326] {strides = array<i32>} : memref<200x64xf32, #tpu.memory_space<vmem>>, vector<1x16xf32>,
        %parallel_loop3A_328 = vector.shape_cast %parallel_loop3A_327 : vector<1x16xf32> to vector<16xf32>
        %parallel_loop3A_329 = arith.addf %parallel_loop3A_311, %parallel_loop3A_328 : vector<16xf32>
        %parallel_loop3A_330 = arith.constant 0 : i32
        %parallel_loop3A_331 = arith.addi %parallel_loop3A_310, %parallel_loop3A_330 : i32
        %parallel_loop3A_332 = arith.constant 0 : i32
        %parallel_loop3A_333 = arith.constant 0 : i32
        %parallel_loop3A_334 = tpu.memref_slice %arg6[%parallel_loop3A_134, %parallel_loop3A_332, %parallel_loop3A_333] : memref<4x200x64xf32, #tpu.memory_space<vmem>> -> memref<1x200x64xf32, #tpu.memory_space<vmem>>
        %parallel_loop3A_335 = tpu.memref_squeeze %parallel_loop3A_334 : memref<1x200x64xf32, #tpu.memory_space<vmem>> -> memref<200x64xf32, #tpu.memory_space<vmem>>
        %parallel_loop3A_336 = arith.index_cast %parallel_loop3A_331 : i32 to index
        %parallel_loop3A_337 = arith.constant 16 : index
        %parallel_loop3A_338 = tpu.vector_load %parallel_loop3A_335[%parallel_loop3A_336, %parallel_loop3A_337] {strides = array<i32>} : memref<200x64xf32, #tpu.memory_space<vmem>>, vector<1x16xf32>,
        %parallel_loop3A_339 = vector.shape_cast %parallel_loop3A_338 : vector<1x16xf32> to vector<16xf32>
        %parallel_loop3A_340 = arith.addf %parallel_loop3A_312, %parallel_loop3A_339 : vector<16xf32>
        %parallel_loop3A_341 = arith.constant 0 : i32
        %parallel_loop3A_342 = arith.addi %parallel_loop3A_310, %parallel_loop3A_341 : i32
        %parallel_loop3A_343 = arith.constant 0 : i32
        %parallel_loop3A_344 = arith.constant 0 : i32
        %parallel_loop3A_345 = tpu.memref_slice %arg6[%parallel_loop3A_134, %parallel_loop3A_343, %parallel_loop3A_344] : memref<4x200x64xf32, #tpu.memory_space<vmem>> -> memref<1x200x64xf32, #tpu.memory_space<vmem>>
        %parallel_loop3A_346 = tpu.memref_squeeze %parallel_loop3A_345 : memref<1x200x64xf32, #tpu.memory_space<vmem>> -> memref<200x64xf32, #tpu.memory_space<vmem>>
        %parallel_loop3A_347 = arith.index_cast %parallel_loop3A_342 : i32 to index
        %parallel_loop3A_348 = arith.constant 32 : index
        %parallel_loop3A_349 = tpu.vector_load %parallel_loop3A_346[%parallel_loop3A_347, %parallel_loop3A_348] {strides = array<i32>} : memref<200x64xf32, #tpu.memory_space<vmem>>, vector<1x16xf32>,
        %parallel_loop3A_350 = vector.shape_cast %parallel_loop3A_349 : vector<1x16xf32> to vector<16xf32>
        %parallel_loop3A_351 = arith.addf %parallel_loop3A_313, %parallel_loop3A_350 : vector<16xf32>
        %parallel_loop3A_352 = arith.constant 0 : i32
        %parallel_loop3A_353 = arith.addi %parallel_loop3A_310, %parallel_loop3A_352 : i32
        %parallel_loop3A_354 = arith.constant 0 : i32
        %parallel_loop3A_355 = arith.constant 0 : i32
        %parallel_loop3A_356 = tpu.memref_slice %arg6[%parallel_loop3A_134, %parallel_loop3A_354, %parallel_loop3A_355] : memref<4x200x64xf32, #tpu.memory_space<vmem>> -> memref<1x200x64xf32, #tpu.memory_space<vmem>>
        %parallel_loop3A_357 = tpu.memref_squeeze %parallel_loop3A_356 : memref<1x200x64xf32, #tpu.memory_space<vmem>> -> memref<200x64xf32, #tpu.memory_space<vmem>>
        %parallel_loop3A_358 = arith.index_cast %parallel_loop3A_353 : i32 to index
        %parallel_loop3A_359 = arith.constant 48 : index
        %parallel_loop3A_360 = tpu.vector_load %parallel_loop3A_357[%parallel_loop3A_358, %parallel_loop3A_359] {strides = array<i32>} : memref<200x64xf32, #tpu.memory_space<vmem>>, vector<1x16xf32>,
        %parallel_loop3A_361 = vector.shape_cast %parallel_loop3A_360 : vector<1x16xf32> to vector<16xf32>
        %parallel_loop3A_362 = arith.addf %parallel_loop3A_314, %parallel_loop3A_361 : vector<16xf32>
        %parallel_loop3A_363 = arith.constant 1 : i32
        %parallel_loop3A_364 = arith.addi %parallel_loop3A_310, %parallel_loop3A_363 : i32
        %parallel_loop3A_365 = arith.constant 0 : i32
        %parallel_loop3A_366 = arith.constant 0 : i32
        %parallel_loop3A_367 = tpu.memref_slice %arg6[%parallel_loop3A_134, %parallel_loop3A_365, %parallel_loop3A_366] : memref<4x200x64xf32, #tpu.memory_space<vmem>> -> memref<1x200x64xf32, #tpu.memory_space<vmem>>
        %parallel_loop3A_368 = tpu.memref_squeeze %parallel_loop3A_367 : memref<1x200x64xf32, #tpu.memory_space<vmem>> -> memref<200x64xf32, #tpu.memory_space<vmem>>
        %parallel_loop3A_369 = arith.index_cast %parallel_loop3A_364 : i32 to index
        %parallel_loop3A_370 = arith.constant 0 : index
        %parallel_loop3A_371 = tpu.vector_load %parallel_loop3A_368[%parallel_loop3A_369, %parallel_loop3A_370] {strides = array<i32>} : memref<200x64xf32, #tpu.memory_space<vmem>>, vector<1x16xf32>,
        %parallel_loop3A_372 = vector.shape_cast %parallel_loop3A_371 : vector<1x16xf32> to vector<16xf32>
        %parallel_loop3A_373 = arith.addf %parallel_loop3A_315, %parallel_loop3A_372 : vector<16xf32>
        %parallel_loop3A_374 = arith.constant 1 : i32
        %parallel_loop3A_375 = arith.addi %parallel_loop3A_310, %parallel_loop3A_374 : i32
        %parallel_loop3A_376 = arith.constant 0 : i32
        %parallel_loop3A_377 = arith.constant 0 : i32
        %parallel_loop3A_378 = tpu.memref_slice %arg6[%parallel_loop3A_134, %parallel_loop3A_376, %parallel_loop3A_377] : memref<4x200x64xf32, #tpu.memory_space<vmem>> -> memref<1x200x64xf32, #tpu.memory_space<vmem>>
        %parallel_loop3A_379 = tpu.memref_squeeze %parallel_loop3A_378 : memref<1x200x64xf32, #tpu.memory_space<vmem>> -> memref<200x64xf32, #tpu.memory_space<vmem>>
        %parallel_loop3A_380 = arith.index_cast %parallel_loop3A_375 : i32 to index
        %parallel_loop3A_381 = arith.constant 16 : index
        %parallel_loop3A_382 = tpu.vector_load %parallel_loop3A_379[%parallel_loop3A_380, %parallel_loop3A_381] {strides = array<i32>} : memref<200x64xf32, #tpu.memory_space<vmem>>, vector<1x16xf32>,
        %parallel_loop3A_383 = vector.shape_cast %parallel_loop3A_382 : vector<1x16xf32> to vector<16xf32>
        %parallel_loop3A_384 = arith.addf %parallel_loop3A_316, %parallel_loop3A_383 : vector<16xf32>
        %parallel_loop3A_385 = arith.constant 1 : i32
        %parallel_loop3A_386 = arith.addi %parallel_loop3A_310, %parallel_loop3A_385 : i32
        %parallel_loop3A_387 = arith.constant 0 : i32
        %parallel_loop3A_388 = arith.constant 0 : i32
        %parallel_loop3A_389 = tpu.memref_slice %arg6[%parallel_loop3A_134, %parallel_loop3A_387, %parallel_loop3A_388] : memref<4x200x64xf32, #tpu.memory_space<vmem>> -> memref<1x200x64xf32, #tpu.memory_space<vmem>>
        %parallel_loop3A_390 = tpu.memref_squeeze %parallel_loop3A_389 : memref<1x200x64xf32, #tpu.memory_space<vmem>> -> memref<200x64xf32, #tpu.memory_space<vmem>>
        %parallel_loop3A_391 = arith.index_cast %parallel_loop3A_386 : i32 to index
        %parallel_loop3A_392 = arith.constant 32 : index
        %parallel_loop3A_393 = tpu.vector_load %parallel_loop3A_390[%parallel_loop3A_391, %parallel_loop3A_392] {strides = array<i32>} : memref<200x64xf32, #tpu.memory_space<vmem>>, vector<1x16xf32>,
        %parallel_loop3A_394 = vector.shape_cast %parallel_loop3A_393 : vector<1x16xf32> to vector<16xf32>
        %parallel_loop3A_395 = arith.addf %parallel_loop3A_317, %parallel_loop3A_394 : vector<16xf32>
        %parallel_loop3A_396 = arith.constant 1 : i32
        %parallel_loop3A_397 = arith.addi %parallel_loop3A_310, %parallel_loop3A_396 : i32
        %parallel_loop3A_398 = arith.constant 0 : i32
        %parallel_loop3A_399 = arith.constant 0 : i32
        %parallel_loop3A_400 = tpu.memref_slice %arg6[%parallel_loop3A_134, %parallel_loop3A_398, %parallel_loop3A_399] : memref<4x200x64xf32, #tpu.memory_space<vmem>> -> memref<1x200x64xf32, #tpu.memory_space<vmem>>
        %parallel_loop3A_401 = tpu.memref_squeeze %parallel_loop3A_400 : memref<1x200x64xf32, #tpu.memory_space<vmem>> -> memref<200x64xf32, #tpu.memory_space<vmem>>
        %parallel_loop3A_402 = arith.index_cast %parallel_loop3A_397 : i32 to index
        %parallel_loop3A_403 = arith.constant 48 : index
        %parallel_loop3A_404 = tpu.vector_load %parallel_loop3A_401[%parallel_loop3A_402, %parallel_loop3A_403] {strides = array<i32>} : memref<200x64xf32, #tpu.memory_space<vmem>>, vector<1x16xf32>,
        %parallel_loop3A_405 = vector.shape_cast %parallel_loop3A_404 : vector<1x16xf32> to vector<16xf32>
        %parallel_loop3A_406 = arith.addf %parallel_loop3A_318, %parallel_loop3A_405 : vector<16xf32>
        %parallel_loop3A_407 = arith.constant 2 : i32
        %parallel_loop3A_408 = arith.addi %parallel_loop3A_310, %parallel_loop3A_407 : i32
        %parallel_loop3A_409 = arith.constant 0 : i32
        %parallel_loop3A_410 = arith.constant 0 : i32
        %parallel_loop3A_411 = tpu.memref_slice %arg6[%parallel_loop3A_134, %parallel_loop3A_409, %parallel_loop3A_410] : memref<4x200x64xf32, #tpu.memory_space<vmem>> -> memref<1x200x64xf32, #tpu.memory_space<vmem>>
        %parallel_loop3A_412 = tpu.memref_squeeze %parallel_loop3A_411 : memref<1x200x64xf32, #tpu.memory_space<vmem>> -> memref<200x64xf32, #tpu.memory_space<vmem>>
        %parallel_loop3A_413 = arith.index_cast %parallel_loop3A_408 : i32 to index
        %parallel_loop3A_414 = arith.constant 0 : index
        %parallel_loop3A_415 = tpu.vector_load %parallel_loop3A_412[%parallel_loop3A_413, %parallel_loop3A_414] {strides = array<i32>} : memref<200x64xf32, #tpu.memory_space<vmem>>, vector<1x16xf32>,
        %parallel_loop3A_416 = vector.shape_cast %parallel_loop3A_415 : vector<1x16xf32> to vector<16xf32>
        %parallel_loop3A_417 = arith.addf %parallel_loop3A_329, %parallel_loop3A_416 : vector<16xf32>
        %parallel_loop3A_418 = arith.constant 2 : i32
        %parallel_loop3A_419 = arith.addi %parallel_loop3A_310, %parallel_loop3A_418 : i32
        %parallel_loop3A_420 = arith.constant 0 : i32
        %parallel_loop3A_421 = arith.constant 0 : i32
        %parallel_loop3A_422 = tpu.memref_slice %arg6[%parallel_loop3A_134, %parallel_loop3A_420, %parallel_loop3A_421] : memref<4x200x64xf32, #tpu.memory_space<vmem>> -> memref<1x200x64xf32, #tpu.memory_space<vmem>>
        %parallel_loop3A_423 = tpu.memref_squeeze %parallel_loop3A_422 : memref<1x200x64xf32, #tpu.memory_space<vmem>> -> memref<200x64xf32, #tpu.memory_space<vmem>>
        %parallel_loop3A_424 = arith.index_cast %parallel_loop3A_419 : i32 to index
        %parallel_loop3A_425 = arith.constant 16 : index
        %parallel_loop3A_426 = tpu.vector_load %parallel_loop3A_423[%parallel_loop3A_424, %parallel_loop3A_425] {strides = array<i32>} : memref<200x64xf32, #tpu.memory_space<vmem>>, vector<1x16xf32>,
        %parallel_loop3A_427 = vector.shape_cast %parallel_loop3A_426 : vector<1x16xf32> to vector<16xf32>
        %parallel_loop3A_428 = arith.addf %parallel_loop3A_340, %parallel_loop3A_427 : vector<16xf32>
        %parallel_loop3A_429 = arith.constant 2 : i32
        %parallel_loop3A_430 = arith.addi %parallel_loop3A_310, %parallel_loop3A_429 : i32
        %parallel_loop3A_431 = arith.constant 0 : i32
        %parallel_loop3A_432 = arith.constant 0 : i32
        %parallel_loop3A_433 = tpu.memref_slice %arg6[%parallel_loop3A_134, %parallel_loop3A_431, %parallel_loop3A_432] : memref<4x200x64xf32, #tpu.memory_space<vmem>> -> memref<1x200x64xf32, #tpu.memory_space<vmem>>
        %parallel_loop3A_434 = tpu.memref_squeeze %parallel_loop3A_433 : memref<1x200x64xf32, #tpu.memory_space<vmem>> -> memref<200x64xf32, #tpu.memory_space<vmem>>
        %parallel_loop3A_435 = arith.index_cast %parallel_loop3A_430 : i32 to index
        %parallel_loop3A_436 = arith.constant 32 : index
        %parallel_loop3A_437 = tpu.vector_load %parallel_loop3A_434[%parallel_loop3A_435, %parallel_loop3A_436] {strides = array<i32>} : memref<200x64xf32, #tpu.memory_space<vmem>>, vector<1x16xf32>,
        %parallel_loop3A_438 = vector.shape_cast %parallel_loop3A_437 : vector<1x16xf32> to vector<16xf32>
        %parallel_loop3A_439 = arith.addf %parallel_loop3A_351, %parallel_loop3A_438 : vector<16xf32>
        %parallel_loop3A_440 = arith.constant 2 : i32
        %parallel_loop3A_441 = arith.addi %parallel_loop3A_310, %parallel_loop3A_440 : i32
        %parallel_loop3A_442 = arith.constant 0 : i32
        %parallel_loop3A_443 = arith.constant 0 : i32
        %parallel_loop3A_444 = tpu.memref_slice %arg6[%parallel_loop3A_134, %parallel_loop3A_442, %parallel_loop3A_443] : memref<4x200x64xf32, #tpu.memory_space<vmem>> -> memref<1x200x64xf32, #tpu.memory_space<vmem>>
        %parallel_loop3A_445 = tpu.memref_squeeze %parallel_loop3A_444 : memref<1x200x64xf32, #tpu.memory_space<vmem>> -> memref<200x64xf32, #tpu.memory_space<vmem>>
        %parallel_loop3A_446 = arith.index_cast %parallel_loop3A_441 : i32 to index
        %parallel_loop3A_447 = arith.constant 48 : index
        %parallel_loop3A_448 = tpu.vector_load %parallel_loop3A_445[%parallel_loop3A_446, %parallel_loop3A_447] {strides = array<i32>} : memref<200x64xf32, #tpu.memory_space<vmem>>, vector<1x16xf32>,
        %parallel_loop3A_449 = vector.shape_cast %parallel_loop3A_448 : vector<1x16xf32> to vector<16xf32>
        %parallel_loop3A_450 = arith.addf %parallel_loop3A_362, %parallel_loop3A_449 : vector<16xf32>
        %parallel_loop3A_451 = arith.constant 3 : i32
        %parallel_loop3A_452 = arith.addi %parallel_loop3A_310, %parallel_loop3A_451 : i32
        %parallel_loop3A_453 = arith.constant 0 : i32
        %parallel_loop3A_454 = arith.constant 0 : i32
        %parallel_loop3A_455 = tpu.memref_slice %arg6[%parallel_loop3A_134, %parallel_loop3A_453, %parallel_loop3A_454] : memref<4x200x64xf32, #tpu.memory_space<vmem>> -> memref<1x200x64xf32, #tpu.memory_space<vmem>>
        %parallel_loop3A_456 = tpu.memref_squeeze %parallel_loop3A_455 : memref<1x200x64xf32, #tpu.memory_space<vmem>> -> memref<200x64xf32, #tpu.memory_space<vmem>>
        %parallel_loop3A_457 = arith.index_cast %parallel_loop3A_452 : i32 to index
        %parallel_loop3A_458 = arith.constant 0 : index
        %parallel_loop3A_459 = tpu.vector_load %parallel_loop3A_456[%parallel_loop3A_457, %parallel_loop3A_458] {strides = array<i32>} : memref<200x64xf32, #tpu.memory_space<vmem>>, vector<1x16xf32>,
        %parallel_loop3A_460 = vector.shape_cast %parallel_loop3A_459 : vector<1x16xf32> to vector<16xf32>
        %parallel_loop3A_461 = arith.addf %parallel_loop3A_373, %parallel_loop3A_460 : vector<16xf32>
        %parallel_loop3A_462 = arith.constant 3 : i32
        %parallel_loop3A_463 = arith.addi %parallel_loop3A_310, %parallel_loop3A_462 : i32
        %parallel_loop3A_464 = arith.constant 0 : i32
        %parallel_loop3A_465 = arith.constant 0 : i32
        %parallel_loop3A_466 = tpu.memref_slice %arg6[%parallel_loop3A_134, %parallel_loop3A_464, %parallel_loop3A_465] : memref<4x200x64xf32, #tpu.memory_space<vmem>> -> memref<1x200x64xf32, #tpu.memory_space<vmem>>
        %parallel_loop3A_467 = tpu.memref_squeeze %parallel_loop3A_466 : memref<1x200x64xf32, #tpu.memory_space<vmem>> -> memref<200x64xf32, #tpu.memory_space<vmem>>
        %parallel_loop3A_468 = arith.index_cast %parallel_loop3A_463 : i32 to index
        %parallel_loop3A_469 = arith.constant 16 : index
        %parallel_loop3A_470 = tpu.vector_load %parallel_loop3A_467[%parallel_loop3A_468, %parallel_loop3A_469] {strides = array<i32>} : memref<200x64xf32, #tpu.memory_space<vmem>>, vector<1x16xf32>,
        %parallel_loop3A_471 = vector.shape_cast %parallel_loop3A_470 : vector<1x16xf32> to vector<16xf32>
        %parallel_loop3A_472 = arith.addf %parallel_loop3A_384, %parallel_loop3A_471 : vector<16xf32>
        %parallel_loop3A_473 = arith.constant 3 : i32
        %parallel_loop3A_474 = arith.addi %parallel_loop3A_310, %parallel_loop3A_473 : i32
        %parallel_loop3A_475 = arith.constant 0 : i32
        %parallel_loop3A_476 = arith.constant 0 : i32
        %parallel_loop3A_477 = tpu.memref_slice %arg6[%parallel_loop3A_134, %parallel_loop3A_475, %parallel_loop3A_476] : memref<4x200x64xf32, #tpu.memory_space<vmem>> -> memref<1x200x64xf32, #tpu.memory_space<vmem>>
        %parallel_loop3A_478 = tpu.memref_squeeze %parallel_loop3A_477 : memref<1x200x64xf32, #tpu.memory_space<vmem>> -> memref<200x64xf32, #tpu.memory_space<vmem>>
        %parallel_loop3A_479 = arith.index_cast %parallel_loop3A_474 : i32 to index
        %parallel_loop3A_480 = arith.constant 32 : index
        %parallel_loop3A_481 = tpu.vector_load %parallel_loop3A_478[%parallel_loop3A_479, %parallel_loop3A_480] {strides = array<i32>} : memref<200x64xf32, #tpu.memory_space<vmem>>, vector<1x16xf32>,
        %parallel_loop3A_482 = vector.shape_cast %parallel_loop3A_481 : vector<1x16xf32> to vector<16xf32>
        %parallel_loop3A_483 = arith.addf %parallel_loop3A_395, %parallel_loop3A_482 : vector<16xf32>
        %parallel_loop3A_484 = arith.constant 3 : i32
        %parallel_loop3A_485 = arith.addi %parallel_loop3A_310, %parallel_loop3A_484 : i32
        %parallel_loop3A_486 = arith.constant 0 : i32
        %parallel_loop3A_487 = arith.constant 0 : i32
        %parallel_loop3A_488 = tpu.memref_slice %arg6[%parallel_loop3A_134, %parallel_loop3A_486, %parallel_loop3A_487] : memref<4x200x64xf32, #tpu.memory_space<vmem>> -> memref<1x200x64xf32, #tpu.memory_space<vmem>>
        %parallel_loop3A_489 = tpu.memref_squeeze %parallel_loop3A_488 : memref<1x200x64xf32, #tpu.memory_space<vmem>> -> memref<200x64xf32, #tpu.memory_space<vmem>>
        %parallel_loop3A_490 = arith.index_cast %parallel_loop3A_485 : i32 to index
        %parallel_loop3A_491 = arith.constant 48 : index
        %parallel_loop3A_492 = tpu.vector_load %parallel_loop3A_489[%parallel_loop3A_490, %parallel_loop3A_491] {strides = array<i32>} : memref<200x64xf32, #tpu.memory_space<vmem>>, vector<1x16xf32>,
        %parallel_loop3A_493 = vector.shape_cast %parallel_loop3A_492 : vector<1x16xf32> to vector<16xf32>
        %parallel_loop3A_494 = arith.addf %parallel_loop3A_406, %parallel_loop3A_493 : vector<16xf32>
        %parallel_loop3A_495 = arith.constant 4 : i32
        %parallel_loop3A_496 = arith.addi %parallel_loop3A_310, %parallel_loop3A_495 : i32
        %parallel_loop3A_497 = arith.constant 0 : i32
        %parallel_loop3A_498 = arith.constant 0 : i32
        %parallel_loop3A_499 = tpu.memref_slice %arg6[%parallel_loop3A_134, %parallel_loop3A_497, %parallel_loop3A_498] : memref<4x200x64xf32, #tpu.memory_space<vmem>> -> memref<1x200x64xf32, #tpu.memory_space<vmem>>
        %parallel_loop3A_500 = tpu.memref_squeeze %parallel_loop3A_499 : memref<1x200x64xf32, #tpu.memory_space<vmem>> -> memref<200x64xf32, #tpu.memory_space<vmem>>
        %parallel_loop3A_501 = arith.index_cast %parallel_loop3A_496 : i32 to index
        %parallel_loop3A_502 = arith.constant 0 : index
        %parallel_loop3A_503 = tpu.vector_load %parallel_loop3A_500[%parallel_loop3A_501, %parallel_loop3A_502] {strides = array<i32>} : memref<200x64xf32, #tpu.memory_space<vmem>>, vector<1x16xf32>,
        %parallel_loop3A_504 = vector.shape_cast %parallel_loop3A_503 : vector<1x16xf32> to vector<16xf32>
        %parallel_loop3A_505 = arith.addf %parallel_loop3A_417, %parallel_loop3A_504 : vector<16xf32>
        %parallel_loop3A_506 = arith.constant 4 : i32
        %parallel_loop3A_507 = arith.addi %parallel_loop3A_310, %parallel_loop3A_506 : i32
        %parallel_loop3A_508 = arith.constant 0 : i32
        %parallel_loop3A_509 = arith.constant 0 : i32
        %parallel_loop3A_510 = tpu.memref_slice %arg6[%parallel_loop3A_134, %parallel_loop3A_508, %parallel_loop3A_509] : memref<4x200x64xf32, #tpu.memory_space<vmem>> -> memref<1x200x64xf32, #tpu.memory_space<vmem>>
        %parallel_loop3A_511 = tpu.memref_squeeze %parallel_loop3A_510 : memref<1x200x64xf32, #tpu.memory_space<vmem>> -> memref<200x64xf32, #tpu.memory_space<vmem>>
        %parallel_loop3A_512 = arith.index_cast %parallel_loop3A_507 : i32 to index
        %parallel_loop3A_513 = arith.constant 16 : index
        %parallel_loop3A_514 = tpu.vector_load %parallel_loop3A_511[%parallel_loop3A_512, %parallel_loop3A_513] {strides = array<i32>} : memref<200x64xf32, #tpu.memory_space<vmem>>, vector<1x16xf32>,
        %parallel_loop3A_515 = vector.shape_cast %parallel_loop3A_514 : vector<1x16xf32> to vector<16xf32>
        %parallel_loop3A_516 = arith.addf %parallel_loop3A_428, %parallel_loop3A_515 : vector<16xf32>
        %parallel_loop3A_517 = arith.constant 4 : i32
        %parallel_loop3A_518 = arith.addi %parallel_loop3A_310, %parallel_loop3A_517 : i32
        %parallel_loop3A_519 = arith.constant 0 : i32
        %parallel_loop3A_520 = arith.constant 0 : i32
        %parallel_loop3A_521 = tpu.memref_slice %arg6[%parallel_loop3A_134, %parallel_loop3A_519, %parallel_loop3A_520] : memref<4x200x64xf32, #tpu.memory_space<vmem>> -> memref<1x200x64xf32, #tpu.memory_space<vmem>>
        %parallel_loop3A_522 = tpu.memref_squeeze %parallel_loop3A_521 : memref<1x200x64xf32, #tpu.memory_space<vmem>> -> memref<200x64xf32, #tpu.memory_space<vmem>>
        %parallel_loop3A_523 = arith.index_cast %parallel_loop3A_518 : i32 to index
        %parallel_loop3A_524 = arith.constant 32 : index
        %parallel_loop3A_525 = tpu.vector_load %parallel_loop3A_522[%parallel_loop3A_523, %parallel_loop3A_524] {strides = array<i32>} : memref<200x64xf32, #tpu.memory_space<vmem>>, vector<1x16xf32>,
        %parallel_loop3A_526 = vector.shape_cast %parallel_loop3A_525 : vector<1x16xf32> to vector<16xf32>
        %parallel_loop3A_527 = arith.addf %parallel_loop3A_439, %parallel_loop3A_526 : vector<16xf32>
        %parallel_loop3A_528 = arith.constant 4 : i32
        %parallel_loop3A_529 = arith.addi %parallel_loop3A_310, %parallel_loop3A_528 : i32
        %parallel_loop3A_530 = arith.constant 0 : i32
        %parallel_loop3A_531 = arith.constant 0 : i32
        %parallel_loop3A_532 = tpu.memref_slice %arg6[%parallel_loop3A_134, %parallel_loop3A_530, %parallel_loop3A_531] : memref<4x200x64xf32, #tpu.memory_space<vmem>> -> memref<1x200x64xf32, #tpu.memory_space<vmem>>
        %parallel_loop3A_533 = tpu.memref_squeeze %parallel_loop3A_532 : memref<1x200x64xf32, #tpu.memory_space<vmem>> -> memref<200x64xf32, #tpu.memory_space<vmem>>
        %parallel_loop3A_534 = arith.index_cast %parallel_loop3A_529 : i32 to index
        %parallel_loop3A_535 = arith.constant 48 : index
        %parallel_loop3A_536 = tpu.vector_load %parallel_loop3A_533[%parallel_loop3A_534, %parallel_loop3A_535] {strides = array<i32>} : memref<200x64xf32, #tpu.memory_space<vmem>>, vector<1x16xf32>,
        %parallel_loop3A_537 = vector.shape_cast %parallel_loop3A_536 : vector<1x16xf32> to vector<16xf32>
        %parallel_loop3A_538 = arith.addf %parallel_loop3A_450, %parallel_loop3A_537 : vector<16xf32>
        %parallel_loop3A_539 = arith.constant 5 : i32
        %parallel_loop3A_540 = arith.addi %parallel_loop3A_310, %parallel_loop3A_539 : i32
        %parallel_loop3A_541 = arith.constant 0 : i32
        %parallel_loop3A_542 = arith.constant 0 : i32
        %parallel_loop3A_543 = tpu.memref_slice %arg6[%parallel_loop3A_134, %parallel_loop3A_541, %parallel_loop3A_542] : memref<4x200x64xf32, #tpu.memory_space<vmem>> -> memref<1x200x64xf32, #tpu.memory_space<vmem>>
        %parallel_loop3A_544 = tpu.memref_squeeze %parallel_loop3A_543 : memref<1x200x64xf32, #tpu.memory_space<vmem>> -> memref<200x64xf32, #tpu.memory_space<vmem>>
        %parallel_loop3A_545 = arith.index_cast %parallel_loop3A_540 : i32 to index
        %parallel_loop3A_546 = arith.constant 0 : index
        %parallel_loop3A_547 = tpu.vector_load %parallel_loop3A_544[%parallel_loop3A_545, %parallel_loop3A_546] {strides = array<i32>} : memref<200x64xf32, #tpu.memory_space<vmem>>, vector<1x16xf32>,
        %parallel_loop3A_548 = vector.shape_cast %parallel_loop3A_547 : vector<1x16xf32> to vector<16xf32>
        %parallel_loop3A_549 = arith.addf %parallel_loop3A_461, %parallel_loop3A_548 : vector<16xf32>
        %parallel_loop3A_550 = arith.constant 5 : i32
        %parallel_loop3A_551 = arith.addi %parallel_loop3A_310, %parallel_loop3A_550 : i32
        %parallel_loop3A_552 = arith.constant 0 : i32
        %parallel_loop3A_553 = arith.constant 0 : i32
        %parallel_loop3A_554 = tpu.memref_slice %arg6[%parallel_loop3A_134, %parallel_loop3A_552, %parallel_loop3A_553] : memref<4x200x64xf32, #tpu.memory_space<vmem>> -> memref<1x200x64xf32, #tpu.memory_space<vmem>>
        %parallel_loop3A_555 = tpu.memref_squeeze %parallel_loop3A_554 : memref<1x200x64xf32, #tpu.memory_space<vmem>> -> memref<200x64xf32, #tpu.memory_space<vmem>>
        %parallel_loop3A_556 = arith.index_cast %parallel_loop3A_551 : i32 to index
        %parallel_loop3A_557 = arith.constant 16 : index
        %parallel_loop3A_558 = tpu.vector_load %parallel_loop3A_555[%parallel_loop3A_556, %parallel_loop3A_557] {strides = array<i32>} : memref<200x64xf32, #tpu.memory_space<vmem>>, vector<1x16xf32>,
        %parallel_loop3A_559 = vector.shape_cast %parallel_loop3A_558 : vector<1x16xf32> to vector<16xf32>
        %parallel_loop3A_560 = arith.addf %parallel_loop3A_472, %parallel_loop3A_559 : vector<16xf32>
        %parallel_loop3A_561 = arith.constant 5 : i32
        %parallel_loop3A_562 = arith.addi %parallel_loop3A_310, %parallel_loop3A_561 : i32
        %parallel_loop3A_563 = arith.constant 0 : i32
        %parallel_loop3A_564 = arith.constant 0 : i32
        %parallel_loop3A_565 = tpu.memref_slice %arg6[%parallel_loop3A_134, %parallel_loop3A_563, %parallel_loop3A_564] : memref<4x200x64xf32, #tpu.memory_space<vmem>> -> memref<1x200x64xf32, #tpu.memory_space<vmem>>
        %parallel_loop3A_566 = tpu.memref_squeeze %parallel_loop3A_565 : memref<1x200x64xf32, #tpu.memory_space<vmem>> -> memref<200x64xf32, #tpu.memory_space<vmem>>
        %parallel_loop3A_567 = arith.index_cast %parallel_loop3A_562 : i32 to index
        %parallel_loop3A_568 = arith.constant 32 : index
        %parallel_loop3A_569 = tpu.vector_load %parallel_loop3A_566[%parallel_loop3A_567, %parallel_loop3A_568] {strides = array<i32>} : memref<200x64xf32, #tpu.memory_space<vmem>>, vector<1x16xf32>,
        %parallel_loop3A_570 = vector.shape_cast %parallel_loop3A_569 : vector<1x16xf32> to vector<16xf32>
        %parallel_loop3A_571 = arith.addf %parallel_loop3A_483, %parallel_loop3A_570 : vector<16xf32>
        %parallel_loop3A_572 = arith.constant 5 : i32
        %parallel_loop3A_573 = arith.addi %parallel_loop3A_310, %parallel_loop3A_572 : i32
        %parallel_loop3A_574 = arith.constant 0 : i32
        %parallel_loop3A_575 = arith.constant 0 : i32
        %parallel_loop3A_576 = tpu.memref_slice %arg6[%parallel_loop3A_134, %parallel_loop3A_574, %parallel_loop3A_575] : memref<4x200x64xf32, #tpu.memory_space<vmem>> -> memref<1x200x64xf32, #tpu.memory_space<vmem>>
        %parallel_loop3A_577 = tpu.memref_squeeze %parallel_loop3A_576 : memref<1x200x64xf32, #tpu.memory_space<vmem>> -> memref<200x64xf32, #tpu.memory_space<vmem>>
        %parallel_loop3A_578 = arith.index_cast %parallel_loop3A_573 : i32 to index
        %parallel_loop3A_579 = arith.constant 48 : index
        %parallel_loop3A_580 = tpu.vector_load %parallel_loop3A_577[%parallel_loop3A_578, %parallel_loop3A_579] {strides = array<i32>} : memref<200x64xf32, #tpu.memory_space<vmem>>, vector<1x16xf32>,
        %parallel_loop3A_581 = vector.shape_cast %parallel_loop3A_580 : vector<1x16xf32> to vector<16xf32>
        %parallel_loop3A_582 = arith.addf %parallel_loop3A_494, %parallel_loop3A_581 : vector<16xf32>
        %parallel_loop3A_583 = arith.constant 6 : i32
        %parallel_loop3A_584 = arith.addi %parallel_loop3A_310, %parallel_loop3A_583 : i32
        %parallel_loop3A_585 = arith.constant 0 : i32
        %parallel_loop3A_586 = arith.constant 0 : i32
        %parallel_loop3A_587 = tpu.memref_slice %arg6[%parallel_loop3A_134, %parallel_loop3A_585, %parallel_loop3A_586] : memref<4x200x64xf32, #tpu.memory_space<vmem>> -> memref<1x200x64xf32, #tpu.memory_space<vmem>>
        %parallel_loop3A_588 = tpu.memref_squeeze %parallel_loop3A_587 : memref<1x200x64xf32, #tpu.memory_space<vmem>> -> memref<200x64xf32, #tpu.memory_space<vmem>>
        %parallel_loop3A_589 = arith.index_cast %parallel_loop3A_584 : i32 to index
        %parallel_loop3A_590 = arith.constant 0 : index
        %parallel_loop3A_591 = tpu.vector_load %parallel_loop3A_588[%parallel_loop3A_589, %parallel_loop3A_590] {strides = array<i32>} : memref<200x64xf32, #tpu.memory_space<vmem>>, vector<1x16xf32>,
        %parallel_loop3A_592 = vector.shape_cast %parallel_loop3A_591 : vector<1x16xf32> to vector<16xf32>
        %parallel_loop3A_593 = arith.addf %parallel_loop3A_505, %parallel_loop3A_592 : vector<16xf32>
        %parallel_loop3A_594 = arith.constant 6 : i32
        %parallel_loop3A_595 = arith.addi %parallel_loop3A_310, %parallel_loop3A_594 : i32
        %parallel_loop3A_596 = arith.constant 0 : i32
        %parallel_loop3A_597 = arith.constant 0 : i32
        %parallel_loop3A_598 = tpu.memref_slice %arg6[%parallel_loop3A_134, %parallel_loop3A_596, %parallel_loop3A_597] : memref<4x200x64xf32, #tpu.memory_space<vmem>> -> memref<1x200x64xf32, #tpu.memory_space<vmem>>
        %parallel_loop3A_599 = tpu.memref_squeeze %parallel_loop3A_598 : memref<1x200x64xf32, #tpu.memory_space<vmem>> -> memref<200x64xf32, #tpu.memory_space<vmem>>
        %parallel_loop3A_600 = arith.index_cast %parallel_loop3A_595 : i32 to index
        %parallel_loop3A_601 = arith.constant 16 : index
        %parallel_loop3A_602 = tpu.vector_load %parallel_loop3A_599[%parallel_loop3A_600, %parallel_loop3A_601] {strides = array<i32>} : memref<200x64xf32, #tpu.memory_space<vmem>>, vector<1x16xf32>,
        %parallel_loop3A_603 = vector.shape_cast %parallel_loop3A_602 : vector<1x16xf32> to vector<16xf32>
        %parallel_loop3A_604 = arith.addf %parallel_loop3A_516, %parallel_loop3A_603 : vector<16xf32>
        %parallel_loop3A_605 = arith.constant 6 : i32
        %parallel_loop3A_606 = arith.addi %parallel_loop3A_310, %parallel_loop3A_605 : i32
        %parallel_loop3A_607 = arith.constant 0 : i32
        %parallel_loop3A_608 = arith.constant 0 : i32
        %parallel_loop3A_609 = tpu.memref_slice %arg6[%parallel_loop3A_134, %parallel_loop3A_607, %parallel_loop3A_608] : memref<4x200x64xf32, #tpu.memory_space<vmem>> -> memref<1x200x64xf32, #tpu.memory_space<vmem>>
        %parallel_loop3A_610 = tpu.memref_squeeze %parallel_loop3A_609 : memref<1x200x64xf32, #tpu.memory_space<vmem>> -> memref<200x64xf32, #tpu.memory_space<vmem>>
        %parallel_loop3A_611 = arith.index_cast %parallel_loop3A_606 : i32 to index
        %parallel_loop3A_612 = arith.constant 32 : index
        %parallel_loop3A_613 = tpu.vector_load %parallel_loop3A_610[%parallel_loop3A_611, %parallel_loop3A_612] {strides = array<i32>} : memref<200x64xf32, #tpu.memory_space<vmem>>, vector<1x16xf32>,
        %parallel_loop3A_614 = vector.shape_cast %parallel_loop3A_613 : vector<1x16xf32> to vector<16xf32>
        %parallel_loop3A_615 = arith.addf %parallel_loop3A_527, %parallel_loop3A_614 : vector<16xf32>
        %parallel_loop3A_616 = arith.constant 6 : i32
        %parallel_loop3A_617 = arith.addi %parallel_loop3A_310, %parallel_loop3A_616 : i32
        %parallel_loop3A_618 = arith.constant 0 : i32
        %parallel_loop3A_619 = arith.constant 0 : i32
        %parallel_loop3A_620 = tpu.memref_slice %arg6[%parallel_loop3A_134, %parallel_loop3A_618, %parallel_loop3A_619] : memref<4x200x64xf32, #tpu.memory_space<vmem>> -> memref<1x200x64xf32, #tpu.memory_space<vmem>>
        %parallel_loop3A_621 = tpu.memref_squeeze %parallel_loop3A_620 : memref<1x200x64xf32, #tpu.memory_space<vmem>> -> memref<200x64xf32, #tpu.memory_space<vmem>>
        %parallel_loop3A_622 = arith.index_cast %parallel_loop3A_617 : i32 to index
        %parallel_loop3A_623 = arith.constant 48 : index
        %parallel_loop3A_624 = tpu.vector_load %parallel_loop3A_621[%parallel_loop3A_622, %parallel_loop3A_623] {strides = array<i32>} : memref<200x64xf32, #tpu.memory_space<vmem>>, vector<1x16xf32>,
        %parallel_loop3A_625 = vector.shape_cast %parallel_loop3A_624 : vector<1x16xf32> to vector<16xf32>
        %parallel_loop3A_626 = arith.addf %parallel_loop3A_538, %parallel_loop3A_625 : vector<16xf32>
        %parallel_loop3A_627 = arith.constant 7 : i32
        %parallel_loop3A_628 = arith.addi %parallel_loop3A_310, %parallel_loop3A_627 : i32
        %parallel_loop3A_629 = arith.constant 0 : i32
        %parallel_loop3A_630 = arith.constant 0 : i32
        %parallel_loop3A_631 = tpu.memref_slice %arg6[%parallel_loop3A_134, %parallel_loop3A_629, %parallel_loop3A_630] : memref<4x200x64xf32, #tpu.memory_space<vmem>> -> memref<1x200x64xf32, #tpu.memory_space<vmem>>
        %parallel_loop3A_632 = tpu.memref_squeeze %parallel_loop3A_631 : memref<1x200x64xf32, #tpu.memory_space<vmem>> -> memref<200x64xf32, #tpu.memory_space<vmem>>
        %parallel_loop3A_633 = arith.index_cast %parallel_loop3A_628 : i32 to index
        %parallel_loop3A_634 = arith.constant 0 : index
        %parallel_loop3A_635 = tpu.vector_load %parallel_loop3A_632[%parallel_loop3A_633, %parallel_loop3A_634] {strides = array<i32>} : memref<200x64xf32, #tpu.memory_space<vmem>>, vector<1x16xf32>,
        %parallel_loop3A_636 = vector.shape_cast %parallel_loop3A_635 : vector<1x16xf32> to vector<16xf32>
        %parallel_loop3A_637 = arith.addf %parallel_loop3A_549, %parallel_loop3A_636 : vector<16xf32>
        %parallel_loop3A_638 = arith.constant 7 : i32
        %parallel_loop3A_639 = arith.addi %parallel_loop3A_310, %parallel_loop3A_638 : i32
        %parallel_loop3A_640 = arith.constant 0 : i32
        %parallel_loop3A_641 = arith.constant 0 : i32
        %parallel_loop3A_642 = tpu.memref_slice %arg6[%parallel_loop3A_134, %parallel_loop3A_640, %parallel_loop3A_641] : memref<4x200x64xf32, #tpu.memory_space<vmem>> -> memref<1x200x64xf32, #tpu.memory_space<vmem>>
        %parallel_loop3A_643 = tpu.memref_squeeze %parallel_loop3A_642 : memref<1x200x64xf32, #tpu.memory_space<vmem>> -> memref<200x64xf32, #tpu.memory_space<vmem>>
        %parallel_loop3A_644 = arith.index_cast %parallel_loop3A_639 : i32 to index
        %parallel_loop3A_645 = arith.constant 16 : index
        %parallel_loop3A_646 = tpu.vector_load %parallel_loop3A_643[%parallel_loop3A_644, %parallel_loop3A_645] {strides = array<i32>} : memref<200x64xf32, #tpu.memory_space<vmem>>, vector<1x16xf32>,
        %parallel_loop3A_647 = vector.shape_cast %parallel_loop3A_646 : vector<1x16xf32> to vector<16xf32>
        %parallel_loop3A_648 = arith.addf %parallel_loop3A_560, %parallel_loop3A_647 : vector<16xf32>
        %parallel_loop3A_649 = arith.constant 7 : i32
        %parallel_loop3A_650 = arith.addi %parallel_loop3A_310, %parallel_loop3A_649 : i32
        %parallel_loop3A_651 = arith.constant 0 : i32
        %parallel_loop3A_652 = arith.constant 0 : i32
        %parallel_loop3A_653 = tpu.memref_slice %arg6[%parallel_loop3A_134, %parallel_loop3A_651, %parallel_loop3A_652] : memref<4x200x64xf32, #tpu.memory_space<vmem>> -> memref<1x200x64xf32, #tpu.memory_space<vmem>>
        %parallel_loop3A_654 = tpu.memref_squeeze %parallel_loop3A_653 : memref<1x200x64xf32, #tpu.memory_space<vmem>> -> memref<200x64xf32, #tpu.memory_space<vmem>>
        %parallel_loop3A_655 = arith.index_cast %parallel_loop3A_650 : i32 to index
        %parallel_loop3A_656 = arith.constant 32 : index
        %parallel_loop3A_657 = tpu.vector_load %parallel_loop3A_654[%parallel_loop3A_655, %parallel_loop3A_656] {strides = array<i32>} : memref<200x64xf32, #tpu.memory_space<vmem>>, vector<1x16xf32>,
        %parallel_loop3A_658 = vector.shape_cast %parallel_loop3A_657 : vector<1x16xf32> to vector<16xf32>
        %parallel_loop3A_659 = arith.addf %parallel_loop3A_571, %parallel_loop3A_658 : vector<16xf32>
        %parallel_loop3A_660 = arith.constant 7 : i32
        %parallel_loop3A_661 = arith.addi %parallel_loop3A_310, %parallel_loop3A_660 : i32
        %parallel_loop3A_662 = arith.constant 0 : i32
        %parallel_loop3A_663 = arith.constant 0 : i32
        %parallel_loop3A_664 = tpu.memref_slice %arg6[%parallel_loop3A_134, %parallel_loop3A_662, %parallel_loop3A_663] : memref<4x200x64xf32, #tpu.memory_space<vmem>> -> memref<1x200x64xf32, #tpu.memory_space<vmem>>
        %parallel_loop3A_665 = tpu.memref_squeeze %parallel_loop3A_664 : memref<1x200x64xf32, #tpu.memory_space<vmem>> -> memref<200x64xf32, #tpu.memory_space<vmem>>
        %parallel_loop3A_666 = arith.index_cast %parallel_loop3A_661 : i32 to index
        %parallel_loop3A_667 = arith.constant 48 : index
        %parallel_loop3A_668 = tpu.vector_load %parallel_loop3A_665[%parallel_loop3A_666, %parallel_loop3A_667] {strides = array<i32>} : memref<200x64xf32, #tpu.memory_space<vmem>>, vector<1x16xf32>,
        %parallel_loop3A_669 = vector.shape_cast %parallel_loop3A_668 : vector<1x16xf32> to vector<16xf32>
        %parallel_loop3A_670 = arith.addf %parallel_loop3A_582, %parallel_loop3A_669 : vector<16xf32>
        scf.yield %parallel_loop3A_593, %parallel_loop3A_604, %parallel_loop3A_615, %parallel_loop3A_626, %parallel_loop3A_637, %parallel_loop3A_648, %parallel_loop3A_659, %parallel_loop3A_670 : vector<16xf32>, vector<16xf32>, vector<16xf32>, vector<16xf32>, vector<16xf32>, vector<16xf32>, vector<16xf32>, vector<16xf32>
      } {sc.loop_unroll_factor = 1 : i64, sc.parallel_access}
      %add3A_136 = arith.addf %parallel_loop3A_135#0, %parallel_loop3A_135#4 : vector<16xf32>
      %mul3A_137 = arith.constant 5.000000e-03 : f32
      %mul3A_138 = vector.broadcast %mul3A_137 : f32 to vector<16xf32>
      %mul3A_139 = arith.mulf %add3A_136, %mul3A_138 : vector<16xf32>
      %swap3A_140 = arith.index_cast %add3A_117 : i32 to index
      %swap3A_141 = arith.constant 0 : index
      %swap3A_142 = tpu.vector_load %arg7[%swap3A_140, %swap3A_141] {strides = array<i32>} : memref<128x64xf32, #tpu.memory_space<vmem>>, vector<1x16xf32>,
      %swap3A_143 = vector.shape_cast %swap3A_142 : vector<1x16xf32> to vector<16xf32>
      %swap3A_144 = vector.shape_cast %mul3A_139 : vector<16xf32> to vector<1x16xf32>
      tpu.vector_store %arg7[%swap3A_140, %swap3A_141], %swap3A_144 {strides = array<i32>} : memref<128x64xf32, #tpu.memory_space<vmem>>, vector<1x16xf32>,
      %add3A_145 = arith.addf %parallel_loop3A_135#1, %parallel_loop3A_135#5 : vector<16xf32>
      %mul3A_146 = arith.constant 5.000000e-03 : f32
      %mul3A_147 = vector.broadcast %mul3A_146 : f32 to vector<16xf32>
      %mul3A_148 = arith.mulf %add3A_145, %mul3A_147 : vector<16xf32>
      %swap3A_149 = arith.index_cast %add3A_117 : i32 to index
      %swap3A_150 = arith.constant 16 : index
      %swap3A_151 = tpu.vector_load %arg7[%swap3A_149, %swap3A_150] {strides = array<i32>} : memref<128x64xf32, #tpu.memory_space<vmem>>, vector<1x16xf32>,
      %swap3A_152 = vector.shape_cast %swap3A_151 : vector<1x16xf32> to vector<16xf32>
      %swap3A_153 = vector.shape_cast %mul3A_148 : vector<16xf32> to vector<1x16xf32>
      tpu.vector_store %arg7[%swap3A_149, %swap3A_150], %swap3A_153 {strides = array<i32>} : memref<128x64xf32, #tpu.memory_space<vmem>>, vector<1x16xf32>,
      %add3A_154 = arith.addf %parallel_loop3A_135#2, %parallel_loop3A_135#6 : vector<16xf32>
      %mul3A_155 = arith.constant 5.000000e-03 : f32
      %mul3A_156 = vector.broadcast %mul3A_155 : f32 to vector<16xf32>
      %mul3A_157 = arith.mulf %add3A_154, %mul3A_156 : vector<16xf32>
      %swap3A_158 = arith.index_cast %add3A_117 : i32 to index
      %swap3A_159 = arith.constant 32 : index
      %swap3A_160 = tpu.vector_load %arg7[%swap3A_158, %swap3A_159] {strides = array<i32>} : memref<128x64xf32, #tpu.memory_space<vmem>>, vector<1x16xf32>,
      %swap3A_161 = vector.shape_cast %swap3A_160 : vector<1x16xf32> to vector<16xf32>
      %swap3A_162 = vector.shape_cast %mul3A_157 : vector<16xf32> to vector<1x16xf32>
      tpu.vector_store %arg7[%swap3A_158, %swap3A_159], %swap3A_162 {strides = array<i32>} : memref<128x64xf32, #tpu.memory_space<vmem>>, vector<1x16xf32>,
      %add3A_163 = arith.addf %parallel_loop3A_135#3, %parallel_loop3A_135#7 : vector<16xf32>
      %mul3A_164 = arith.constant 5.000000e-03 : f32
      %mul3A_165 = vector.broadcast %mul3A_164 : f32 to vector<16xf32>
      %mul3A_166 = arith.mulf %add3A_163, %mul3A_165 : vector<16xf32>
      %swap3A_167 = arith.index_cast %add3A_117 : i32 to index
      %swap3A_168 = arith.constant 48 : index
      %swap3A_169 = tpu.vector_load %arg7[%swap3A_167, %swap3A_168] {strides = array<i32>} : memref<128x64xf32, #tpu.memory_space<vmem>>, vector<1x16xf32>,
      %swap3A_170 = vector.shape_cast %swap3A_169 : vector<1x16xf32> to vector<16xf32>
      %swap3A_171 = vector.shape_cast %mul3A_166 : vector<16xf32> to vector<1x16xf32>
      tpu.vector_store %arg7[%swap3A_167, %swap3A_168], %swap3A_171 {strides = array<i32>} : memref<128x64xf32, #tpu.memory_space<vmem>>, vector<1x16xf32>,
      %add3A_172 = arith.constant 4 : i32
      %add3A_173 = arith.addi %add3A_117, %add3A_172 : i32
      %lt3A_174 = arith.constant 128 : i32
      %lt3A_175 = arith.cmpi slt, %add3A_173, %lt3A_174 : i32
      %convert_element_type3A_176 = arith.extui %lt3A_175 : i1 to i32
      %cond3A_177 = arith.constant 0 : i32
      %cond3A_178 = arith.cmpi ne, %convert_element_type3A_176, %cond3A_177 : i32
      scf.if %cond3A_178 {
        %add3A_310 = arith.constant 4 : i32
        %add3A_311 = arith.addi %add3A_117, %add3A_310 : i32
        %mul3A_312 = arith.constant 200 : i32
        %mul3A_313 = arith.muli %add3A_311, %mul3A_312 : i32
        %dma_start3A_314 = arith.constant 1 : i32
        %dma_start3A_315 = arith.constant 0 : i32
        %dma_start3A_316 = arith.constant 0 : i32
        %dma_start3A_317 = tpu.memref_slice %arg6[%dma_start3A_314, %dma_start3A_315, %dma_start3A_316] : memref<4x200x64xf32, #tpu.memory_space<vmem>> -> memref<1x200x64xf32, #tpu.memory_space<vmem>>
        %dma_start3A_318 = tpu.memref_squeeze %dma_start3A_317 : memref<1x200x64xf32, #tpu.memory_space<vmem>> -> memref<200x64xf32, #tpu.memory_space<vmem>>
        %dma_start3A_319 = tpu.memref_slice %arg5[%mul3A_313] : memref<25600xi32, #tpu.memory_space<vmem>> -> memref<200xi32, #tpu.memory_space<vmem>>
        %dma_start3A_320 = arith.constant 0 : i32
        %dma_start3A_321 = arith.constant 0 : i32
        %dma_start3A_322 = tpu.memref_slice %arg3[%dma_start3A_320, %dma_start3A_321] : memref<1000000x64xf32, #tpu.memory_space<hbm>> -> memref<1000000x64xf32, #tpu.memory_space<hbm>>
        tpu.enqueue_indirect_dma source(%dma_start3A_322 : memref<1000000x64xf32, #tpu.memory_space<hbm>>) target(%dma_start3A_318 : memref<200x64xf32, #tpu.memory_space<vmem>>) offsets(%dma_start3A_319 : memref<200xi32, #tpu.memory_space<vmem>>) semaphore(%arg10 : memref<!tpu.dma_semaphore, #tpu.memory_space<semaphore_mem>>)
      } else {
      }
      %mul3A_179 = arith.constant 4 : i32
      %mul3A_180 = arith.muli %scan3A_53, %mul3A_179 : i32
      %add3A_181 = arith.constant 2 : i32
      %add3A_182 = arith.addi %mul3A_180, %add3A_181 : i32
      %mul3A_183 = arith.constant 200 : i32
      %mul3A_184 = arith.muli %add3A_182, %mul3A_183 : i32
      %dma_wait3A_185 = arith.constant 2 : i32
      %dma_wait3A_186 = arith.constant 0 : i32
      %dma_wait3A_187 = arith.constant 0 : i32
      %dma_wait3A_188 = tpu.memref_slice %arg6[%dma_wait3A_185, %dma_wait3A_186, %dma_wait3A_187] : memref<4x200x64xf32, #tpu.memory_space<vmem>> -> memref<1x200x64xf32, #tpu.memory_space<vmem>>
      %dma_wait3A_189 = tpu.memref_squeeze %dma_wait3A_188 : memref<1x200x64xf32, #tpu.memory_space<vmem>> -> memref<200x64xf32, #tpu.memory_space<vmem>>
      %dma_wait3A_190 = tpu.memref_slice %arg5[%mul3A_184] : memref<25600xi32, #tpu.memory_space<vmem>> -> memref<200xi32, #tpu.memory_space<vmem>>
      %dma_wait3A_191 = arith.constant 0 : i32
      %dma_wait3A_192 = arith.constant 0 : i32
      %dma_wait3A_193 = tpu.memref_slice %arg3[%dma_wait3A_191, %dma_wait3A_192] : memref<1000000x64xf32, #tpu.memory_space<hbm>> -> memref<1000000x64xf32, #tpu.memory_space<hbm>>
      tpu.wait_indirect_dma semaphore(%arg11 : memref<!tpu.dma_semaphore, #tpu.memory_space<semaphore_mem>>) src(%dma_wait3A_193 : memref<1000000x64xf32, #tpu.memory_space<hbm>>) dst(%dma_wait3A_189 : memref<200x64xf32, #tpu.memory_space<vmem>>)
      %broadcast_in_dim3A_194 = arith.constant 0.000000e+00 : f32
      %broadcast_in_dim3A_195 = vector.broadcast %broadcast_in_dim3A_194 : f32 to vector<16xf32>
      %parallel_loop3A_196 = arith.constant 0 : i32
      %parallel_loop3A_197 = arith.constant 200 : i32
      %parallel_loop3A_198 = arith.constant 8 : i32
      %parallel_loop3A_199 = arith.constant 2 : i32
      %parallel_loop3A_200:8 = scf.for %parallel_loop3A_310 = %parallel_loop3A_196 to %parallel_loop3A_197 step %parallel_loop3A_198 iter_args(%parallel_loop3A_311 = %broadcast_in_dim3A_195, %parallel_loop3A_312 = %broadcast_in_dim3A_195, %parallel_loop3A_313 = %broadcast_in_dim3A_195, %parallel_loop3A_314 = %broadcast_in_dim3A_195, %parallel_loop3A_315 = %broadcast_in_dim3A_195, %parallel_loop3A_316 = %broadcast_in_dim3A_195, %parallel_loop3A_317 = %broadcast_in_dim3A_195, %parallel_loop3A_318 = %broadcast_in_dim3A_195) -> (vector<16xf32>, vector<16xf32>, vector<16xf32>, vector<16xf32>, vector<16xf32>, vector<16xf32>, vector<16xf32>, vector<16xf32>)  : i32 {
        %parallel_loop3A_319 = arith.constant 0 : i32
        %parallel_loop3A_320 = arith.addi %parallel_loop3A_310, %parallel_loop3A_319 : i32
        %parallel_loop3A_321 = arith.constant 0 : i32
        %parallel_loop3A_322 = arith.constant 0 : i32
        %parallel_loop3A_323 = tpu.memref_slice %arg6[%parallel_loop3A_199, %parallel_loop3A_321, %parallel_loop3A_322] : memref<4x200x64xf32, #tpu.memory_space<vmem>> -> memref<1x200x64xf32, #tpu.memory_space<vmem>>
        %parallel_loop3A_324 = tpu.memref_squeeze %parallel_loop3A_323 : memref<1x200x64xf32, #tpu.memory_space<vmem>> -> memref<200x64xf32, #tpu.memory_space<vmem>>
        %parallel_loop3A_325 = arith.index_cast %parallel_loop3A_320 : i32 to index
        %parallel_loop3A_326 = arith.constant 0 : index
        %parallel_loop3A_327 = tpu.vector_load %parallel_loop3A_324[%parallel_loop3A_325, %parallel_loop3A_326] {strides = array<i32>} : memref<200x64xf32, #tpu.memory_space<vmem>>, vector<1x16xf32>,
        %parallel_loop3A_328 = vector.shape_cast %parallel_loop3A_327 : vector<1x16xf32> to vector<16xf32>
        %parallel_loop3A_329 = arith.addf %parallel_loop3A_311, %parallel_loop3A_328 : vector<16xf32>
        %parallel_loop3A_330 = arith.constant 0 : i32
        %parallel_loop3A_331 = arith.addi %parallel_loop3A_310, %parallel_loop3A_330 : i32
        %parallel_loop3A_332 = arith.constant 0 : i32
        %parallel_loop3A_333 = arith.constant 0 : i32
        %parallel_loop3A_334 = tpu.memref_slice %arg6[%parallel_loop3A_199, %parallel_loop3A_332, %parallel_loop3A_333] : memref<4x200x64xf32, #tpu.memory_space<vmem>> -> memref<1x200x64xf32, #tpu.memory_space<vmem>>
        %parallel_loop3A_335 = tpu.memref_squeeze %parallel_loop3A_334 : memref<1x200x64xf32, #tpu.memory_space<vmem>> -> memref<200x64xf32, #tpu.memory_space<vmem>>
        %parallel_loop3A_336 = arith.index_cast %parallel_loop3A_331 : i32 to index
        %parallel_loop3A_337 = arith.constant 16 : index
        %parallel_loop3A_338 = tpu.vector_load %parallel_loop3A_335[%parallel_loop3A_336, %parallel_loop3A_337] {strides = array<i32>} : memref<200x64xf32, #tpu.memory_space<vmem>>, vector<1x16xf32>,
        %parallel_loop3A_339 = vector.shape_cast %parallel_loop3A_338 : vector<1x16xf32> to vector<16xf32>
        %parallel_loop3A_340 = arith.addf %parallel_loop3A_312, %parallel_loop3A_339 : vector<16xf32>
        %parallel_loop3A_341 = arith.constant 0 : i32
        %parallel_loop3A_342 = arith.addi %parallel_loop3A_310, %parallel_loop3A_341 : i32
        %parallel_loop3A_343 = arith.constant 0 : i32
        %parallel_loop3A_344 = arith.constant 0 : i32
        %parallel_loop3A_345 = tpu.memref_slice %arg6[%parallel_loop3A_199, %parallel_loop3A_343, %parallel_loop3A_344] : memref<4x200x64xf32, #tpu.memory_space<vmem>> -> memref<1x200x64xf32, #tpu.memory_space<vmem>>
        %parallel_loop3A_346 = tpu.memref_squeeze %parallel_loop3A_345 : memref<1x200x64xf32, #tpu.memory_space<vmem>> -> memref<200x64xf32, #tpu.memory_space<vmem>>
        %parallel_loop3A_347 = arith.index_cast %parallel_loop3A_342 : i32 to index
        %parallel_loop3A_348 = arith.constant 32 : index
        %parallel_loop3A_349 = tpu.vector_load %parallel_loop3A_346[%parallel_loop3A_347, %parallel_loop3A_348] {strides = array<i32>} : memref<200x64xf32, #tpu.memory_space<vmem>>, vector<1x16xf32>,
        %parallel_loop3A_350 = vector.shape_cast %parallel_loop3A_349 : vector<1x16xf32> to vector<16xf32>
        %parallel_loop3A_351 = arith.addf %parallel_loop3A_313, %parallel_loop3A_350 : vector<16xf32>
        %parallel_loop3A_352 = arith.constant 0 : i32
        %parallel_loop3A_353 = arith.addi %parallel_loop3A_310, %parallel_loop3A_352 : i32
        %parallel_loop3A_354 = arith.constant 0 : i32
        %parallel_loop3A_355 = arith.constant 0 : i32
        %parallel_loop3A_356 = tpu.memref_slice %arg6[%parallel_loop3A_199, %parallel_loop3A_354, %parallel_loop3A_355] : memref<4x200x64xf32, #tpu.memory_space<vmem>> -> memref<1x200x64xf32, #tpu.memory_space<vmem>>
        %parallel_loop3A_357 = tpu.memref_squeeze %parallel_loop3A_356 : memref<1x200x64xf32, #tpu.memory_space<vmem>> -> memref<200x64xf32, #tpu.memory_space<vmem>>
        %parallel_loop3A_358 = arith.index_cast %parallel_loop3A_353 : i32 to index
        %parallel_loop3A_359 = arith.constant 48 : index
        %parallel_loop3A_360 = tpu.vector_load %parallel_loop3A_357[%parallel_loop3A_358, %parallel_loop3A_359] {strides = array<i32>} : memref<200x64xf32, #tpu.memory_space<vmem>>, vector<1x16xf32>,
        %parallel_loop3A_361 = vector.shape_cast %parallel_loop3A_360 : vector<1x16xf32> to vector<16xf32>
        %parallel_loop3A_362 = arith.addf %parallel_loop3A_314, %parallel_loop3A_361 : vector<16xf32>
        %parallel_loop3A_363 = arith.constant 1 : i32
        %parallel_loop3A_364 = arith.addi %parallel_loop3A_310, %parallel_loop3A_363 : i32
        %parallel_loop3A_365 = arith.constant 0 : i32
        %parallel_loop3A_366 = arith.constant 0 : i32
        %parallel_loop3A_367 = tpu.memref_slice %arg6[%parallel_loop3A_199, %parallel_loop3A_365, %parallel_loop3A_366] : memref<4x200x64xf32, #tpu.memory_space<vmem>> -> memref<1x200x64xf32, #tpu.memory_space<vmem>>
        %parallel_loop3A_368 = tpu.memref_squeeze %parallel_loop3A_367 : memref<1x200x64xf32, #tpu.memory_space<vmem>> -> memref<200x64xf32, #tpu.memory_space<vmem>>
        %parallel_loop3A_369 = arith.index_cast %parallel_loop3A_364 : i32 to index
        %parallel_loop3A_370 = arith.constant 0 : index
        %parallel_loop3A_371 = tpu.vector_load %parallel_loop3A_368[%parallel_loop3A_369, %parallel_loop3A_370] {strides = array<i32>} : memref<200x64xf32, #tpu.memory_space<vmem>>, vector<1x16xf32>,
        %parallel_loop3A_372 = vector.shape_cast %parallel_loop3A_371 : vector<1x16xf32> to vector<16xf32>
        %parallel_loop3A_373 = arith.addf %parallel_loop3A_315, %parallel_loop3A_372 : vector<16xf32>
        %parallel_loop3A_374 = arith.constant 1 : i32
        %parallel_loop3A_375 = arith.addi %parallel_loop3A_310, %parallel_loop3A_374 : i32
        %parallel_loop3A_376 = arith.constant 0 : i32
        %parallel_loop3A_377 = arith.constant 0 : i32
        %parallel_loop3A_378 = tpu.memref_slice %arg6[%parallel_loop3A_199, %parallel_loop3A_376, %parallel_loop3A_377] : memref<4x200x64xf32, #tpu.memory_space<vmem>> -> memref<1x200x64xf32, #tpu.memory_space<vmem>>
        %parallel_loop3A_379 = tpu.memref_squeeze %parallel_loop3A_378 : memref<1x200x64xf32, #tpu.memory_space<vmem>> -> memref<200x64xf32, #tpu.memory_space<vmem>>
        %parallel_loop3A_380 = arith.index_cast %parallel_loop3A_375 : i32 to index
        %parallel_loop3A_381 = arith.constant 16 : index
        %parallel_loop3A_382 = tpu.vector_load %parallel_loop3A_379[%parallel_loop3A_380, %parallel_loop3A_381] {strides = array<i32>} : memref<200x64xf32, #tpu.memory_space<vmem>>, vector<1x16xf32>,
        %parallel_loop3A_383 = vector.shape_cast %parallel_loop3A_382 : vector<1x16xf32> to vector<16xf32>
        %parallel_loop3A_384 = arith.addf %parallel_loop3A_316, %parallel_loop3A_383 : vector<16xf32>
        %parallel_loop3A_385 = arith.constant 1 : i32
        %parallel_loop3A_386 = arith.addi %parallel_loop3A_310, %parallel_loop3A_385 : i32
        %parallel_loop3A_387 = arith.constant 0 : i32
        %parallel_loop3A_388 = arith.constant 0 : i32
        %parallel_loop3A_389 = tpu.memref_slice %arg6[%parallel_loop3A_199, %parallel_loop3A_387, %parallel_loop3A_388] : memref<4x200x64xf32, #tpu.memory_space<vmem>> -> memref<1x200x64xf32, #tpu.memory_space<vmem>>
        %parallel_loop3A_390 = tpu.memref_squeeze %parallel_loop3A_389 : memref<1x200x64xf32, #tpu.memory_space<vmem>> -> memref<200x64xf32, #tpu.memory_space<vmem>>
        %parallel_loop3A_391 = arith.index_cast %parallel_loop3A_386 : i32 to index
        %parallel_loop3A_392 = arith.constant 32 : index
        %parallel_loop3A_393 = tpu.vector_load %parallel_loop3A_390[%parallel_loop3A_391, %parallel_loop3A_392] {strides = array<i32>} : memref<200x64xf32, #tpu.memory_space<vmem>>, vector<1x16xf32>,
        %parallel_loop3A_394 = vector.shape_cast %parallel_loop3A_393 : vector<1x16xf32> to vector<16xf32>
        %parallel_loop3A_395 = arith.addf %parallel_loop3A_317, %parallel_loop3A_394 : vector<16xf32>
        %parallel_loop3A_396 = arith.constant 1 : i32
        %parallel_loop3A_397 = arith.addi %parallel_loop3A_310, %parallel_loop3A_396 : i32
        %parallel_loop3A_398 = arith.constant 0 : i32
        %parallel_loop3A_399 = arith.constant 0 : i32
        %parallel_loop3A_400 = tpu.memref_slice %arg6[%parallel_loop3A_199, %parallel_loop3A_398, %parallel_loop3A_399] : memref<4x200x64xf32, #tpu.memory_space<vmem>> -> memref<1x200x64xf32, #tpu.memory_space<vmem>>
        %parallel_loop3A_401 = tpu.memref_squeeze %parallel_loop3A_400 : memref<1x200x64xf32, #tpu.memory_space<vmem>> -> memref<200x64xf32, #tpu.memory_space<vmem>>
        %parallel_loop3A_402 = arith.index_cast %parallel_loop3A_397 : i32 to index
        %parallel_loop3A_403 = arith.constant 48 : index
        %parallel_loop3A_404 = tpu.vector_load %parallel_loop3A_401[%parallel_loop3A_402, %parallel_loop3A_403] {strides = array<i32>} : memref<200x64xf32, #tpu.memory_space<vmem>>, vector<1x16xf32>,
        %parallel_loop3A_405 = vector.shape_cast %parallel_loop3A_404 : vector<1x16xf32> to vector<16xf32>
        %parallel_loop3A_406 = arith.addf %parallel_loop3A_318, %parallel_loop3A_405 : vector<16xf32>
        %parallel_loop3A_407 = arith.constant 2 : i32
        %parallel_loop3A_408 = arith.addi %parallel_loop3A_310, %parallel_loop3A_407 : i32
        %parallel_loop3A_409 = arith.constant 0 : i32
        %parallel_loop3A_410 = arith.constant 0 : i32
        %parallel_loop3A_411 = tpu.memref_slice %arg6[%parallel_loop3A_199, %parallel_loop3A_409, %parallel_loop3A_410] : memref<4x200x64xf32, #tpu.memory_space<vmem>> -> memref<1x200x64xf32, #tpu.memory_space<vmem>>
        %parallel_loop3A_412 = tpu.memref_squeeze %parallel_loop3A_411 : memref<1x200x64xf32, #tpu.memory_space<vmem>> -> memref<200x64xf32, #tpu.memory_space<vmem>>
        %parallel_loop3A_413 = arith.index_cast %parallel_loop3A_408 : i32 to index
        %parallel_loop3A_414 = arith.constant 0 : index
        %parallel_loop3A_415 = tpu.vector_load %parallel_loop3A_412[%parallel_loop3A_413, %parallel_loop3A_414] {strides = array<i32>} : memref<200x64xf32, #tpu.memory_space<vmem>>, vector<1x16xf32>,
        %parallel_loop3A_416 = vector.shape_cast %parallel_loop3A_415 : vector<1x16xf32> to vector<16xf32>
        %parallel_loop3A_417 = arith.addf %parallel_loop3A_329, %parallel_loop3A_416 : vector<16xf32>
        %parallel_loop3A_418 = arith.constant 2 : i32
        %parallel_loop3A_419 = arith.addi %parallel_loop3A_310, %parallel_loop3A_418 : i32
        %parallel_loop3A_420 = arith.constant 0 : i32
        %parallel_loop3A_421 = arith.constant 0 : i32
        %parallel_loop3A_422 = tpu.memref_slice %arg6[%parallel_loop3A_199, %parallel_loop3A_420, %parallel_loop3A_421] : memref<4x200x64xf32, #tpu.memory_space<vmem>> -> memref<1x200x64xf32, #tpu.memory_space<vmem>>
        %parallel_loop3A_423 = tpu.memref_squeeze %parallel_loop3A_422 : memref<1x200x64xf32, #tpu.memory_space<vmem>> -> memref<200x64xf32, #tpu.memory_space<vmem>>
        %parallel_loop3A_424 = arith.index_cast %parallel_loop3A_419 : i32 to index
        %parallel_loop3A_425 = arith.constant 16 : index
        %parallel_loop3A_426 = tpu.vector_load %parallel_loop3A_423[%parallel_loop3A_424, %parallel_loop3A_425] {strides = array<i32>} : memref<200x64xf32, #tpu.memory_space<vmem>>, vector<1x16xf32>,
        %parallel_loop3A_427 = vector.shape_cast %parallel_loop3A_426 : vector<1x16xf32> to vector<16xf32>
        %parallel_loop3A_428 = arith.addf %parallel_loop3A_340, %parallel_loop3A_427 : vector<16xf32>
        %parallel_loop3A_429 = arith.constant 2 : i32
        %parallel_loop3A_430 = arith.addi %parallel_loop3A_310, %parallel_loop3A_429 : i32
        %parallel_loop3A_431 = arith.constant 0 : i32
        %parallel_loop3A_432 = arith.constant 0 : i32
        %parallel_loop3A_433 = tpu.memref_slice %arg6[%parallel_loop3A_199, %parallel_loop3A_431, %parallel_loop3A_432] : memref<4x200x64xf32, #tpu.memory_space<vmem>> -> memref<1x200x64xf32, #tpu.memory_space<vmem>>
        %parallel_loop3A_434 = tpu.memref_squeeze %parallel_loop3A_433 : memref<1x200x64xf32, #tpu.memory_space<vmem>> -> memref<200x64xf32, #tpu.memory_space<vmem>>
        %parallel_loop3A_435 = arith.index_cast %parallel_loop3A_430 : i32 to index
        %parallel_loop3A_436 = arith.constant 32 : index
        %parallel_loop3A_437 = tpu.vector_load %parallel_loop3A_434[%parallel_loop3A_435, %parallel_loop3A_436] {strides = array<i32>} : memref<200x64xf32, #tpu.memory_space<vmem>>, vector<1x16xf32>,
        %parallel_loop3A_438 = vector.shape_cast %parallel_loop3A_437 : vector<1x16xf32> to vector<16xf32>
        %parallel_loop3A_439 = arith.addf %parallel_loop3A_351, %parallel_loop3A_438 : vector<16xf32>
        %parallel_loop3A_440 = arith.constant 2 : i32
        %parallel_loop3A_441 = arith.addi %parallel_loop3A_310, %parallel_loop3A_440 : i32
        %parallel_loop3A_442 = arith.constant 0 : i32
        %parallel_loop3A_443 = arith.constant 0 : i32
        %parallel_loop3A_444 = tpu.memref_slice %arg6[%parallel_loop3A_199, %parallel_loop3A_442, %parallel_loop3A_443] : memref<4x200x64xf32, #tpu.memory_space<vmem>> -> memref<1x200x64xf32, #tpu.memory_space<vmem>>
        %parallel_loop3A_445 = tpu.memref_squeeze %parallel_loop3A_444 : memref<1x200x64xf32, #tpu.memory_space<vmem>> -> memref<200x64xf32, #tpu.memory_space<vmem>>
        %parallel_loop3A_446 = arith.index_cast %parallel_loop3A_441 : i32 to index
        %parallel_loop3A_447 = arith.constant 48 : index
        %parallel_loop3A_448 = tpu.vector_load %parallel_loop3A_445[%parallel_loop3A_446, %parallel_loop3A_447] {strides = array<i32>} : memref<200x64xf32, #tpu.memory_space<vmem>>, vector<1x16xf32>,
        %parallel_loop3A_449 = vector.shape_cast %parallel_loop3A_448 : vector<1x16xf32> to vector<16xf32>
        %parallel_loop3A_450 = arith.addf %parallel_loop3A_362, %parallel_loop3A_449 : vector<16xf32>
        %parallel_loop3A_451 = arith.constant 3 : i32
        %parallel_loop3A_452 = arith.addi %parallel_loop3A_310, %parallel_loop3A_451 : i32
        %parallel_loop3A_453 = arith.constant 0 : i32
        %parallel_loop3A_454 = arith.constant 0 : i32
        %parallel_loop3A_455 = tpu.memref_slice %arg6[%parallel_loop3A_199, %parallel_loop3A_453, %parallel_loop3A_454] : memref<4x200x64xf32, #tpu.memory_space<vmem>> -> memref<1x200x64xf32, #tpu.memory_space<vmem>>
        %parallel_loop3A_456 = tpu.memref_squeeze %parallel_loop3A_455 : memref<1x200x64xf32, #tpu.memory_space<vmem>> -> memref<200x64xf32, #tpu.memory_space<vmem>>
        %parallel_loop3A_457 = arith.index_cast %parallel_loop3A_452 : i32 to index
        %parallel_loop3A_458 = arith.constant 0 : index
        %parallel_loop3A_459 = tpu.vector_load %parallel_loop3A_456[%parallel_loop3A_457, %parallel_loop3A_458] {strides = array<i32>} : memref<200x64xf32, #tpu.memory_space<vmem>>, vector<1x16xf32>,
        %parallel_loop3A_460 = vector.shape_cast %parallel_loop3A_459 : vector<1x16xf32> to vector<16xf32>
        %parallel_loop3A_461 = arith.addf %parallel_loop3A_373, %parallel_loop3A_460 : vector<16xf32>
        %parallel_loop3A_462 = arith.constant 3 : i32
        %parallel_loop3A_463 = arith.addi %parallel_loop3A_310, %parallel_loop3A_462 : i32
        %parallel_loop3A_464 = arith.constant 0 : i32
        %parallel_loop3A_465 = arith.constant 0 : i32
        %parallel_loop3A_466 = tpu.memref_slice %arg6[%parallel_loop3A_199, %parallel_loop3A_464, %parallel_loop3A_465] : memref<4x200x64xf32, #tpu.memory_space<vmem>> -> memref<1x200x64xf32, #tpu.memory_space<vmem>>
        %parallel_loop3A_467 = tpu.memref_squeeze %parallel_loop3A_466 : memref<1x200x64xf32, #tpu.memory_space<vmem>> -> memref<200x64xf32, #tpu.memory_space<vmem>>
        %parallel_loop3A_468 = arith.index_cast %parallel_loop3A_463 : i32 to index
        %parallel_loop3A_469 = arith.constant 16 : index
        %parallel_loop3A_470 = tpu.vector_load %parallel_loop3A_467[%parallel_loop3A_468, %parallel_loop3A_469] {strides = array<i32>} : memref<200x64xf32, #tpu.memory_space<vmem>>, vector<1x16xf32>,
        %parallel_loop3A_471 = vector.shape_cast %parallel_loop3A_470 : vector<1x16xf32> to vector<16xf32>
        %parallel_loop3A_472 = arith.addf %parallel_loop3A_384, %parallel_loop3A_471 : vector<16xf32>
        %parallel_loop3A_473 = arith.constant 3 : i32
        %parallel_loop3A_474 = arith.addi %parallel_loop3A_310, %parallel_loop3A_473 : i32
        %parallel_loop3A_475 = arith.constant 0 : i32
        %parallel_loop3A_476 = arith.constant 0 : i32
        %parallel_loop3A_477 = tpu.memref_slice %arg6[%parallel_loop3A_199, %parallel_loop3A_475, %parallel_loop3A_476] : memref<4x200x64xf32, #tpu.memory_space<vmem>> -> memref<1x200x64xf32, #tpu.memory_space<vmem>>
        %parallel_loop3A_478 = tpu.memref_squeeze %parallel_loop3A_477 : memref<1x200x64xf32, #tpu.memory_space<vmem>> -> memref<200x64xf32, #tpu.memory_space<vmem>>
        %parallel_loop3A_479 = arith.index_cast %parallel_loop3A_474 : i32 to index
        %parallel_loop3A_480 = arith.constant 32 : index
        %parallel_loop3A_481 = tpu.vector_load %parallel_loop3A_478[%parallel_loop3A_479, %parallel_loop3A_480] {strides = array<i32>} : memref<200x64xf32, #tpu.memory_space<vmem>>, vector<1x16xf32>,
        %parallel_loop3A_482 = vector.shape_cast %parallel_loop3A_481 : vector<1x16xf32> to vector<16xf32>
        %parallel_loop3A_483 = arith.addf %parallel_loop3A_395, %parallel_loop3A_482 : vector<16xf32>
        %parallel_loop3A_484 = arith.constant 3 : i32
        %parallel_loop3A_485 = arith.addi %parallel_loop3A_310, %parallel_loop3A_484 : i32
        %parallel_loop3A_486 = arith.constant 0 : i32
        %parallel_loop3A_487 = arith.constant 0 : i32
        %parallel_loop3A_488 = tpu.memref_slice %arg6[%parallel_loop3A_199, %parallel_loop3A_486, %parallel_loop3A_487] : memref<4x200x64xf32, #tpu.memory_space<vmem>> -> memref<1x200x64xf32, #tpu.memory_space<vmem>>
        %parallel_loop3A_489 = tpu.memref_squeeze %parallel_loop3A_488 : memref<1x200x64xf32, #tpu.memory_space<vmem>> -> memref<200x64xf32, #tpu.memory_space<vmem>>
        %parallel_loop3A_490 = arith.index_cast %parallel_loop3A_485 : i32 to index
        %parallel_loop3A_491 = arith.constant 48 : index
        %parallel_loop3A_492 = tpu.vector_load %parallel_loop3A_489[%parallel_loop3A_490, %parallel_loop3A_491] {strides = array<i32>} : memref<200x64xf32, #tpu.memory_space<vmem>>, vector<1x16xf32>,
        %parallel_loop3A_493 = vector.shape_cast %parallel_loop3A_492 : vector<1x16xf32> to vector<16xf32>
        %parallel_loop3A_494 = arith.addf %parallel_loop3A_406, %parallel_loop3A_493 : vector<16xf32>
        %parallel_loop3A_495 = arith.constant 4 : i32
        %parallel_loop3A_496 = arith.addi %parallel_loop3A_310, %parallel_loop3A_495 : i32
        %parallel_loop3A_497 = arith.constant 0 : i32
        %parallel_loop3A_498 = arith.constant 0 : i32
        %parallel_loop3A_499 = tpu.memref_slice %arg6[%parallel_loop3A_199, %parallel_loop3A_497, %parallel_loop3A_498] : memref<4x200x64xf32, #tpu.memory_space<vmem>> -> memref<1x200x64xf32, #tpu.memory_space<vmem>>
        %parallel_loop3A_500 = tpu.memref_squeeze %parallel_loop3A_499 : memref<1x200x64xf32, #tpu.memory_space<vmem>> -> memref<200x64xf32, #tpu.memory_space<vmem>>
        %parallel_loop3A_501 = arith.index_cast %parallel_loop3A_496 : i32 to index
        %parallel_loop3A_502 = arith.constant 0 : index
        %parallel_loop3A_503 = tpu.vector_load %parallel_loop3A_500[%parallel_loop3A_501, %parallel_loop3A_502] {strides = array<i32>} : memref<200x64xf32, #tpu.memory_space<vmem>>, vector<1x16xf32>,
        %parallel_loop3A_504 = vector.shape_cast %parallel_loop3A_503 : vector<1x16xf32> to vector<16xf32>
        %parallel_loop3A_505 = arith.addf %parallel_loop3A_417, %parallel_loop3A_504 : vector<16xf32>
        %parallel_loop3A_506 = arith.constant 4 : i32
        %parallel_loop3A_507 = arith.addi %parallel_loop3A_310, %parallel_loop3A_506 : i32
        %parallel_loop3A_508 = arith.constant 0 : i32
        %parallel_loop3A_509 = arith.constant 0 : i32
        %parallel_loop3A_510 = tpu.memref_slice %arg6[%parallel_loop3A_199, %parallel_loop3A_508, %parallel_loop3A_509] : memref<4x200x64xf32, #tpu.memory_space<vmem>> -> memref<1x200x64xf32, #tpu.memory_space<vmem>>
        %parallel_loop3A_511 = tpu.memref_squeeze %parallel_loop3A_510 : memref<1x200x64xf32, #tpu.memory_space<vmem>> -> memref<200x64xf32, #tpu.memory_space<vmem>>
        %parallel_loop3A_512 = arith.index_cast %parallel_loop3A_507 : i32 to index
        %parallel_loop3A_513 = arith.constant 16 : index
        %parallel_loop3A_514 = tpu.vector_load %parallel_loop3A_511[%parallel_loop3A_512, %parallel_loop3A_513] {strides = array<i32>} : memref<200x64xf32, #tpu.memory_space<vmem>>, vector<1x16xf32>,
        %parallel_loop3A_515 = vector.shape_cast %parallel_loop3A_514 : vector<1x16xf32> to vector<16xf32>
        %parallel_loop3A_516 = arith.addf %parallel_loop3A_428, %parallel_loop3A_515 : vector<16xf32>
        %parallel_loop3A_517 = arith.constant 4 : i32
        %parallel_loop3A_518 = arith.addi %parallel_loop3A_310, %parallel_loop3A_517 : i32
        %parallel_loop3A_519 = arith.constant 0 : i32
        %parallel_loop3A_520 = arith.constant 0 : i32
        %parallel_loop3A_521 = tpu.memref_slice %arg6[%parallel_loop3A_199, %parallel_loop3A_519, %parallel_loop3A_520] : memref<4x200x64xf32, #tpu.memory_space<vmem>> -> memref<1x200x64xf32, #tpu.memory_space<vmem>>
        %parallel_loop3A_522 = tpu.memref_squeeze %parallel_loop3A_521 : memref<1x200x64xf32, #tpu.memory_space<vmem>> -> memref<200x64xf32, #tpu.memory_space<vmem>>
        %parallel_loop3A_523 = arith.index_cast %parallel_loop3A_518 : i32 to index
        %parallel_loop3A_524 = arith.constant 32 : index
        %parallel_loop3A_525 = tpu.vector_load %parallel_loop3A_522[%parallel_loop3A_523, %parallel_loop3A_524] {strides = array<i32>} : memref<200x64xf32, #tpu.memory_space<vmem>>, vector<1x16xf32>,
        %parallel_loop3A_526 = vector.shape_cast %parallel_loop3A_525 : vector<1x16xf32> to vector<16xf32>
        %parallel_loop3A_527 = arith.addf %parallel_loop3A_439, %parallel_loop3A_526 : vector<16xf32>
        %parallel_loop3A_528 = arith.constant 4 : i32
        %parallel_loop3A_529 = arith.addi %parallel_loop3A_310, %parallel_loop3A_528 : i32
        %parallel_loop3A_530 = arith.constant 0 : i32
        %parallel_loop3A_531 = arith.constant 0 : i32
        %parallel_loop3A_532 = tpu.memref_slice %arg6[%parallel_loop3A_199, %parallel_loop3A_530, %parallel_loop3A_531] : memref<4x200x64xf32, #tpu.memory_space<vmem>> -> memref<1x200x64xf32, #tpu.memory_space<vmem>>
        %parallel_loop3A_533 = tpu.memref_squeeze %parallel_loop3A_532 : memref<1x200x64xf32, #tpu.memory_space<vmem>> -> memref<200x64xf32, #tpu.memory_space<vmem>>
        %parallel_loop3A_534 = arith.index_cast %parallel_loop3A_529 : i32 to index
        %parallel_loop3A_535 = arith.constant 48 : index
        %parallel_loop3A_536 = tpu.vector_load %parallel_loop3A_533[%parallel_loop3A_534, %parallel_loop3A_535] {strides = array<i32>} : memref<200x64xf32, #tpu.memory_space<vmem>>, vector<1x16xf32>,
        %parallel_loop3A_537 = vector.shape_cast %parallel_loop3A_536 : vector<1x16xf32> to vector<16xf32>
        %parallel_loop3A_538 = arith.addf %parallel_loop3A_450, %parallel_loop3A_537 : vector<16xf32>
        %parallel_loop3A_539 = arith.constant 5 : i32
        %parallel_loop3A_540 = arith.addi %parallel_loop3A_310, %parallel_loop3A_539 : i32
        %parallel_loop3A_541 = arith.constant 0 : i32
        %parallel_loop3A_542 = arith.constant 0 : i32
        %parallel_loop3A_543 = tpu.memref_slice %arg6[%parallel_loop3A_199, %parallel_loop3A_541, %parallel_loop3A_542] : memref<4x200x64xf32, #tpu.memory_space<vmem>> -> memref<1x200x64xf32, #tpu.memory_space<vmem>>
        %parallel_loop3A_544 = tpu.memref_squeeze %parallel_loop3A_543 : memref<1x200x64xf32, #tpu.memory_space<vmem>> -> memref<200x64xf32, #tpu.memory_space<vmem>>
        %parallel_loop3A_545 = arith.index_cast %parallel_loop3A_540 : i32 to index
        %parallel_loop3A_546 = arith.constant 0 : index
        %parallel_loop3A_547 = tpu.vector_load %parallel_loop3A_544[%parallel_loop3A_545, %parallel_loop3A_546] {strides = array<i32>} : memref<200x64xf32, #tpu.memory_space<vmem>>, vector<1x16xf32>,
        %parallel_loop3A_548 = vector.shape_cast %parallel_loop3A_547 : vector<1x16xf32> to vector<16xf32>
        %parallel_loop3A_549 = arith.addf %parallel_loop3A_461, %parallel_loop3A_548 : vector<16xf32>
        %parallel_loop3A_550 = arith.constant 5 : i32
        %parallel_loop3A_551 = arith.addi %parallel_loop3A_310, %parallel_loop3A_550 : i32
        %parallel_loop3A_552 = arith.constant 0 : i32
        %parallel_loop3A_553 = arith.constant 0 : i32
        %parallel_loop3A_554 = tpu.memref_slice %arg6[%parallel_loop3A_199, %parallel_loop3A_552, %parallel_loop3A_553] : memref<4x200x64xf32, #tpu.memory_space<vmem>> -> memref<1x200x64xf32, #tpu.memory_space<vmem>>
        %parallel_loop3A_555 = tpu.memref_squeeze %parallel_loop3A_554 : memref<1x200x64xf32, #tpu.memory_space<vmem>> -> memref<200x64xf32, #tpu.memory_space<vmem>>
        %parallel_loop3A_556 = arith.index_cast %parallel_loop3A_551 : i32 to index
        %parallel_loop3A_557 = arith.constant 16 : index
        %parallel_loop3A_558 = tpu.vector_load %parallel_loop3A_555[%parallel_loop3A_556, %parallel_loop3A_557] {strides = array<i32>} : memref<200x64xf32, #tpu.memory_space<vmem>>, vector<1x16xf32>,
        %parallel_loop3A_559 = vector.shape_cast %parallel_loop3A_558 : vector<1x16xf32> to vector<16xf32>
        %parallel_loop3A_560 = arith.addf %parallel_loop3A_472, %parallel_loop3A_559 : vector<16xf32>
        %parallel_loop3A_561 = arith.constant 5 : i32
        %parallel_loop3A_562 = arith.addi %parallel_loop3A_310, %parallel_loop3A_561 : i32
        %parallel_loop3A_563 = arith.constant 0 : i32
        %parallel_loop3A_564 = arith.constant 0 : i32
        %parallel_loop3A_565 = tpu.memref_slice %arg6[%parallel_loop3A_199, %parallel_loop3A_563, %parallel_loop3A_564] : memref<4x200x64xf32, #tpu.memory_space<vmem>> -> memref<1x200x64xf32, #tpu.memory_space<vmem>>
        %parallel_loop3A_566 = tpu.memref_squeeze %parallel_loop3A_565 : memref<1x200x64xf32, #tpu.memory_space<vmem>> -> memref<200x64xf32, #tpu.memory_space<vmem>>
        %parallel_loop3A_567 = arith.index_cast %parallel_loop3A_562 : i32 to index
        %parallel_loop3A_568 = arith.constant 32 : index
        %parallel_loop3A_569 = tpu.vector_load %parallel_loop3A_566[%parallel_loop3A_567, %parallel_loop3A_568] {strides = array<i32>} : memref<200x64xf32, #tpu.memory_space<vmem>>, vector<1x16xf32>,
        %parallel_loop3A_570 = vector.shape_cast %parallel_loop3A_569 : vector<1x16xf32> to vector<16xf32>
        %parallel_loop3A_571 = arith.addf %parallel_loop3A_483, %parallel_loop3A_570 : vector<16xf32>
        %parallel_loop3A_572 = arith.constant 5 : i32
        %parallel_loop3A_573 = arith.addi %parallel_loop3A_310, %parallel_loop3A_572 : i32
        %parallel_loop3A_574 = arith.constant 0 : i32
        %parallel_loop3A_575 = arith.constant 0 : i32
        %parallel_loop3A_576 = tpu.memref_slice %arg6[%parallel_loop3A_199, %parallel_loop3A_574, %parallel_loop3A_575] : memref<4x200x64xf32, #tpu.memory_space<vmem>> -> memref<1x200x64xf32, #tpu.memory_space<vmem>>
        %parallel_loop3A_577 = tpu.memref_squeeze %parallel_loop3A_576 : memref<1x200x64xf32, #tpu.memory_space<vmem>> -> memref<200x64xf32, #tpu.memory_space<vmem>>
        %parallel_loop3A_578 = arith.index_cast %parallel_loop3A_573 : i32 to index
        %parallel_loop3A_579 = arith.constant 48 : index
        %parallel_loop3A_580 = tpu.vector_load %parallel_loop3A_577[%parallel_loop3A_578, %parallel_loop3A_579] {strides = array<i32>} : memref<200x64xf32, #tpu.memory_space<vmem>>, vector<1x16xf32>,
        %parallel_loop3A_581 = vector.shape_cast %parallel_loop3A_580 : vector<1x16xf32> to vector<16xf32>
        %parallel_loop3A_582 = arith.addf %parallel_loop3A_494, %parallel_loop3A_581 : vector<16xf32>
        %parallel_loop3A_583 = arith.constant 6 : i32
        %parallel_loop3A_584 = arith.addi %parallel_loop3A_310, %parallel_loop3A_583 : i32
        %parallel_loop3A_585 = arith.constant 0 : i32
        %parallel_loop3A_586 = arith.constant 0 : i32
        %parallel_loop3A_587 = tpu.memref_slice %arg6[%parallel_loop3A_199, %parallel_loop3A_585, %parallel_loop3A_586] : memref<4x200x64xf32, #tpu.memory_space<vmem>> -> memref<1x200x64xf32, #tpu.memory_space<vmem>>
        %parallel_loop3A_588 = tpu.memref_squeeze %parallel_loop3A_587 : memref<1x200x64xf32, #tpu.memory_space<vmem>> -> memref<200x64xf32, #tpu.memory_space<vmem>>
        %parallel_loop3A_589 = arith.index_cast %parallel_loop3A_584 : i32 to index
        %parallel_loop3A_590 = arith.constant 0 : index
        %parallel_loop3A_591 = tpu.vector_load %parallel_loop3A_588[%parallel_loop3A_589, %parallel_loop3A_590] {strides = array<i32>} : memref<200x64xf32, #tpu.memory_space<vmem>>, vector<1x16xf32>,
        %parallel_loop3A_592 = vector.shape_cast %parallel_loop3A_591 : vector<1x16xf32> to vector<16xf32>
        %parallel_loop3A_593 = arith.addf %parallel_loop3A_505, %parallel_loop3A_592 : vector<16xf32>
        %parallel_loop3A_594 = arith.constant 6 : i32
        %parallel_loop3A_595 = arith.addi %parallel_loop3A_310, %parallel_loop3A_594 : i32
        %parallel_loop3A_596 = arith.constant 0 : i32
        %parallel_loop3A_597 = arith.constant 0 : i32
        %parallel_loop3A_598 = tpu.memref_slice %arg6[%parallel_loop3A_199, %parallel_loop3A_596, %parallel_loop3A_597] : memref<4x200x64xf32, #tpu.memory_space<vmem>> -> memref<1x200x64xf32, #tpu.memory_space<vmem>>
        %parallel_loop3A_599 = tpu.memref_squeeze %parallel_loop3A_598 : memref<1x200x64xf32, #tpu.memory_space<vmem>> -> memref<200x64xf32, #tpu.memory_space<vmem>>
        %parallel_loop3A_600 = arith.index_cast %parallel_loop3A_595 : i32 to index
        %parallel_loop3A_601 = arith.constant 16 : index
        %parallel_loop3A_602 = tpu.vector_load %parallel_loop3A_599[%parallel_loop3A_600, %parallel_loop3A_601] {strides = array<i32>} : memref<200x64xf32, #tpu.memory_space<vmem>>, vector<1x16xf32>,
        %parallel_loop3A_603 = vector.shape_cast %parallel_loop3A_602 : vector<1x16xf32> to vector<16xf32>
        %parallel_loop3A_604 = arith.addf %parallel_loop3A_516, %parallel_loop3A_603 : vector<16xf32>
        %parallel_loop3A_605 = arith.constant 6 : i32
        %parallel_loop3A_606 = arith.addi %parallel_loop3A_310, %parallel_loop3A_605 : i32
        %parallel_loop3A_607 = arith.constant 0 : i32
        %parallel_loop3A_608 = arith.constant 0 : i32
        %parallel_loop3A_609 = tpu.memref_slice %arg6[%parallel_loop3A_199, %parallel_loop3A_607, %parallel_loop3A_608] : memref<4x200x64xf32, #tpu.memory_space<vmem>> -> memref<1x200x64xf32, #tpu.memory_space<vmem>>
        %parallel_loop3A_610 = tpu.memref_squeeze %parallel_loop3A_609 : memref<1x200x64xf32, #tpu.memory_space<vmem>> -> memref<200x64xf32, #tpu.memory_space<vmem>>
        %parallel_loop3A_611 = arith.index_cast %parallel_loop3A_606 : i32 to index
        %parallel_loop3A_612 = arith.constant 32 : index
        %parallel_loop3A_613 = tpu.vector_load %parallel_loop3A_610[%parallel_loop3A_611, %parallel_loop3A_612] {strides = array<i32>} : memref<200x64xf32, #tpu.memory_space<vmem>>, vector<1x16xf32>,
        %parallel_loop3A_614 = vector.shape_cast %parallel_loop3A_613 : vector<1x16xf32> to vector<16xf32>
        %parallel_loop3A_615 = arith.addf %parallel_loop3A_527, %parallel_loop3A_614 : vector<16xf32>
        %parallel_loop3A_616 = arith.constant 6 : i32
        %parallel_loop3A_617 = arith.addi %parallel_loop3A_310, %parallel_loop3A_616 : i32
        %parallel_loop3A_618 = arith.constant 0 : i32
        %parallel_loop3A_619 = arith.constant 0 : i32
        %parallel_loop3A_620 = tpu.memref_slice %arg6[%parallel_loop3A_199, %parallel_loop3A_618, %parallel_loop3A_619] : memref<4x200x64xf32, #tpu.memory_space<vmem>> -> memref<1x200x64xf32, #tpu.memory_space<vmem>>
        %parallel_loop3A_621 = tpu.memref_squeeze %parallel_loop3A_620 : memref<1x200x64xf32, #tpu.memory_space<vmem>> -> memref<200x64xf32, #tpu.memory_space<vmem>>
        %parallel_loop3A_622 = arith.index_cast %parallel_loop3A_617 : i32 to index
        %parallel_loop3A_623 = arith.constant 48 : index
        %parallel_loop3A_624 = tpu.vector_load %parallel_loop3A_621[%parallel_loop3A_622, %parallel_loop3A_623] {strides = array<i32>} : memref<200x64xf32, #tpu.memory_space<vmem>>, vector<1x16xf32>,
        %parallel_loop3A_625 = vector.shape_cast %parallel_loop3A_624 : vector<1x16xf32> to vector<16xf32>
        %parallel_loop3A_626 = arith.addf %parallel_loop3A_538, %parallel_loop3A_625 : vector<16xf32>
        %parallel_loop3A_627 = arith.constant 7 : i32
        %parallel_loop3A_628 = arith.addi %parallel_loop3A_310, %parallel_loop3A_627 : i32
        %parallel_loop3A_629 = arith.constant 0 : i32
        %parallel_loop3A_630 = arith.constant 0 : i32
        %parallel_loop3A_631 = tpu.memref_slice %arg6[%parallel_loop3A_199, %parallel_loop3A_629, %parallel_loop3A_630] : memref<4x200x64xf32, #tpu.memory_space<vmem>> -> memref<1x200x64xf32, #tpu.memory_space<vmem>>
        %parallel_loop3A_632 = tpu.memref_squeeze %parallel_loop3A_631 : memref<1x200x64xf32, #tpu.memory_space<vmem>> -> memref<200x64xf32, #tpu.memory_space<vmem>>
        %parallel_loop3A_633 = arith.index_cast %parallel_loop3A_628 : i32 to index
        %parallel_loop3A_634 = arith.constant 0 : index
        %parallel_loop3A_635 = tpu.vector_load %parallel_loop3A_632[%parallel_loop3A_633, %parallel_loop3A_634] {strides = array<i32>} : memref<200x64xf32, #tpu.memory_space<vmem>>, vector<1x16xf32>,
        %parallel_loop3A_636 = vector.shape_cast %parallel_loop3A_635 : vector<1x16xf32> to vector<16xf32>
        %parallel_loop3A_637 = arith.addf %parallel_loop3A_549, %parallel_loop3A_636 : vector<16xf32>
        %parallel_loop3A_638 = arith.constant 7 : i32
        %parallel_loop3A_639 = arith.addi %parallel_loop3A_310, %parallel_loop3A_638 : i32
        %parallel_loop3A_640 = arith.constant 0 : i32
        %parallel_loop3A_641 = arith.constant 0 : i32
        %parallel_loop3A_642 = tpu.memref_slice %arg6[%parallel_loop3A_199, %parallel_loop3A_640, %parallel_loop3A_641] : memref<4x200x64xf32, #tpu.memory_space<vmem>> -> memref<1x200x64xf32, #tpu.memory_space<vmem>>
        %parallel_loop3A_643 = tpu.memref_squeeze %parallel_loop3A_642 : memref<1x200x64xf32, #tpu.memory_space<vmem>> -> memref<200x64xf32, #tpu.memory_space<vmem>>
        %parallel_loop3A_644 = arith.index_cast %parallel_loop3A_639 : i32 to index
        %parallel_loop3A_645 = arith.constant 16 : index
        %parallel_loop3A_646 = tpu.vector_load %parallel_loop3A_643[%parallel_loop3A_644, %parallel_loop3A_645] {strides = array<i32>} : memref<200x64xf32, #tpu.memory_space<vmem>>, vector<1x16xf32>,
        %parallel_loop3A_647 = vector.shape_cast %parallel_loop3A_646 : vector<1x16xf32> to vector<16xf32>
        %parallel_loop3A_648 = arith.addf %parallel_loop3A_560, %parallel_loop3A_647 : vector<16xf32>
        %parallel_loop3A_649 = arith.constant 7 : i32
        %parallel_loop3A_650 = arith.addi %parallel_loop3A_310, %parallel_loop3A_649 : i32
        %parallel_loop3A_651 = arith.constant 0 : i32
        %parallel_loop3A_652 = arith.constant 0 : i32
        %parallel_loop3A_653 = tpu.memref_slice %arg6[%parallel_loop3A_199, %parallel_loop3A_651, %parallel_loop3A_652] : memref<4x200x64xf32, #tpu.memory_space<vmem>> -> memref<1x200x64xf32, #tpu.memory_space<vmem>>
        %parallel_loop3A_654 = tpu.memref_squeeze %parallel_loop3A_653 : memref<1x200x64xf32, #tpu.memory_space<vmem>> -> memref<200x64xf32, #tpu.memory_space<vmem>>
        %parallel_loop3A_655 = arith.index_cast %parallel_loop3A_650 : i32 to index
        %parallel_loop3A_656 = arith.constant 32 : index
        %parallel_loop3A_657 = tpu.vector_load %parallel_loop3A_654[%parallel_loop3A_655, %parallel_loop3A_656] {strides = array<i32>} : memref<200x64xf32, #tpu.memory_space<vmem>>, vector<1x16xf32>,
        %parallel_loop3A_658 = vector.shape_cast %parallel_loop3A_657 : vector<1x16xf32> to vector<16xf32>
        %parallel_loop3A_659 = arith.addf %parallel_loop3A_571, %parallel_loop3A_658 : vector<16xf32>
        %parallel_loop3A_660 = arith.constant 7 : i32
        %parallel_loop3A_661 = arith.addi %parallel_loop3A_310, %parallel_loop3A_660 : i32
        %parallel_loop3A_662 = arith.constant 0 : i32
        %parallel_loop3A_663 = arith.constant 0 : i32
        %parallel_loop3A_664 = tpu.memref_slice %arg6[%parallel_loop3A_199, %parallel_loop3A_662, %parallel_loop3A_663] : memref<4x200x64xf32, #tpu.memory_space<vmem>> -> memref<1x200x64xf32, #tpu.memory_space<vmem>>
        %parallel_loop3A_665 = tpu.memref_squeeze %parallel_loop3A_664 : memref<1x200x64xf32, #tpu.memory_space<vmem>> -> memref<200x64xf32, #tpu.memory_space<vmem>>
        %parallel_loop3A_666 = arith.index_cast %parallel_loop3A_661 : i32 to index
        %parallel_loop3A_667 = arith.constant 48 : index
        %parallel_loop3A_668 = tpu.vector_load %parallel_loop3A_665[%parallel_loop3A_666, %parallel_loop3A_667] {strides = array<i32>} : memref<200x64xf32, #tpu.memory_space<vmem>>, vector<1x16xf32>,
        %parallel_loop3A_669 = vector.shape_cast %parallel_loop3A_668 : vector<1x16xf32> to vector<16xf32>
        %parallel_loop3A_670 = arith.addf %parallel_loop3A_582, %parallel_loop3A_669 : vector<16xf32>
        scf.yield %parallel_loop3A_593, %parallel_loop3A_604, %parallel_loop3A_615, %parallel_loop3A_626, %parallel_loop3A_637, %parallel_loop3A_648, %parallel_loop3A_659, %parallel_loop3A_670 : vector<16xf32>, vector<16xf32>, vector<16xf32>, vector<16xf32>, vector<16xf32>, vector<16xf32>, vector<16xf32>, vector<16xf32>
      } {sc.loop_unroll_factor = 1 : i64, sc.parallel_access}
      %add3A_201 = arith.addf %parallel_loop3A_200#0, %parallel_loop3A_200#4 : vector<16xf32>
      %mul3A_202 = arith.constant 5.000000e-03 : f32
      %mul3A_203 = vector.broadcast %mul3A_202 : f32 to vector<16xf32>
      %mul3A_204 = arith.mulf %add3A_201, %mul3A_203 : vector<16xf32>
      %swap3A_205 = arith.index_cast %add3A_182 : i32 to index
      %swap3A_206 = arith.constant 0 : index
      %swap3A_207 = tpu.vector_load %arg7[%swap3A_205, %swap3A_206] {strides = array<i32>} : memref<128x64xf32, #tpu.memory_space<vmem>>, vector<1x16xf32>,
      %swap3A_208 = vector.shape_cast %swap3A_207 : vector<1x16xf32> to vector<16xf32>
      %swap3A_209 = vector.shape_cast %mul3A_204 : vector<16xf32> to vector<1x16xf32>
      tpu.vector_store %arg7[%swap3A_205, %swap3A_206], %swap3A_209 {strides = array<i32>} : memref<128x64xf32, #tpu.memory_space<vmem>>, vector<1x16xf32>,
      %add3A_210 = arith.addf %parallel_loop3A_200#1, %parallel_loop3A_200#5 : vector<16xf32>
      %mul3A_211 = arith.constant 5.000000e-03 : f32
      %mul3A_212 = vector.broadcast %mul3A_211 : f32 to vector<16xf32>
      %mul3A_213 = arith.mulf %add3A_210, %mul3A_212 : vector<16xf32>
      %swap3A_214 = arith.index_cast %add3A_182 : i32 to index
      %swap3A_215 = arith.constant 16 : index
      %swap3A_216 = tpu.vector_load %arg7[%swap3A_214, %swap3A_215] {strides = array<i32>} : memref<128x64xf32, #tpu.memory_space<vmem>>, vector<1x16xf32>,
      %swap3A_217 = vector.shape_cast %swap3A_216 : vector<1x16xf32> to vector<16xf32>
      %swap3A_218 = vector.shape_cast %mul3A_213 : vector<16xf32> to vector<1x16xf32>
      tpu.vector_store %arg7[%swap3A_214, %swap3A_215], %swap3A_218 {strides = array<i32>} : memref<128x64xf32, #tpu.memory_space<vmem>>, vector<1x16xf32>,
      %add3A_219 = arith.addf %parallel_loop3A_200#2, %parallel_loop3A_200#6 : vector<16xf32>
      %mul3A_220 = arith.constant 5.000000e-03 : f32
      %mul3A_221 = vector.broadcast %mul3A_220 : f32 to vector<16xf32>
      %mul3A_222 = arith.mulf %add3A_219, %mul3A_221 : vector<16xf32>
      %swap3A_223 = arith.index_cast %add3A_182 : i32 to index
      %swap3A_224 = arith.constant 32 : index
      %swap3A_225 = tpu.vector_load %arg7[%swap3A_223, %swap3A_224] {strides = array<i32>} : memref<128x64xf32, #tpu.memory_space<vmem>>, vector<1x16xf32>,
      %swap3A_226 = vector.shape_cast %swap3A_225 : vector<1x16xf32> to vector<16xf32>
      %swap3A_227 = vector.shape_cast %mul3A_222 : vector<16xf32> to vector<1x16xf32>
      tpu.vector_store %arg7[%swap3A_223, %swap3A_224], %swap3A_227 {strides = array<i32>} : memref<128x64xf32, #tpu.memory_space<vmem>>, vector<1x16xf32>,
      %add3A_228 = arith.addf %parallel_loop3A_200#3, %parallel_loop3A_200#7 : vector<16xf32>
      %mul3A_229 = arith.constant 5.000000e-03 : f32
      %mul3A_230 = vector.broadcast %mul3A_229 : f32 to vector<16xf32>
      %mul3A_231 = arith.mulf %add3A_228, %mul3A_230 : vector<16xf32>
      %swap3A_232 = arith.index_cast %add3A_182 : i32 to index
      %swap3A_233 = arith.constant 48 : index
      %swap3A_234 = tpu.vector_load %arg7[%swap3A_232, %swap3A_233] {strides = array<i32>} : memref<128x64xf32, #tpu.memory_space<vmem>>, vector<1x16xf32>,
      %swap3A_235 = vector.shape_cast %swap3A_234 : vector<1x16xf32> to vector<16xf32>
      %swap3A_236 = vector.shape_cast %mul3A_231 : vector<16xf32> to vector<1x16xf32>
      tpu.vector_store %arg7[%swap3A_232, %swap3A_233], %swap3A_236 {strides = array<i32>} : memref<128x64xf32, #tpu.memory_space<vmem>>, vector<1x16xf32>,
      %add3A_237 = arith.constant 4 : i32
      %add3A_238 = arith.addi %add3A_182, %add3A_237 : i32
      %lt3A_239 = arith.constant 128 : i32
      %lt3A_240 = arith.cmpi slt, %add3A_238, %lt3A_239 : i32
      %convert_element_type3A_241 = arith.extui %lt3A_240 : i1 to i32
      %cond3A_242 = arith.constant 0 : i32
      %cond3A_243 = arith.cmpi ne, %convert_element_type3A_241, %cond3A_242 : i32
      scf.if %cond3A_243 {
        %add3A_310 = arith.constant 4 : i32
        %add3A_311 = arith.addi %add3A_182, %add3A_310 : i32
        %mul3A_312 = arith.constant 200 : i32
        %mul3A_313 = arith.muli %add3A_311, %mul3A_312 : i32
        %dma_start3A_314 = arith.constant 2 : i32
        %dma_start3A_315 = arith.constant 0 : i32
        %dma_start3A_316 = arith.constant 0 : i32
        %dma_start3A_317 = tpu.memref_slice %arg6[%dma_start3A_314, %dma_start3A_315, %dma_start3A_316] : memref<4x200x64xf32, #tpu.memory_space<vmem>> -> memref<1x200x64xf32, #tpu.memory_space<vmem>>
        %dma_start3A_318 = tpu.memref_squeeze %dma_start3A_317 : memref<1x200x64xf32, #tpu.memory_space<vmem>> -> memref<200x64xf32, #tpu.memory_space<vmem>>
        %dma_start3A_319 = tpu.memref_slice %arg5[%mul3A_313] : memref<25600xi32, #tpu.memory_space<vmem>> -> memref<200xi32, #tpu.memory_space<vmem>>
        %dma_start3A_320 = arith.constant 0 : i32
        %dma_start3A_321 = arith.constant 0 : i32
        %dma_start3A_322 = tpu.memref_slice %arg3[%dma_start3A_320, %dma_start3A_321] : memref<1000000x64xf32, #tpu.memory_space<hbm>> -> memref<1000000x64xf32, #tpu.memory_space<hbm>>
        tpu.enqueue_indirect_dma source(%dma_start3A_322 : memref<1000000x64xf32, #tpu.memory_space<hbm>>) target(%dma_start3A_318 : memref<200x64xf32, #tpu.memory_space<vmem>>) offsets(%dma_start3A_319 : memref<200xi32, #tpu.memory_space<vmem>>) semaphore(%arg11 : memref<!tpu.dma_semaphore, #tpu.memory_space<semaphore_mem>>)
      } else {
      }
      %mul3A_244 = arith.constant 4 : i32
      %mul3A_245 = arith.muli %scan3A_53, %mul3A_244 : i32
      %add3A_246 = arith.constant 3 : i32
      %add3A_247 = arith.addi %mul3A_245, %add3A_246 : i32
      %mul3A_248 = arith.constant 200 : i32
      %mul3A_249 = arith.muli %add3A_247, %mul3A_248 : i32
      %dma_wait3A_250 = arith.constant 3 : i32
      %dma_wait3A_251 = arith.constant 0 : i32
      %dma_wait3A_252 = arith.constant 0 : i32
      %dma_wait3A_253 = tpu.memref_slice %arg6[%dma_wait3A_250, %dma_wait3A_251, %dma_wait3A_252] : memref<4x200x64xf32, #tpu.memory_space<vmem>> -> memref<1x200x64xf32, #tpu.memory_space<vmem>>
      %dma_wait3A_254 = tpu.memref_squeeze %dma_wait3A_253 : memref<1x200x64xf32, #tpu.memory_space<vmem>> -> memref<200x64xf32, #tpu.memory_space<vmem>>
      %dma_wait3A_255 = tpu.memref_slice %arg5[%mul3A_249] : memref<25600xi32, #tpu.memory_space<vmem>> -> memref<200xi32, #tpu.memory_space<vmem>>
      %dma_wait3A_256 = arith.constant 0 : i32
      %dma_wait3A_257 = arith.constant 0 : i32
      %dma_wait3A_258 = tpu.memref_slice %arg3[%dma_wait3A_256, %dma_wait3A_257] : memref<1000000x64xf32, #tpu.memory_space<hbm>> -> memref<1000000x64xf32, #tpu.memory_space<hbm>>
      tpu.wait_indirect_dma semaphore(%arg12 : memref<!tpu.dma_semaphore, #tpu.memory_space<semaphore_mem>>) src(%dma_wait3A_258 : memref<1000000x64xf32, #tpu.memory_space<hbm>>) dst(%dma_wait3A_254 : memref<200x64xf32, #tpu.memory_space<vmem>>)
      %broadcast_in_dim3A_259 = arith.constant 0.000000e+00 : f32
      %broadcast_in_dim3A_260 = vector.broadcast %broadcast_in_dim3A_259 : f32 to vector<16xf32>
      %parallel_loop3A_261 = arith.constant 0 : i32
      %parallel_loop3A_262 = arith.constant 200 : i32
      %parallel_loop3A_263 = arith.constant 8 : i32
      %parallel_loop3A_264 = arith.constant 3 : i32
      %parallel_loop3A_265:8 = scf.for %parallel_loop3A_310 = %parallel_loop3A_261 to %parallel_loop3A_262 step %parallel_loop3A_263 iter_args(%parallel_loop3A_311 = %broadcast_in_dim3A_260, %parallel_loop3A_312 = %broadcast_in_dim3A_260, %parallel_loop3A_313 = %broadcast_in_dim3A_260, %parallel_loop3A_314 = %broadcast_in_dim3A_260, %parallel_loop3A_315 = %broadcast_in_dim3A_260, %parallel_loop3A_316 = %broadcast_in_dim3A_260, %parallel_loop3A_317 = %broadcast_in_dim3A_260, %parallel_loop3A_318 = %broadcast_in_dim3A_260) -> (vector<16xf32>, vector<16xf32>, vector<16xf32>, vector<16xf32>, vector<16xf32>, vector<16xf32>, vector<16xf32>, vector<16xf32>)  : i32 {
        %parallel_loop3A_319 = arith.constant 0 : i32
        %parallel_loop3A_320 = arith.addi %parallel_loop3A_310, %parallel_loop3A_319 : i32
        %parallel_loop3A_321 = arith.constant 0 : i32
        %parallel_loop3A_322 = arith.constant 0 : i32
        %parallel_loop3A_323 = tpu.memref_slice %arg6[%parallel_loop3A_264, %parallel_loop3A_321, %parallel_loop3A_322] : memref<4x200x64xf32, #tpu.memory_space<vmem>> -> memref<1x200x64xf32, #tpu.memory_space<vmem>>
        %parallel_loop3A_324 = tpu.memref_squeeze %parallel_loop3A_323 : memref<1x200x64xf32, #tpu.memory_space<vmem>> -> memref<200x64xf32, #tpu.memory_space<vmem>>
        %parallel_loop3A_325 = arith.index_cast %parallel_loop3A_320 : i32 to index
        %parallel_loop3A_326 = arith.constant 0 : index
        %parallel_loop3A_327 = tpu.vector_load %parallel_loop3A_324[%parallel_loop3A_325, %parallel_loop3A_326] {strides = array<i32>} : memref<200x64xf32, #tpu.memory_space<vmem>>, vector<1x16xf32>,
        %parallel_loop3A_328 = vector.shape_cast %parallel_loop3A_327 : vector<1x16xf32> to vector<16xf32>
        %parallel_loop3A_329 = arith.addf %parallel_loop3A_311, %parallel_loop3A_328 : vector<16xf32>
        %parallel_loop3A_330 = arith.constant 0 : i32
        %parallel_loop3A_331 = arith.addi %parallel_loop3A_310, %parallel_loop3A_330 : i32
        %parallel_loop3A_332 = arith.constant 0 : i32
        %parallel_loop3A_333 = arith.constant 0 : i32
        %parallel_loop3A_334 = tpu.memref_slice %arg6[%parallel_loop3A_264, %parallel_loop3A_332, %parallel_loop3A_333] : memref<4x200x64xf32, #tpu.memory_space<vmem>> -> memref<1x200x64xf32, #tpu.memory_space<vmem>>
        %parallel_loop3A_335 = tpu.memref_squeeze %parallel_loop3A_334 : memref<1x200x64xf32, #tpu.memory_space<vmem>> -> memref<200x64xf32, #tpu.memory_space<vmem>>
        %parallel_loop3A_336 = arith.index_cast %parallel_loop3A_331 : i32 to index
        %parallel_loop3A_337 = arith.constant 16 : index
        %parallel_loop3A_338 = tpu.vector_load %parallel_loop3A_335[%parallel_loop3A_336, %parallel_loop3A_337] {strides = array<i32>} : memref<200x64xf32, #tpu.memory_space<vmem>>, vector<1x16xf32>,
        %parallel_loop3A_339 = vector.shape_cast %parallel_loop3A_338 : vector<1x16xf32> to vector<16xf32>
        %parallel_loop3A_340 = arith.addf %parallel_loop3A_312, %parallel_loop3A_339 : vector<16xf32>
        %parallel_loop3A_341 = arith.constant 0 : i32
        %parallel_loop3A_342 = arith.addi %parallel_loop3A_310, %parallel_loop3A_341 : i32
        %parallel_loop3A_343 = arith.constant 0 : i32
        %parallel_loop3A_344 = arith.constant 0 : i32
        %parallel_loop3A_345 = tpu.memref_slice %arg6[%parallel_loop3A_264, %parallel_loop3A_343, %parallel_loop3A_344] : memref<4x200x64xf32, #tpu.memory_space<vmem>> -> memref<1x200x64xf32, #tpu.memory_space<vmem>>
        %parallel_loop3A_346 = tpu.memref_squeeze %parallel_loop3A_345 : memref<1x200x64xf32, #tpu.memory_space<vmem>> -> memref<200x64xf32, #tpu.memory_space<vmem>>
        %parallel_loop3A_347 = arith.index_cast %parallel_loop3A_342 : i32 to index
        %parallel_loop3A_348 = arith.constant 32 : index
        %parallel_loop3A_349 = tpu.vector_load %parallel_loop3A_346[%parallel_loop3A_347, %parallel_loop3A_348] {strides = array<i32>} : memref<200x64xf32, #tpu.memory_space<vmem>>, vector<1x16xf32>,
        %parallel_loop3A_350 = vector.shape_cast %parallel_loop3A_349 : vector<1x16xf32> to vector<16xf32>
        %parallel_loop3A_351 = arith.addf %parallel_loop3A_313, %parallel_loop3A_350 : vector<16xf32>
        %parallel_loop3A_352 = arith.constant 0 : i32
        %parallel_loop3A_353 = arith.addi %parallel_loop3A_310, %parallel_loop3A_352 : i32
        %parallel_loop3A_354 = arith.constant 0 : i32
        %parallel_loop3A_355 = arith.constant 0 : i32
        %parallel_loop3A_356 = tpu.memref_slice %arg6[%parallel_loop3A_264, %parallel_loop3A_354, %parallel_loop3A_355] : memref<4x200x64xf32, #tpu.memory_space<vmem>> -> memref<1x200x64xf32, #tpu.memory_space<vmem>>
        %parallel_loop3A_357 = tpu.memref_squeeze %parallel_loop3A_356 : memref<1x200x64xf32, #tpu.memory_space<vmem>> -> memref<200x64xf32, #tpu.memory_space<vmem>>
        %parallel_loop3A_358 = arith.index_cast %parallel_loop3A_353 : i32 to index
        %parallel_loop3A_359 = arith.constant 48 : index
        %parallel_loop3A_360 = tpu.vector_load %parallel_loop3A_357[%parallel_loop3A_358, %parallel_loop3A_359] {strides = array<i32>} : memref<200x64xf32, #tpu.memory_space<vmem>>, vector<1x16xf32>,
        %parallel_loop3A_361 = vector.shape_cast %parallel_loop3A_360 : vector<1x16xf32> to vector<16xf32>
        %parallel_loop3A_362 = arith.addf %parallel_loop3A_314, %parallel_loop3A_361 : vector<16xf32>
        %parallel_loop3A_363 = arith.constant 1 : i32
        %parallel_loop3A_364 = arith.addi %parallel_loop3A_310, %parallel_loop3A_363 : i32
        %parallel_loop3A_365 = arith.constant 0 : i32
        %parallel_loop3A_366 = arith.constant 0 : i32
        %parallel_loop3A_367 = tpu.memref_slice %arg6[%parallel_loop3A_264, %parallel_loop3A_365, %parallel_loop3A_366] : memref<4x200x64xf32, #tpu.memory_space<vmem>> -> memref<1x200x64xf32, #tpu.memory_space<vmem>>
        %parallel_loop3A_368 = tpu.memref_squeeze %parallel_loop3A_367 : memref<1x200x64xf32, #tpu.memory_space<vmem>> -> memref<200x64xf32, #tpu.memory_space<vmem>>
        %parallel_loop3A_369 = arith.index_cast %parallel_loop3A_364 : i32 to index
        %parallel_loop3A_370 = arith.constant 0 : index
        %parallel_loop3A_371 = tpu.vector_load %parallel_loop3A_368[%parallel_loop3A_369, %parallel_loop3A_370] {strides = array<i32>} : memref<200x64xf32, #tpu.memory_space<vmem>>, vector<1x16xf32>,
        %parallel_loop3A_372 = vector.shape_cast %parallel_loop3A_371 : vector<1x16xf32> to vector<16xf32>
        %parallel_loop3A_373 = arith.addf %parallel_loop3A_315, %parallel_loop3A_372 : vector<16xf32>
        %parallel_loop3A_374 = arith.constant 1 : i32
        %parallel_loop3A_375 = arith.addi %parallel_loop3A_310, %parallel_loop3A_374 : i32
        %parallel_loop3A_376 = arith.constant 0 : i32
        %parallel_loop3A_377 = arith.constant 0 : i32
        %parallel_loop3A_378 = tpu.memref_slice %arg6[%parallel_loop3A_264, %parallel_loop3A_376, %parallel_loop3A_377] : memref<4x200x64xf32, #tpu.memory_space<vmem>> -> memref<1x200x64xf32, #tpu.memory_space<vmem>>
        %parallel_loop3A_379 = tpu.memref_squeeze %parallel_loop3A_378 : memref<1x200x64xf32, #tpu.memory_space<vmem>> -> memref<200x64xf32, #tpu.memory_space<vmem>>
        %parallel_loop3A_380 = arith.index_cast %parallel_loop3A_375 : i32 to index
        %parallel_loop3A_381 = arith.constant 16 : index
        %parallel_loop3A_382 = tpu.vector_load %parallel_loop3A_379[%parallel_loop3A_380, %parallel_loop3A_381] {strides = array<i32>} : memref<200x64xf32, #tpu.memory_space<vmem>>, vector<1x16xf32>,
        %parallel_loop3A_383 = vector.shape_cast %parallel_loop3A_382 : vector<1x16xf32> to vector<16xf32>
        %parallel_loop3A_384 = arith.addf %parallel_loop3A_316, %parallel_loop3A_383 : vector<16xf32>
        %parallel_loop3A_385 = arith.constant 1 : i32
        %parallel_loop3A_386 = arith.addi %parallel_loop3A_310, %parallel_loop3A_385 : i32
        %parallel_loop3A_387 = arith.constant 0 : i32
        %parallel_loop3A_388 = arith.constant 0 : i32
        %parallel_loop3A_389 = tpu.memref_slice %arg6[%parallel_loop3A_264, %parallel_loop3A_387, %parallel_loop3A_388] : memref<4x200x64xf32, #tpu.memory_space<vmem>> -> memref<1x200x64xf32, #tpu.memory_space<vmem>>
        %parallel_loop3A_390 = tpu.memref_squeeze %parallel_loop3A_389 : memref<1x200x64xf32, #tpu.memory_space<vmem>> -> memref<200x64xf32, #tpu.memory_space<vmem>>
        %parallel_loop3A_391 = arith.index_cast %parallel_loop3A_386 : i32 to index
        %parallel_loop3A_392 = arith.constant 32 : index
        %parallel_loop3A_393 = tpu.vector_load %parallel_loop3A_390[%parallel_loop3A_391, %parallel_loop3A_392] {strides = array<i32>} : memref<200x64xf32, #tpu.memory_space<vmem>>, vector<1x16xf32>,
        %parallel_loop3A_394 = vector.shape_cast %parallel_loop3A_393 : vector<1x16xf32> to vector<16xf32>
        %parallel_loop3A_395 = arith.addf %parallel_loop3A_317, %parallel_loop3A_394 : vector<16xf32>
        %parallel_loop3A_396 = arith.constant 1 : i32
        %parallel_loop3A_397 = arith.addi %parallel_loop3A_310, %parallel_loop3A_396 : i32
        %parallel_loop3A_398 = arith.constant 0 : i32
        %parallel_loop3A_399 = arith.constant 0 : i32
        %parallel_loop3A_400 = tpu.memref_slice %arg6[%parallel_loop3A_264, %parallel_loop3A_398, %parallel_loop3A_399] : memref<4x200x64xf32, #tpu.memory_space<vmem>> -> memref<1x200x64xf32, #tpu.memory_space<vmem>>
        %parallel_loop3A_401 = tpu.memref_squeeze %parallel_loop3A_400 : memref<1x200x64xf32, #tpu.memory_space<vmem>> -> memref<200x64xf32, #tpu.memory_space<vmem>>
        %parallel_loop3A_402 = arith.index_cast %parallel_loop3A_397 : i32 to index
        %parallel_loop3A_403 = arith.constant 48 : index
        %parallel_loop3A_404 = tpu.vector_load %parallel_loop3A_401[%parallel_loop3A_402, %parallel_loop3A_403] {strides = array<i32>} : memref<200x64xf32, #tpu.memory_space<vmem>>, vector<1x16xf32>,
        %parallel_loop3A_405 = vector.shape_cast %parallel_loop3A_404 : vector<1x16xf32> to vector<16xf32>
        %parallel_loop3A_406 = arith.addf %parallel_loop3A_318, %parallel_loop3A_405 : vector<16xf32>
        %parallel_loop3A_407 = arith.constant 2 : i32
        %parallel_loop3A_408 = arith.addi %parallel_loop3A_310, %parallel_loop3A_407 : i32
        %parallel_loop3A_409 = arith.constant 0 : i32
        %parallel_loop3A_410 = arith.constant 0 : i32
        %parallel_loop3A_411 = tpu.memref_slice %arg6[%parallel_loop3A_264, %parallel_loop3A_409, %parallel_loop3A_410] : memref<4x200x64xf32, #tpu.memory_space<vmem>> -> memref<1x200x64xf32, #tpu.memory_space<vmem>>
        %parallel_loop3A_412 = tpu.memref_squeeze %parallel_loop3A_411 : memref<1x200x64xf32, #tpu.memory_space<vmem>> -> memref<200x64xf32, #tpu.memory_space<vmem>>
        %parallel_loop3A_413 = arith.index_cast %parallel_loop3A_408 : i32 to index
        %parallel_loop3A_414 = arith.constant 0 : index
        %parallel_loop3A_415 = tpu.vector_load %parallel_loop3A_412[%parallel_loop3A_413, %parallel_loop3A_414] {strides = array<i32>} : memref<200x64xf32, #tpu.memory_space<vmem>>, vector<1x16xf32>,
        %parallel_loop3A_416 = vector.shape_cast %parallel_loop3A_415 : vector<1x16xf32> to vector<16xf32>
        %parallel_loop3A_417 = arith.addf %parallel_loop3A_329, %parallel_loop3A_416 : vector<16xf32>
        %parallel_loop3A_418 = arith.constant 2 : i32
        %parallel_loop3A_419 = arith.addi %parallel_loop3A_310, %parallel_loop3A_418 : i32
        %parallel_loop3A_420 = arith.constant 0 : i32
        %parallel_loop3A_421 = arith.constant 0 : i32
        %parallel_loop3A_422 = tpu.memref_slice %arg6[%parallel_loop3A_264, %parallel_loop3A_420, %parallel_loop3A_421] : memref<4x200x64xf32, #tpu.memory_space<vmem>> -> memref<1x200x64xf32, #tpu.memory_space<vmem>>
        %parallel_loop3A_423 = tpu.memref_squeeze %parallel_loop3A_422 : memref<1x200x64xf32, #tpu.memory_space<vmem>> -> memref<200x64xf32, #tpu.memory_space<vmem>>
        %parallel_loop3A_424 = arith.index_cast %parallel_loop3A_419 : i32 to index
        %parallel_loop3A_425 = arith.constant 16 : index
        %parallel_loop3A_426 = tpu.vector_load %parallel_loop3A_423[%parallel_loop3A_424, %parallel_loop3A_425] {strides = array<i32>} : memref<200x64xf32, #tpu.memory_space<vmem>>, vector<1x16xf32>,
        %parallel_loop3A_427 = vector.shape_cast %parallel_loop3A_426 : vector<1x16xf32> to vector<16xf32>
        %parallel_loop3A_428 = arith.addf %parallel_loop3A_340, %parallel_loop3A_427 : vector<16xf32>
        %parallel_loop3A_429 = arith.constant 2 : i32
        %parallel_loop3A_430 = arith.addi %parallel_loop3A_310, %parallel_loop3A_429 : i32
        %parallel_loop3A_431 = arith.constant 0 : i32
        %parallel_loop3A_432 = arith.constant 0 : i32
        %parallel_loop3A_433 = tpu.memref_slice %arg6[%parallel_loop3A_264, %parallel_loop3A_431, %parallel_loop3A_432] : memref<4x200x64xf32, #tpu.memory_space<vmem>> -> memref<1x200x64xf32, #tpu.memory_space<vmem>>
        %parallel_loop3A_434 = tpu.memref_squeeze %parallel_loop3A_433 : memref<1x200x64xf32, #tpu.memory_space<vmem>> -> memref<200x64xf32, #tpu.memory_space<vmem>>
        %parallel_loop3A_435 = arith.index_cast %parallel_loop3A_430 : i32 to index
        %parallel_loop3A_436 = arith.constant 32 : index
        %parallel_loop3A_437 = tpu.vector_load %parallel_loop3A_434[%parallel_loop3A_435, %parallel_loop3A_436] {strides = array<i32>} : memref<200x64xf32, #tpu.memory_space<vmem>>, vector<1x16xf32>,
        %parallel_loop3A_438 = vector.shape_cast %parallel_loop3A_437 : vector<1x16xf32> to vector<16xf32>
        %parallel_loop3A_439 = arith.addf %parallel_loop3A_351, %parallel_loop3A_438 : vector<16xf32>
        %parallel_loop3A_440 = arith.constant 2 : i32
        %parallel_loop3A_441 = arith.addi %parallel_loop3A_310, %parallel_loop3A_440 : i32
        %parallel_loop3A_442 = arith.constant 0 : i32
        %parallel_loop3A_443 = arith.constant 0 : i32
        %parallel_loop3A_444 = tpu.memref_slice %arg6[%parallel_loop3A_264, %parallel_loop3A_442, %parallel_loop3A_443] : memref<4x200x64xf32, #tpu.memory_space<vmem>> -> memref<1x200x64xf32, #tpu.memory_space<vmem>>
        %parallel_loop3A_445 = tpu.memref_squeeze %parallel_loop3A_444 : memref<1x200x64xf32, #tpu.memory_space<vmem>> -> memref<200x64xf32, #tpu.memory_space<vmem>>
        %parallel_loop3A_446 = arith.index_cast %parallel_loop3A_441 : i32 to index
        %parallel_loop3A_447 = arith.constant 48 : index
        %parallel_loop3A_448 = tpu.vector_load %parallel_loop3A_445[%parallel_loop3A_446, %parallel_loop3A_447] {strides = array<i32>} : memref<200x64xf32, #tpu.memory_space<vmem>>, vector<1x16xf32>,
        %parallel_loop3A_449 = vector.shape_cast %parallel_loop3A_448 : vector<1x16xf32> to vector<16xf32>
        %parallel_loop3A_450 = arith.addf %parallel_loop3A_362, %parallel_loop3A_449 : vector<16xf32>
        %parallel_loop3A_451 = arith.constant 3 : i32
        %parallel_loop3A_452 = arith.addi %parallel_loop3A_310, %parallel_loop3A_451 : i32
        %parallel_loop3A_453 = arith.constant 0 : i32
        %parallel_loop3A_454 = arith.constant 0 : i32
        %parallel_loop3A_455 = tpu.memref_slice %arg6[%parallel_loop3A_264, %parallel_loop3A_453, %parallel_loop3A_454] : memref<4x200x64xf32, #tpu.memory_space<vmem>> -> memref<1x200x64xf32, #tpu.memory_space<vmem>>
        %parallel_loop3A_456 = tpu.memref_squeeze %parallel_loop3A_455 : memref<1x200x64xf32, #tpu.memory_space<vmem>> -> memref<200x64xf32, #tpu.memory_space<vmem>>
        %parallel_loop3A_457 = arith.index_cast %parallel_loop3A_452 : i32 to index
        %parallel_loop3A_458 = arith.constant 0 : index
        %parallel_loop3A_459 = tpu.vector_load %parallel_loop3A_456[%parallel_loop3A_457, %parallel_loop3A_458] {strides = array<i32>} : memref<200x64xf32, #tpu.memory_space<vmem>>, vector<1x16xf32>,
        %parallel_loop3A_460 = vector.shape_cast %parallel_loop3A_459 : vector<1x16xf32> to vector<16xf32>
        %parallel_loop3A_461 = arith.addf %parallel_loop3A_373, %parallel_loop3A_460 : vector<16xf32>
        %parallel_loop3A_462 = arith.constant 3 : i32
        %parallel_loop3A_463 = arith.addi %parallel_loop3A_310, %parallel_loop3A_462 : i32
        %parallel_loop3A_464 = arith.constant 0 : i32
        %parallel_loop3A_465 = arith.constant 0 : i32
        %parallel_loop3A_466 = tpu.memref_slice %arg6[%parallel_loop3A_264, %parallel_loop3A_464, %parallel_loop3A_465] : memref<4x200x64xf32, #tpu.memory_space<vmem>> -> memref<1x200x64xf32, #tpu.memory_space<vmem>>
        %parallel_loop3A_467 = tpu.memref_squeeze %parallel_loop3A_466 : memref<1x200x64xf32, #tpu.memory_space<vmem>> -> memref<200x64xf32, #tpu.memory_space<vmem>>
        %parallel_loop3A_468 = arith.index_cast %parallel_loop3A_463 : i32 to index
        %parallel_loop3A_469 = arith.constant 16 : index
        %parallel_loop3A_470 = tpu.vector_load %parallel_loop3A_467[%parallel_loop3A_468, %parallel_loop3A_469] {strides = array<i32>} : memref<200x64xf32, #tpu.memory_space<vmem>>, vector<1x16xf32>,
        %parallel_loop3A_471 = vector.shape_cast %parallel_loop3A_470 : vector<1x16xf32> to vector<16xf32>
        %parallel_loop3A_472 = arith.addf %parallel_loop3A_384, %parallel_loop3A_471 : vector<16xf32>
        %parallel_loop3A_473 = arith.constant 3 : i32
        %parallel_loop3A_474 = arith.addi %parallel_loop3A_310, %parallel_loop3A_473 : i32
        %parallel_loop3A_475 = arith.constant 0 : i32
        %parallel_loop3A_476 = arith.constant 0 : i32
        %parallel_loop3A_477 = tpu.memref_slice %arg6[%parallel_loop3A_264, %parallel_loop3A_475, %parallel_loop3A_476] : memref<4x200x64xf32, #tpu.memory_space<vmem>> -> memref<1x200x64xf32, #tpu.memory_space<vmem>>
        %parallel_loop3A_478 = tpu.memref_squeeze %parallel_loop3A_477 : memref<1x200x64xf32, #tpu.memory_space<vmem>> -> memref<200x64xf32, #tpu.memory_space<vmem>>
        %parallel_loop3A_479 = arith.index_cast %parallel_loop3A_474 : i32 to index
        %parallel_loop3A_480 = arith.constant 32 : index
        %parallel_loop3A_481 = tpu.vector_load %parallel_loop3A_478[%parallel_loop3A_479, %parallel_loop3A_480] {strides = array<i32>} : memref<200x64xf32, #tpu.memory_space<vmem>>, vector<1x16xf32>,
        %parallel_loop3A_482 = vector.shape_cast %parallel_loop3A_481 : vector<1x16xf32> to vector<16xf32>
        %parallel_loop3A_483 = arith.addf %parallel_loop3A_395, %parallel_loop3A_482 : vector<16xf32>
        %parallel_loop3A_484 = arith.constant 3 : i32
        %parallel_loop3A_485 = arith.addi %parallel_loop3A_310, %parallel_loop3A_484 : i32
        %parallel_loop3A_486 = arith.constant 0 : i32
        %parallel_loop3A_487 = arith.constant 0 : i32
        %parallel_loop3A_488 = tpu.memref_slice %arg6[%parallel_loop3A_264, %parallel_loop3A_486, %parallel_loop3A_487] : memref<4x200x64xf32, #tpu.memory_space<vmem>> -> memref<1x200x64xf32, #tpu.memory_space<vmem>>
        %parallel_loop3A_489 = tpu.memref_squeeze %parallel_loop3A_488 : memref<1x200x64xf32, #tpu.memory_space<vmem>> -> memref<200x64xf32, #tpu.memory_space<vmem>>
        %parallel_loop3A_490 = arith.index_cast %parallel_loop3A_485 : i32 to index
        %parallel_loop3A_491 = arith.constant 48 : index
        %parallel_loop3A_492 = tpu.vector_load %parallel_loop3A_489[%parallel_loop3A_490, %parallel_loop3A_491] {strides = array<i32>} : memref<200x64xf32, #tpu.memory_space<vmem>>, vector<1x16xf32>,
        %parallel_loop3A_493 = vector.shape_cast %parallel_loop3A_492 : vector<1x16xf32> to vector<16xf32>
        %parallel_loop3A_494 = arith.addf %parallel_loop3A_406, %parallel_loop3A_493 : vector<16xf32>
        %parallel_loop3A_495 = arith.constant 4 : i32
        %parallel_loop3A_496 = arith.addi %parallel_loop3A_310, %parallel_loop3A_495 : i32
        %parallel_loop3A_497 = arith.constant 0 : i32
        %parallel_loop3A_498 = arith.constant 0 : i32
        %parallel_loop3A_499 = tpu.memref_slice %arg6[%parallel_loop3A_264, %parallel_loop3A_497, %parallel_loop3A_498] : memref<4x200x64xf32, #tpu.memory_space<vmem>> -> memref<1x200x64xf32, #tpu.memory_space<vmem>>
        %parallel_loop3A_500 = tpu.memref_squeeze %parallel_loop3A_499 : memref<1x200x64xf32, #tpu.memory_space<vmem>> -> memref<200x64xf32, #tpu.memory_space<vmem>>
        %parallel_loop3A_501 = arith.index_cast %parallel_loop3A_496 : i32 to index
        %parallel_loop3A_502 = arith.constant 0 : index
        %parallel_loop3A_503 = tpu.vector_load %parallel_loop3A_500[%parallel_loop3A_501, %parallel_loop3A_502] {strides = array<i32>} : memref<200x64xf32, #tpu.memory_space<vmem>>, vector<1x16xf32>,
        %parallel_loop3A_504 = vector.shape_cast %parallel_loop3A_503 : vector<1x16xf32> to vector<16xf32>
        %parallel_loop3A_505 = arith.addf %parallel_loop3A_417, %parallel_loop3A_504 : vector<16xf32>
        %parallel_loop3A_506 = arith.constant 4 : i32
        %parallel_loop3A_507 = arith.addi %parallel_loop3A_310, %parallel_loop3A_506 : i32
        %parallel_loop3A_508 = arith.constant 0 : i32
        %parallel_loop3A_509 = arith.constant 0 : i32
        %parallel_loop3A_510 = tpu.memref_slice %arg6[%parallel_loop3A_264, %parallel_loop3A_508, %parallel_loop3A_509] : memref<4x200x64xf32, #tpu.memory_space<vmem>> -> memref<1x200x64xf32, #tpu.memory_space<vmem>>
        %parallel_loop3A_511 = tpu.memref_squeeze %parallel_loop3A_510 : memref<1x200x64xf32, #tpu.memory_space<vmem>> -> memref<200x64xf32, #tpu.memory_space<vmem>>
        %parallel_loop3A_512 = arith.index_cast %parallel_loop3A_507 : i32 to index
        %parallel_loop3A_513 = arith.constant 16 : index
        %parallel_loop3A_514 = tpu.vector_load %parallel_loop3A_511[%parallel_loop3A_512, %parallel_loop3A_513] {strides = array<i32>} : memref<200x64xf32, #tpu.memory_space<vmem>>, vector<1x16xf32>,
        %parallel_loop3A_515 = vector.shape_cast %parallel_loop3A_514 : vector<1x16xf32> to vector<16xf32>
        %parallel_loop3A_516 = arith.addf %parallel_loop3A_428, %parallel_loop3A_515 : vector<16xf32>
        %parallel_loop3A_517 = arith.constant 4 : i32
        %parallel_loop3A_518 = arith.addi %parallel_loop3A_310, %parallel_loop3A_517 : i32
        %parallel_loop3A_519 = arith.constant 0 : i32
        %parallel_loop3A_520 = arith.constant 0 : i32
        %parallel_loop3A_521 = tpu.memref_slice %arg6[%parallel_loop3A_264, %parallel_loop3A_519, %parallel_loop3A_520] : memref<4x200x64xf32, #tpu.memory_space<vmem>> -> memref<1x200x64xf32, #tpu.memory_space<vmem>>
        %parallel_loop3A_522 = tpu.memref_squeeze %parallel_loop3A_521 : memref<1x200x64xf32, #tpu.memory_space<vmem>> -> memref<200x64xf32, #tpu.memory_space<vmem>>
        %parallel_loop3A_523 = arith.index_cast %parallel_loop3A_518 : i32 to index
        %parallel_loop3A_524 = arith.constant 32 : index
        %parallel_loop3A_525 = tpu.vector_load %parallel_loop3A_522[%parallel_loop3A_523, %parallel_loop3A_524] {strides = array<i32>} : memref<200x64xf32, #tpu.memory_space<vmem>>, vector<1x16xf32>,
        %parallel_loop3A_526 = vector.shape_cast %parallel_loop3A_525 : vector<1x16xf32> to vector<16xf32>
        %parallel_loop3A_527 = arith.addf %parallel_loop3A_439, %parallel_loop3A_526 : vector<16xf32>
        %parallel_loop3A_528 = arith.constant 4 : i32
        %parallel_loop3A_529 = arith.addi %parallel_loop3A_310, %parallel_loop3A_528 : i32
        %parallel_loop3A_530 = arith.constant 0 : i32
        %parallel_loop3A_531 = arith.constant 0 : i32
        %parallel_loop3A_532 = tpu.memref_slice %arg6[%parallel_loop3A_264, %parallel_loop3A_530, %parallel_loop3A_531] : memref<4x200x64xf32, #tpu.memory_space<vmem>> -> memref<1x200x64xf32, #tpu.memory_space<vmem>>
        %parallel_loop3A_533 = tpu.memref_squeeze %parallel_loop3A_532 : memref<1x200x64xf32, #tpu.memory_space<vmem>> -> memref<200x64xf32, #tpu.memory_space<vmem>>
        %parallel_loop3A_534 = arith.index_cast %parallel_loop3A_529 : i32 to index
        %parallel_loop3A_535 = arith.constant 48 : index
        %parallel_loop3A_536 = tpu.vector_load %parallel_loop3A_533[%parallel_loop3A_534, %parallel_loop3A_535] {strides = array<i32>} : memref<200x64xf32, #tpu.memory_space<vmem>>, vector<1x16xf32>,
        %parallel_loop3A_537 = vector.shape_cast %parallel_loop3A_536 : vector<1x16xf32> to vector<16xf32>
        %parallel_loop3A_538 = arith.addf %parallel_loop3A_450, %parallel_loop3A_537 : vector<16xf32>
        %parallel_loop3A_539 = arith.constant 5 : i32
        %parallel_loop3A_540 = arith.addi %parallel_loop3A_310, %parallel_loop3A_539 : i32
        %parallel_loop3A_541 = arith.constant 0 : i32
        %parallel_loop3A_542 = arith.constant 0 : i32
        %parallel_loop3A_543 = tpu.memref_slice %arg6[%parallel_loop3A_264, %parallel_loop3A_541, %parallel_loop3A_542] : memref<4x200x64xf32, #tpu.memory_space<vmem>> -> memref<1x200x64xf32, #tpu.memory_space<vmem>>
        %parallel_loop3A_544 = tpu.memref_squeeze %parallel_loop3A_543 : memref<1x200x64xf32, #tpu.memory_space<vmem>> -> memref<200x64xf32, #tpu.memory_space<vmem>>
        %parallel_loop3A_545 = arith.index_cast %parallel_loop3A_540 : i32 to index
        %parallel_loop3A_546 = arith.constant 0 : index
        %parallel_loop3A_547 = tpu.vector_load %parallel_loop3A_544[%parallel_loop3A_545, %parallel_loop3A_546] {strides = array<i32>} : memref<200x64xf32, #tpu.memory_space<vmem>>, vector<1x16xf32>,
        %parallel_loop3A_548 = vector.shape_cast %parallel_loop3A_547 : vector<1x16xf32> to vector<16xf32>
        %parallel_loop3A_549 = arith.addf %parallel_loop3A_461, %parallel_loop3A_548 : vector<16xf32>
        %parallel_loop3A_550 = arith.constant 5 : i32
        %parallel_loop3A_551 = arith.addi %parallel_loop3A_310, %parallel_loop3A_550 : i32
        %parallel_loop3A_552 = arith.constant 0 : i32
        %parallel_loop3A_553 = arith.constant 0 : i32
        %parallel_loop3A_554 = tpu.memref_slice %arg6[%parallel_loop3A_264, %parallel_loop3A_552, %parallel_loop3A_553] : memref<4x200x64xf32, #tpu.memory_space<vmem>> -> memref<1x200x64xf32, #tpu.memory_space<vmem>>
        %parallel_loop3A_555 = tpu.memref_squeeze %parallel_loop3A_554 : memref<1x200x64xf32, #tpu.memory_space<vmem>> -> memref<200x64xf32, #tpu.memory_space<vmem>>
        %parallel_loop3A_556 = arith.index_cast %parallel_loop3A_551 : i32 to index
        %parallel_loop3A_557 = arith.constant 16 : index
        %parallel_loop3A_558 = tpu.vector_load %parallel_loop3A_555[%parallel_loop3A_556, %parallel_loop3A_557] {strides = array<i32>} : memref<200x64xf32, #tpu.memory_space<vmem>>, vector<1x16xf32>,
        %parallel_loop3A_559 = vector.shape_cast %parallel_loop3A_558 : vector<1x16xf32> to vector<16xf32>
        %parallel_loop3A_560 = arith.addf %parallel_loop3A_472, %parallel_loop3A_559 : vector<16xf32>
        %parallel_loop3A_561 = arith.constant 5 : i32
        %parallel_loop3A_562 = arith.addi %parallel_loop3A_310, %parallel_loop3A_561 : i32
        %parallel_loop3A_563 = arith.constant 0 : i32
        %parallel_loop3A_564 = arith.constant 0 : i32
        %parallel_loop3A_565 = tpu.memref_slice %arg6[%parallel_loop3A_264, %parallel_loop3A_563, %parallel_loop3A_564] : memref<4x200x64xf32, #tpu.memory_space<vmem>> -> memref<1x200x64xf32, #tpu.memory_space<vmem>>
        %parallel_loop3A_566 = tpu.memref_squeeze %parallel_loop3A_565 : memref<1x200x64xf32, #tpu.memory_space<vmem>> -> memref<200x64xf32, #tpu.memory_space<vmem>>
        %parallel_loop3A_567 = arith.index_cast %parallel_loop3A_562 : i32 to index
        %parallel_loop3A_568 = arith.constant 32 : index
        %parallel_loop3A_569 = tpu.vector_load %parallel_loop3A_566[%parallel_loop3A_567, %parallel_loop3A_568] {strides = array<i32>} : memref<200x64xf32, #tpu.memory_space<vmem>>, vector<1x16xf32>,
        %parallel_loop3A_570 = vector.shape_cast %parallel_loop3A_569 : vector<1x16xf32> to vector<16xf32>
        %parallel_loop3A_571 = arith.addf %parallel_loop3A_483, %parallel_loop3A_570 : vector<16xf32>
        %parallel_loop3A_572 = arith.constant 5 : i32
        %parallel_loop3A_573 = arith.addi %parallel_loop3A_310, %parallel_loop3A_572 : i32
        %parallel_loop3A_574 = arith.constant 0 : i32
        %parallel_loop3A_575 = arith.constant 0 : i32
        %parallel_loop3A_576 = tpu.memref_slice %arg6[%parallel_loop3A_264, %parallel_loop3A_574, %parallel_loop3A_575] : memref<4x200x64xf32, #tpu.memory_space<vmem>> -> memref<1x200x64xf32, #tpu.memory_space<vmem>>
        %parallel_loop3A_577 = tpu.memref_squeeze %parallel_loop3A_576 : memref<1x200x64xf32, #tpu.memory_space<vmem>> -> memref<200x64xf32, #tpu.memory_space<vmem>>
        %parallel_loop3A_578 = arith.index_cast %parallel_loop3A_573 : i32 to index
        %parallel_loop3A_579 = arith.constant 48 : index
        %parallel_loop3A_580 = tpu.vector_load %parallel_loop3A_577[%parallel_loop3A_578, %parallel_loop3A_579] {strides = array<i32>} : memref<200x64xf32, #tpu.memory_space<vmem>>, vector<1x16xf32>,
        %parallel_loop3A_581 = vector.shape_cast %parallel_loop3A_580 : vector<1x16xf32> to vector<16xf32>
        %parallel_loop3A_582 = arith.addf %parallel_loop3A_494, %parallel_loop3A_581 : vector<16xf32>
        %parallel_loop3A_583 = arith.constant 6 : i32
        %parallel_loop3A_584 = arith.addi %parallel_loop3A_310, %parallel_loop3A_583 : i32
        %parallel_loop3A_585 = arith.constant 0 : i32
        %parallel_loop3A_586 = arith.constant 0 : i32
        %parallel_loop3A_587 = tpu.memref_slice %arg6[%parallel_loop3A_264, %parallel_loop3A_585, %parallel_loop3A_586] : memref<4x200x64xf32, #tpu.memory_space<vmem>> -> memref<1x200x64xf32, #tpu.memory_space<vmem>>
        %parallel_loop3A_588 = tpu.memref_squeeze %parallel_loop3A_587 : memref<1x200x64xf32, #tpu.memory_space<vmem>> -> memref<200x64xf32, #tpu.memory_space<vmem>>
        %parallel_loop3A_589 = arith.index_cast %parallel_loop3A_584 : i32 to index
        %parallel_loop3A_590 = arith.constant 0 : index
        %parallel_loop3A_591 = tpu.vector_load %parallel_loop3A_588[%parallel_loop3A_589, %parallel_loop3A_590] {strides = array<i32>} : memref<200x64xf32, #tpu.memory_space<vmem>>, vector<1x16xf32>,
        %parallel_loop3A_592 = vector.shape_cast %parallel_loop3A_591 : vector<1x16xf32> to vector<16xf32>
        %parallel_loop3A_593 = arith.addf %parallel_loop3A_505, %parallel_loop3A_592 : vector<16xf32>
        %parallel_loop3A_594 = arith.constant 6 : i32
        %parallel_loop3A_595 = arith.addi %parallel_loop3A_310, %parallel_loop3A_594 : i32
        %parallel_loop3A_596 = arith.constant 0 : i32
        %parallel_loop3A_597 = arith.constant 0 : i32
        %parallel_loop3A_598 = tpu.memref_slice %arg6[%parallel_loop3A_264, %parallel_loop3A_596, %parallel_loop3A_597] : memref<4x200x64xf32, #tpu.memory_space<vmem>> -> memref<1x200x64xf32, #tpu.memory_space<vmem>>
        %parallel_loop3A_599 = tpu.memref_squeeze %parallel_loop3A_598 : memref<1x200x64xf32, #tpu.memory_space<vmem>> -> memref<200x64xf32, #tpu.memory_space<vmem>>
        %parallel_loop3A_600 = arith.index_cast %parallel_loop3A_595 : i32 to index
        %parallel_loop3A_601 = arith.constant 16 : index
        %parallel_loop3A_602 = tpu.vector_load %parallel_loop3A_599[%parallel_loop3A_600, %parallel_loop3A_601] {strides = array<i32>} : memref<200x64xf32, #tpu.memory_space<vmem>>, vector<1x16xf32>,
        %parallel_loop3A_603 = vector.shape_cast %parallel_loop3A_602 : vector<1x16xf32> to vector<16xf32>
        %parallel_loop3A_604 = arith.addf %parallel_loop3A_516, %parallel_loop3A_603 : vector<16xf32>
        %parallel_loop3A_605 = arith.constant 6 : i32
        %parallel_loop3A_606 = arith.addi %parallel_loop3A_310, %parallel_loop3A_605 : i32
        %parallel_loop3A_607 = arith.constant 0 : i32
        %parallel_loop3A_608 = arith.constant 0 : i32
        %parallel_loop3A_609 = tpu.memref_slice %arg6[%parallel_loop3A_264, %parallel_loop3A_607, %parallel_loop3A_608] : memref<4x200x64xf32, #tpu.memory_space<vmem>> -> memref<1x200x64xf32, #tpu.memory_space<vmem>>
        %parallel_loop3A_610 = tpu.memref_squeeze %parallel_loop3A_609 : memref<1x200x64xf32, #tpu.memory_space<vmem>> -> memref<200x64xf32, #tpu.memory_space<vmem>>
        %parallel_loop3A_611 = arith.index_cast %parallel_loop3A_606 : i32 to index
        %parallel_loop3A_612 = arith.constant 32 : index
        %parallel_loop3A_613 = tpu.vector_load %parallel_loop3A_610[%parallel_loop3A_611, %parallel_loop3A_612] {strides = array<i32>} : memref<200x64xf32, #tpu.memory_space<vmem>>, vector<1x16xf32>,
        %parallel_loop3A_614 = vector.shape_cast %parallel_loop3A_613 : vector<1x16xf32> to vector<16xf32>
        %parallel_loop3A_615 = arith.addf %parallel_loop3A_527, %parallel_loop3A_614 : vector<16xf32>
        %parallel_loop3A_616 = arith.constant 6 : i32
        %parallel_loop3A_617 = arith.addi %parallel_loop3A_310, %parallel_loop3A_616 : i32
        %parallel_loop3A_618 = arith.constant 0 : i32
        %parallel_loop3A_619 = arith.constant 0 : i32
        %parallel_loop3A_620 = tpu.memref_slice %arg6[%parallel_loop3A_264, %parallel_loop3A_618, %parallel_loop3A_619] : memref<4x200x64xf32, #tpu.memory_space<vmem>> -> memref<1x200x64xf32, #tpu.memory_space<vmem>>
        %parallel_loop3A_621 = tpu.memref_squeeze %parallel_loop3A_620 : memref<1x200x64xf32, #tpu.memory_space<vmem>> -> memref<200x64xf32, #tpu.memory_space<vmem>>
        %parallel_loop3A_622 = arith.index_cast %parallel_loop3A_617 : i32 to index
        %parallel_loop3A_623 = arith.constant 48 : index
        %parallel_loop3A_624 = tpu.vector_load %parallel_loop3A_621[%parallel_loop3A_622, %parallel_loop3A_623] {strides = array<i32>} : memref<200x64xf32, #tpu.memory_space<vmem>>, vector<1x16xf32>,
        %parallel_loop3A_625 = vector.shape_cast %parallel_loop3A_624 : vector<1x16xf32> to vector<16xf32>
        %parallel_loop3A_626 = arith.addf %parallel_loop3A_538, %parallel_loop3A_625 : vector<16xf32>
        %parallel_loop3A_627 = arith.constant 7 : i32
        %parallel_loop3A_628 = arith.addi %parallel_loop3A_310, %parallel_loop3A_627 : i32
        %parallel_loop3A_629 = arith.constant 0 : i32
        %parallel_loop3A_630 = arith.constant 0 : i32
        %parallel_loop3A_631 = tpu.memref_slice %arg6[%parallel_loop3A_264, %parallel_loop3A_629, %parallel_loop3A_630] : memref<4x200x64xf32, #tpu.memory_space<vmem>> -> memref<1x200x64xf32, #tpu.memory_space<vmem>>
        %parallel_loop3A_632 = tpu.memref_squeeze %parallel_loop3A_631 : memref<1x200x64xf32, #tpu.memory_space<vmem>> -> memref<200x64xf32, #tpu.memory_space<vmem>>
        %parallel_loop3A_633 = arith.index_cast %parallel_loop3A_628 : i32 to index
        %parallel_loop3A_634 = arith.constant 0 : index
        %parallel_loop3A_635 = tpu.vector_load %parallel_loop3A_632[%parallel_loop3A_633, %parallel_loop3A_634] {strides = array<i32>} : memref<200x64xf32, #tpu.memory_space<vmem>>, vector<1x16xf32>,
        %parallel_loop3A_636 = vector.shape_cast %parallel_loop3A_635 : vector<1x16xf32> to vector<16xf32>
        %parallel_loop3A_637 = arith.addf %parallel_loop3A_549, %parallel_loop3A_636 : vector<16xf32>
        %parallel_loop3A_638 = arith.constant 7 : i32
        %parallel_loop3A_639 = arith.addi %parallel_loop3A_310, %parallel_loop3A_638 : i32
        %parallel_loop3A_640 = arith.constant 0 : i32
        %parallel_loop3A_641 = arith.constant 0 : i32
        %parallel_loop3A_642 = tpu.memref_slice %arg6[%parallel_loop3A_264, %parallel_loop3A_640, %parallel_loop3A_641] : memref<4x200x64xf32, #tpu.memory_space<vmem>> -> memref<1x200x64xf32, #tpu.memory_space<vmem>>
        %parallel_loop3A_643 = tpu.memref_squeeze %parallel_loop3A_642 : memref<1x200x64xf32, #tpu.memory_space<vmem>> -> memref<200x64xf32, #tpu.memory_space<vmem>>
        %parallel_loop3A_644 = arith.index_cast %parallel_loop3A_639 : i32 to index
        %parallel_loop3A_645 = arith.constant 16 : index
        %parallel_loop3A_646 = tpu.vector_load %parallel_loop3A_643[%parallel_loop3A_644, %parallel_loop3A_645] {strides = array<i32>} : memref<200x64xf32, #tpu.memory_space<vmem>>, vector<1x16xf32>,
        %parallel_loop3A_647 = vector.shape_cast %parallel_loop3A_646 : vector<1x16xf32> to vector<16xf32>
        %parallel_loop3A_648 = arith.addf %parallel_loop3A_560, %parallel_loop3A_647 : vector<16xf32>
        %parallel_loop3A_649 = arith.constant 7 : i32
        %parallel_loop3A_650 = arith.addi %parallel_loop3A_310, %parallel_loop3A_649 : i32
        %parallel_loop3A_651 = arith.constant 0 : i32
        %parallel_loop3A_652 = arith.constant 0 : i32
        %parallel_loop3A_653 = tpu.memref_slice %arg6[%parallel_loop3A_264, %parallel_loop3A_651, %parallel_loop3A_652] : memref<4x200x64xf32, #tpu.memory_space<vmem>> -> memref<1x200x64xf32, #tpu.memory_space<vmem>>
        %parallel_loop3A_654 = tpu.memref_squeeze %parallel_loop3A_653 : memref<1x200x64xf32, #tpu.memory_space<vmem>> -> memref<200x64xf32, #tpu.memory_space<vmem>>
        %parallel_loop3A_655 = arith.index_cast %parallel_loop3A_650 : i32 to index
        %parallel_loop3A_656 = arith.constant 32 : index
        %parallel_loop3A_657 = tpu.vector_load %parallel_loop3A_654[%parallel_loop3A_655, %parallel_loop3A_656] {strides = array<i32>} : memref<200x64xf32, #tpu.memory_space<vmem>>, vector<1x16xf32>,
        %parallel_loop3A_658 = vector.shape_cast %parallel_loop3A_657 : vector<1x16xf32> to vector<16xf32>
        %parallel_loop3A_659 = arith.addf %parallel_loop3A_571, %parallel_loop3A_658 : vector<16xf32>
        %parallel_loop3A_660 = arith.constant 7 : i32
        %parallel_loop3A_661 = arith.addi %parallel_loop3A_310, %parallel_loop3A_660 : i32
        %parallel_loop3A_662 = arith.constant 0 : i32
        %parallel_loop3A_663 = arith.constant 0 : i32
        %parallel_loop3A_664 = tpu.memref_slice %arg6[%parallel_loop3A_264, %parallel_loop3A_662, %parallel_loop3A_663] : memref<4x200x64xf32, #tpu.memory_space<vmem>> -> memref<1x200x64xf32, #tpu.memory_space<vmem>>
        %parallel_loop3A_665 = tpu.memref_squeeze %parallel_loop3A_664 : memref<1x200x64xf32, #tpu.memory_space<vmem>> -> memref<200x64xf32, #tpu.memory_space<vmem>>
        %parallel_loop3A_666 = arith.index_cast %parallel_loop3A_661 : i32 to index
        %parallel_loop3A_667 = arith.constant 48 : index
        %parallel_loop3A_668 = tpu.vector_load %parallel_loop3A_665[%parallel_loop3A_666, %parallel_loop3A_667] {strides = array<i32>} : memref<200x64xf32, #tpu.memory_space<vmem>>, vector<1x16xf32>,
        %parallel_loop3A_669 = vector.shape_cast %parallel_loop3A_668 : vector<1x16xf32> to vector<16xf32>
        %parallel_loop3A_670 = arith.addf %parallel_loop3A_582, %parallel_loop3A_669 : vector<16xf32>
        scf.yield %parallel_loop3A_593, %parallel_loop3A_604, %parallel_loop3A_615, %parallel_loop3A_626, %parallel_loop3A_637, %parallel_loop3A_648, %parallel_loop3A_659, %parallel_loop3A_670 : vector<16xf32>, vector<16xf32>, vector<16xf32>, vector<16xf32>, vector<16xf32>, vector<16xf32>, vector<16xf32>, vector<16xf32>
      } {sc.loop_unroll_factor = 1 : i64, sc.parallel_access}
      %add3A_266 = arith.addf %parallel_loop3A_265#0, %parallel_loop3A_265#4 : vector<16xf32>
      %mul3A_267 = arith.constant 5.000000e-03 : f32
      %mul3A_268 = vector.broadcast %mul3A_267 : f32 to vector<16xf32>
      %mul3A_269 = arith.mulf %add3A_266, %mul3A_268 : vector<16xf32>
      %swap3A_270 = arith.index_cast %add3A_247 : i32 to index
      %swap3A_271 = arith.constant 0 : index
      %swap3A_272 = tpu.vector_load %arg7[%swap3A_270, %swap3A_271] {strides = array<i32>} : memref<128x64xf32, #tpu.memory_space<vmem>>, vector<1x16xf32>,
      %swap3A_273 = vector.shape_cast %swap3A_272 : vector<1x16xf32> to vector<16xf32>
      %swap3A_274 = vector.shape_cast %mul3A_269 : vector<16xf32> to vector<1x16xf32>
      tpu.vector_store %arg7[%swap3A_270, %swap3A_271], %swap3A_274 {strides = array<i32>} : memref<128x64xf32, #tpu.memory_space<vmem>>, vector<1x16xf32>,
      %add3A_275 = arith.addf %parallel_loop3A_265#1, %parallel_loop3A_265#5 : vector<16xf32>
      %mul3A_276 = arith.constant 5.000000e-03 : f32
      %mul3A_277 = vector.broadcast %mul3A_276 : f32 to vector<16xf32>
      %mul3A_278 = arith.mulf %add3A_275, %mul3A_277 : vector<16xf32>
      %swap3A_279 = arith.index_cast %add3A_247 : i32 to index
      %swap3A_280 = arith.constant 16 : index
      %swap3A_281 = tpu.vector_load %arg7[%swap3A_279, %swap3A_280] {strides = array<i32>} : memref<128x64xf32, #tpu.memory_space<vmem>>, vector<1x16xf32>,
      %swap3A_282 = vector.shape_cast %swap3A_281 : vector<1x16xf32> to vector<16xf32>
      %swap3A_283 = vector.shape_cast %mul3A_278 : vector<16xf32> to vector<1x16xf32>
      tpu.vector_store %arg7[%swap3A_279, %swap3A_280], %swap3A_283 {strides = array<i32>} : memref<128x64xf32, #tpu.memory_space<vmem>>, vector<1x16xf32>,
      %add3A_284 = arith.addf %parallel_loop3A_265#2, %parallel_loop3A_265#6 : vector<16xf32>
      %mul3A_285 = arith.constant 5.000000e-03 : f32
      %mul3A_286 = vector.broadcast %mul3A_285 : f32 to vector<16xf32>
      %mul3A_287 = arith.mulf %add3A_284, %mul3A_286 : vector<16xf32>
      %swap3A_288 = arith.index_cast %add3A_247 : i32 to index
      %swap3A_289 = arith.constant 32 : index
      %swap3A_290 = tpu.vector_load %arg7[%swap3A_288, %swap3A_289] {strides = array<i32>} : memref<128x64xf32, #tpu.memory_space<vmem>>, vector<1x16xf32>,
      %swap3A_291 = vector.shape_cast %swap3A_290 : vector<1x16xf32> to vector<16xf32>
      %swap3A_292 = vector.shape_cast %mul3A_287 : vector<16xf32> to vector<1x16xf32>
      tpu.vector_store %arg7[%swap3A_288, %swap3A_289], %swap3A_292 {strides = array<i32>} : memref<128x64xf32, #tpu.memory_space<vmem>>, vector<1x16xf32>,
      %add3A_293 = arith.addf %parallel_loop3A_265#3, %parallel_loop3A_265#7 : vector<16xf32>
      %mul3A_294 = arith.constant 5.000000e-03 : f32
      %mul3A_295 = vector.broadcast %mul3A_294 : f32 to vector<16xf32>
      %mul3A_296 = arith.mulf %add3A_293, %mul3A_295 : vector<16xf32>
      %swap3A_297 = arith.index_cast %add3A_247 : i32 to index
      %swap3A_298 = arith.constant 48 : index
      %swap3A_299 = tpu.vector_load %arg7[%swap3A_297, %swap3A_298] {strides = array<i32>} : memref<128x64xf32, #tpu.memory_space<vmem>>, vector<1x16xf32>,
      %swap3A_300 = vector.shape_cast %swap3A_299 : vector<1x16xf32> to vector<16xf32>
      %swap3A_301 = vector.shape_cast %mul3A_296 : vector<16xf32> to vector<1x16xf32>
      tpu.vector_store %arg7[%swap3A_297, %swap3A_298], %swap3A_301 {strides = array<i32>} : memref<128x64xf32, #tpu.memory_space<vmem>>, vector<1x16xf32>,
      %add3A_302 = arith.constant 4 : i32
      %add3A_303 = arith.addi %add3A_247, %add3A_302 : i32
      %lt3A_304 = arith.constant 128 : i32
      %lt3A_305 = arith.cmpi slt, %add3A_303, %lt3A_304 : i32
      %convert_element_type3A_306 = arith.extui %lt3A_305 : i1 to i32
      %cond3A_307 = arith.constant 0 : i32
      %cond3A_308 = arith.cmpi ne, %convert_element_type3A_306, %cond3A_307 : i32
      scf.if %cond3A_308 {
        %add3A_310 = arith.constant 4 : i32
        %add3A_311 = arith.addi %add3A_247, %add3A_310 : i32
        %mul3A_312 = arith.constant 200 : i32
        %mul3A_313 = arith.muli %add3A_311, %mul3A_312 : i32
        %dma_start3A_314 = arith.constant 3 : i32
        %dma_start3A_315 = arith.constant 0 : i32
        %dma_start3A_316 = arith.constant 0 : i32
        %dma_start3A_317 = tpu.memref_slice %arg6[%dma_start3A_314, %dma_start3A_315, %dma_start3A_316] : memref<4x200x64xf32, #tpu.memory_space<vmem>> -> memref<1x200x64xf32, #tpu.memory_space<vmem>>
        %dma_start3A_318 = tpu.memref_squeeze %dma_start3A_317 : memref<1x200x64xf32, #tpu.memory_space<vmem>> -> memref<200x64xf32, #tpu.memory_space<vmem>>
        %dma_start3A_319 = tpu.memref_slice %arg5[%mul3A_313] : memref<25600xi32, #tpu.memory_space<vmem>> -> memref<200xi32, #tpu.memory_space<vmem>>
        %dma_start3A_320 = arith.constant 0 : i32
        %dma_start3A_321 = arith.constant 0 : i32
        %dma_start3A_322 = tpu.memref_slice %arg3[%dma_start3A_320, %dma_start3A_321] : memref<1000000x64xf32, #tpu.memory_space<hbm>> -> memref<1000000x64xf32, #tpu.memory_space<hbm>>
        tpu.enqueue_indirect_dma source(%dma_start3A_322 : memref<1000000x64xf32, #tpu.memory_space<hbm>>) target(%dma_start3A_318 : memref<200x64xf32, #tpu.memory_space<vmem>>) offsets(%dma_start3A_319 : memref<200xi32, #tpu.memory_space<vmem>>) semaphore(%arg12 : memref<!tpu.dma_semaphore, #tpu.memory_space<semaphore_mem>>)
      } else {
      }
      %scan3A_309 = arith.constant 0 : i32
      scf.yield %scan3A_309 : i32
    }
    %scan3A_52 = arith.constant 32 : i32
    "tpu.region"() ({
      %run_scoped3A = tpu.sem_alloc : memref<!tpu.dma_semaphore, #tpu.memory_space<semaphore_mem>>
      %dma_start3A_53 = arith.constant 0 : i32
      %dma_start3A_54 = tpu.memref_slice %arg4[%mul3A_2, %dma_start3A_53] : memref<4096x64xf32, #tpu.memory_space<hbm>> -> memref<128x64xf32, #tpu.memory_space<hbm>>
      %dma_start3A_55 = arith.constant 0 : i32
      %dma_start3A_56 = tpu.memref_slice %arg4[%mul3A_2, %dma_start3A_55] : memref<4096x64xf32, #tpu.memory_space<hbm>> -> memref<128x64xf32, #tpu.memory_space<hbm>>
      tpu.enqueue_dma source(%arg7 : memref<128x64xf32, #tpu.memory_space<vmem>>) target(%dma_start3A_56 : memref<128x64xf32, #tpu.memory_space<hbm>>) target_semaphore(%run_scoped3A : memref<!tpu.dma_semaphore, #tpu.memory_space<semaphore_mem>>)
      %dma_wait3A_57 = arith.constant 0 : i32
      %dma_wait3A_58 = tpu.memref_slice %arg4[%mul3A_2, %dma_wait3A_57] : memref<4096x64xf32, #tpu.memory_space<hbm>> -> memref<128x64xf32, #tpu.memory_space<hbm>>
      %dma_wait3A_59 = arith.constant 0 : i32
      %dma_wait3A_60 = tpu.memref_slice %arg4[%mul3A_2, %dma_wait3A_59] : memref<4096x64xf32, #tpu.memory_space<hbm>> -> memref<128x64xf32, #tpu.memory_space<hbm>>
      tpu.wait_dma2 semaphore(%run_scoped3A : memref<!tpu.dma_semaphore, #tpu.memory_space<semaphore_mem>>) src(%arg7 : memref<128x64xf32, #tpu.memory_space<vmem>>) dst(%dma_wait3A_60 : memref<128x64xf32, #tpu.memory_space<hbm>>)
      tpu.yield
    }) : () -> ()
    return
  }
}

module attributes {stable_mosaic.version = 14 : i64} {
  func.func @_linear_body(%arg0: memref<4096x64xf32, #tpu.memory_space<vmem>>, %arg1: memref<64x5xf32, #tpu.memory_space<vmem>>, %arg2: memref<1x5xf32, #tpu.memory_space<vmem>>, %arg3: memref<4096x5xf32, #tpu.memory_space<vmem>>) attributes {dimension_semantics = [], scalar_prefetch = 0 : i64, scratch_operands = 0 : i64, tpu.core_type = #tpu.core_type<tc>} {
    %get3A = arith.constant 0 : index
    %get3A_0 = arith.constant 0 : index
    %get3A_1 = vector.load %arg0[%get3A, %get3A_0] : memref<4096x64xf32, #tpu.memory_space<vmem>>, vector<4096x64xf32>
    %get3A_2 = arith.constant 0 : index
    %get3A_3 = arith.constant 0 : index
    %get3A_4 = vector.load %arg1[%get3A_2, %get3A_3] : memref<64x5xf32, #tpu.memory_space<vmem>>, vector<64x5xf32>
    %dot_general3A = arith.constant dense<0.000000e+00> : vector<4096x5xf32>
    %dot_general3A_5 = tpu.matmul %get3A_1, %get3A_4, %dot_general3A {dimension_numbers = #tpu.dot_dimension_numbers<[1], [0], [0], [1], [0, 0, 1, 1], [], []>, transpose_lhs_hint = false} : vector<4096x64xf32>, vector<64x5xf32>, vector<4096x5xf32> -> vector<4096x5xf32>
    %get3A_6 = arith.constant 0 : index
    %get3A_7 = arith.constant 0 : index
    %get3A_8 = vector.load %arg2[%get3A_6, %get3A_7] : memref<1x5xf32, #tpu.memory_space<vmem>>, vector<1x5xf32>
    %add3A = vector.broadcast %get3A_8 : vector<1x5xf32> to vector<4096x5xf32>
    %add3A_9 = arith.addf %dot_general3A_5, %add3A : vector<4096x5xf32>
    %swap3A = arith.constant 0 : index
    %swap3A_10 = arith.constant 0 : index
    %swap3A_11 = vector.load %arg3[%swap3A, %swap3A_10] : memref<4096x5xf32, #tpu.memory_space<vmem>>, vector<4096x5xf32>
    tpu.vector_store %arg3[%swap3A, %swap3A_10], %add3A_9 {strides = array<i32>} : memref<4096x5xf32, #tpu.memory_space<vmem>>, vector<4096x5xf32>,
    return
  }
}

</mosaic_0001>

<sc_bundles>
// kernel: kernel.4.cloned.1.call-start
scs
__scs_entry_jumppad:
0x0: {  	(pc) =	sbr.rel $0x88, $3  }
0x1: {  	(tag) =	ssettag $0x0;
	lr =	simm.s32 $0x1  }
0x2: {  	[smem:$0x3F9D] =	sst lr;
	_ =	strace $0xD0000000  }
0x3: {  	_ = 	snop  }
0x4: {  	_ = 	snop  }
0x5: {  	_ = 	snop  }
0x6: {  	_ = 	snop  }
0x7: {  	_ = 	snop  }
__scs_overlays_trampoline_lowered:
0x8: {  	[smem:$0x3FAC] =	sst s0  }
0x9: {  	[smem:$0x3FAD] =	sst s1  }
0xa: {  	[smem:$0x3FAE] =	sst s2  }
0xb: {  	[smem:$0x3FAF] =	sst s3  }
0xc: {  	[smem:$0x3FB0] =	sst s4  }
0xd: {  	[smem:$0x3FB1] =	sst s5  }
0xe: {  	[smem:$0x3FB2] =	sst s6  }
0xf: {  	[smem:$0x3FB3] =	sst s7  }
0x10: {  	[smem:$0x3FB4] =	sst s8  }
0x11: {  	[smem:$0x3FB5] =	sst s9;
	s0 =	simm.s32 @!p0 $0x0  }
0x12: {  	s1 =	sld [smem:$0x3F9B];
	s0 =	simm.s32 @p0 $0x1  }
0x13: {  	[smem:$0x3FB6] =	sst s0;
	s0 =	simm.s32 @!p1 $0x0  }
0x14: {  	s2 =	sld [smem:$0x3F9A];
	s0 =	simm.s32 @p1 $0x1  }
0x15: {  	[smem:$0x3FB7] =	sst s0;
	s0 =	simm.s32 @!p2 $0x0  }
0x16: {  	s3 =	sld [smem:$0x3FDB];
	s0 =	simm.s32 @p2 $0x1  }
0x17: {  	s4 =	simm.s32 $0x1BF5;
	[smem:$0x3FB9] =	sst s0  }
0x18: {  	s0 =	sld [smem:$0x3F9C];
	_ =	swait.ge [sflag:s4], $0x0  }
0x19: {  	s7 =	sld [smem:$0x3F9D]  }
0x1a: {  	s8 =	sadd.s32 $0xFFFFE003, lr  }
0x1b: {  	s9 =	sadd.s32 $0xFFFFFEF7, lr;
	s5 =	simm.s32 $0xFFFFFFFF;
	p2 =	slt.u32 s8, $0xFFFFF086  }
0x1c: {  	p1 =	slt.u32 s9, $0xF7A;
	s5 =	simm.s32 @!p2 $0x0  }
0x1d: {  	s5 =	simm.s32 @p1 $0x1;
	p0 =	seq.s32 s7, s2  }
0x1e: {  	s7 =	smul.u32 @!p0 $0xF7A, s2;
	p2 =	seq.s32 @!p0 s5, $0x0  }
0x1f: {  	s9 =	smul.u32 $0xF7A, s1;
	s8 =	simm.s32 @!p0 $0x1BF5;
	p2 =	por !p2, p0  }
0x20: {  	[sflag:s8] =	ssyncset.s32 @!p0 $0xFFFFF086;
	s6 =	sadd.s32 @!p0 s3, s7;
	s7 =	simm.s32 @!p0 $0x108  }
0x21: {  	s3 =	sadd.s32 s3, s9;
	s6 =	sadd.s32 @!p0 $0x88, s6;
	s7 =	simm.s32 @p2 $0x1082  }
0x22: {  	[simem:s7], [sflag:s8] =	dma.local @!p0 [hbm:s6], $0xF7A  }
0x23: {  	s9 =	sor.u32 $0xD0000000, s2;
	s6 =	simm.s32 $0x108;
	_ =	swait.ge @!p0 [sflag:s8], $0x0  }
0x24: {  	s3 =	sadd.s32 $0x88, s3;
	s6 =	simm.s32 @!p1 $0x1082;
	[sflag:s4] =	ssyncset.s32 $0xFFFFF086  }
0x25: {  	[simem:s6], [sflag:s4] =	dma.local [hbm:s3], $0xF7A  }
0x26: {  	[smem:$0x3F9D] =	sst s1;
	(tag) =	ssettag s2;
	_ =	strace s9  }
0x27: {  	s1 =	sld [smem:$0x3FAD]  }
0x28: {  	s2 =	sld [smem:$0x3FAE]  }
0x29: {  	s4 =	sld [smem:$0x3FB0]  }
0x2a: {  	p0 =	seq.s32 s5, $0x0;
	s5 =	sld [smem:$0x3FB1]  }
0x2b: {  	s6 =	sld [smem:$0x3FB2]  }
0x2c: {  	s7 =	sld [smem:$0x3FB3]  }
0x2d: {  	s3 =	simm.s32 $0x108;
	s8 =	sld [smem:$0x3FB4]  }
0x2e: {  	s3 =	simm.s32 @!p0 $0x1082;
	s9 =	sld [smem:$0x3FB5]  }
0x2f: {  	lr =	sadd.s32 s0, s3;
	s0 =	sld [smem:$0x3FAC]  }
0x30: {  	s3 =	sld [smem:$0x3FAF]  }
0x31: {  	[smem:$0x3FB8] =	sst s10  }
0x32: {  	s10 =	sld [smem:$0x3FB6];
	_ =	sdelay $0x3  }
0x33: {  	p0 =	seq.s32 s10, $0x1;
	s10 =	sld [smem:$0x3FB8];
	_ =	sdelay $0x3  }
0x34: {  	[smem:$0x3FB8] =	sst s10  }
0x35: {  	s10 =	sld [smem:$0x3FB7];
	_ =	sdelay $0x3  }
0x36: {  	p1 =	seq.s32 s10, $0x1;
	s10 =	sld [smem:$0x3FB8];
	_ =	sdelay $0x3  }
0x37: {  	[smem:$0x3FB8] =	sst s10  }
0x38: {  	s10 =	sld [smem:$0x3FB9]  }
0x39: {  	_ = 	snop;
	(pc) =	sbr.ind lr, $3  }
0x3a: {  	_ = 	snop  }
0x3b: {  	_ = 	snop  }
0x3c: {  	p2 =	seq.s32 s10, $0x1;
	s10 =	sld [smem:$0x3FB8]  }
0x3d: {  	_ =	shalt  }
0x3e: {  	_ =	shalt  }
0x3f: {  	_ =	shalt  }
0x40: {  	_ =	shalt  }
0x41: {  	_ =	shalt  }
0x42: {  	_ =	shalt  }
0x43: {  	_ =	shalt  }
0x44: {  	_ =	shalt  }
0x45: {  	_ =	shalt  }
0x46: {  	_ =	shalt  }
0x47: {  	_ =	shalt  }
0x48: {  	_ =	shalt  }
0x49: {  	_ =	shalt  }
0x4a: {  	_ =	shalt  }
0x4b: {  	_ =	shalt  }
0x4c: {  	_ =	shalt  }
0x4d: {  	_ =	shalt  }
0x4e: {  	_ =	shalt  }
0x4f: {  	_ =	shalt  }
0x50: {  	_ =	shalt  }
0x51: {  	_ =	shalt  }
0x52: {  	_ =	shalt  }
0x53: {  	_ =	shalt  }
0x54: {  	_ =	shalt  }
0x55: {  	_ =	shalt  }
0x56: {  	_ =	shalt  }
0x57: {  	_ =	shalt  }
0x58: {  	_ =	shalt  }
0x59: {  	_ =	shalt  }
0x5a: {  	_ =	shalt  }
0x5b: {  	_ =	shalt  }
0x5c: {  	_ =	shalt  }
0x5d: {  	_ =	shalt  }
0x5e: {  	_ =	shalt  }
0x5f: {  	_ =	shalt  }
0x60: {  	_ =	shalt  }
0x61: {  	_ =	shalt  }
0x62: {  	_ =	shalt  }
0x63: {  	_ =	shalt  }
0x64: {  	_ =	shalt  }
0x65: {  	_ =	shalt  }
0x66: {  	_ =	shalt  }
0x67: {  	_ =	shalt  }
0x68: {  	_ =	shalt  }
0x69: {  	_ =	shalt  }
0x6a: {  	_ =	shalt  }
0x6b: {  	_ =	shalt  }
0x6c: {  	_ =	shalt  }
0x6d: {  	_ =	shalt  }
0x6e: {  	_ =	shalt  }
0x6f: {  	_ =	shalt  }
0x70: {  	_ =	shalt  }
0x71: {  	_ =	shalt  }
0x72: {  	_ =	shalt  }
0x73: {  	_ =	shalt  }
0x74: {  	_ =	shalt  }
0x75: {  	_ =	shalt  }
0x76: {  	_ =	shalt  }
0x77: {  	_ =	shalt  }
0x78: {  	_ =	shalt  }
0x79: {  	_ =	shalt  }
0x7a: {  	_ =	shalt  }
0x7b: {  	_ =	shalt  }
0x7c: {  	_ =	shalt  }
0x7d: {  	_ =	shalt  }
0x7e: {  	_ =	shalt  }
0x7f: {  	_ =	shalt  }
0x80: {  	_ =	shalt  }
0x81: {  	_ =	shalt  }
0x82: {  	_ =	shalt  }
0x83: {  	_ =	shalt  }
0x84: {  	_ =	shalt  }
0x85: {  	_ =	shalt  }
0x86: {  	_ =	shalt  }
0x87: {  	_ =	shalt  }
.Lfunc_end0:
.L_simem_size_0:
called_computation_lowered:
.L_overlay_start_0:
0x88: {  	s2 =	sld [smem:$0x3FD9]  }
0x89: {  	s3 =	sld [smem:$0x3FFE];
	_ =	sdelay $0x1  }
0x8a: {  	s1 =	srdreg.scid  }
0x8b: {  	s0 =	sand.u32 $0x1, s1  }
0x8c: {  	s16 =	sshll.u32 s0, $0xA;
	s2 =	sadd.s32 s3, s2  }
0x8d: {  	s2 =	sadd.s32 s2, s16  }
0x8e: {  	[smem:$0x3FC4] =	sst s2  }
0x8f: {  	_ = 	snop  }
0x90: {  	(tm) =	ssettm $0x1  }
0x91: {  	s17 =	sld [smem:$0x3FFB];
	_ =	sdelay $0x3  }
0x92: {  	_ =	strace s17  }
0x93: {  	s2 =	sld [smem:$0x3FFC];
	_ =	sdelay $0x3  }
0x94: {  	_ =	strace s2  }
0x95: {  	s2 =	sld [smem:$0x3FFD];
	_ =	sdelay $0x3  }
0x96: {  	_ =	strace s2  }
0x97: {  	_ =	strace $0x8FFFFFFF  }
0x98: {  	s18 =	sld [smem:$0x3FDB];
	_ =	sdelay $0x1  }
0x99: {  	s19 =	simm.s32 $_scs_section_size  }
0x9a: {  	s4 =	simm.s32 $_size__tile_overlayer_lowered;
	s5 =	simm.s32 $_tile_overlayer_lowered  }
0x9b: {  	s22 =	simm.s32 $0x1BFF;
	s21 =	sshll.u32 s5, $0x1;
	s2 =	sadd.s32 s19, s18  }
0x9c: {  	s6 =	simm.s32 $0x0;
	s20 =	sshll.u32 s4, $0x1;
	s4 =	sadd.s32 s21, s2  }
0x9d: {  	[timem:s6], [sflag:s22] =	dma.local [hbm:s4], s20  }
0x9e: {  	_ =	swait.ge [sflag:s22], s20  }
0x9f: {  	s3 =	ssub.s32 $0x0, s20;
	[sflag:s22] =	ssyncset.done $0x0  }
0xa0: {  	[sflag:s22] =	ssyncadd.s32 s3;
	_ =	sdelay $0x1  }
0xa1: {  	s23 =	simm.s32 $0x1B8B  }
0xa2: {  	_ =	swait.ge [sflag:s23], $0x1  }
0xa3: {  	[sflag:s23] =	ssyncset.done $0x0  }
0xa4: {  	s25 =	simm.s32 $0x1B8E;
	s24 =	sld [smem:$0x3FFE];
	[sflag:s23] =	ssyncadd.s32 $0xFFFFFFFF  }
0xa5: {  	s26 =	simm.s32 $execute0_lowered;
	[smem:$0x3FD2] =	sst s25  }
0xa6: {  	s4 =	sshll.u32 s26, $0x1;
	_ =	strace $0x80000046;
	[dreg:$0x1] =	wrdreg $0xFFFFFFFF  }
0xa7: {  	s28 =	simm.s32 $_size_execute0_lowered;
	s2 =	sadd.s32 s2, s4;
	[dreg:$0x0] =	wrdreg $0x0  }
0xa8: {  	s4 =	sshll.u32 s28, $0x1;
	[dreg:$0x2] =	wrdreg s2  }
0xa9: {  	[dreg:$0x3] =	wrdreg s4  }
0xaa: {  	[dreg:$0x4] =	wrdreg $0xC0  }
0xab: {  	_ =	task [dreg:s6], $0x5FFFF  }
0xac: {  	[dreg:$0x1] =	wrdreg $0xFFFFFFFF  }
0xad: {  	[dreg:$0x0] =	wrdreg $0x60  }
0xae: {  	[dreg:$0x2] =	wrdreg s24  }
0xaf: {  	[dreg:$0x3] =	wrdreg $0x9  }
0xb0: {  	_ =	task.clear_ibuf [dreg:s6], $0x4FFFF;
	_ =	strace $0x90000046  }
0xb1: {  	s29 =	simm.s32 $0x9;
	_ =	strace $0x80000048  }
0xb2: {  	_ =	swait.ge [sflag:s29], $0x1  }
0xb3: {  	[sflag:s29] =	ssyncadd.s32 $0xFFFFFFFF  }
0xb4: {  	_ =	strace $0x90000048  }
0xb5: {  	_ =	sfence  }
0xb6: {  	s30 =	sld [smem:$0x0];
	_ =	sdelay $0x2  }
0xb7: {  	s31 =	sshll.u32 s1, $0xD;
	s1 =	sshrl.u32 s1, $0x2  }
0xb8: {  	s3 =	sand.u32 $0x4000, s31;
	s1 =	sadd.s32 s1, s30  }
0xb9: {  	s0 =	sor.u32 s3, s0;
	s1 =	sshll.u32 s1, $0x11  }
0xba: {  	s0 =	sor.u32 s1, s0  }
0xbb: {  	s0 =	sadd.s32 $0x8F2B, s0  }
0xbc: {  	[sflag:s0] =	ssyncadd.remote.s32 $0x1  }
0xbd: {  	_ =	sfence.sel $0xFFFF  }
0xbe: {  	[dreg:$0x0] =	wrdreg $0xFFFFFFFF;
	(pc) =	sbr.abs _section_cstart, $3  }
0xbf: {  	[dreg:$0x1] =	wrdreg $0xFFFFFFFF  }
0xc0: {  	_ =	task.clear_ibuf [dreg:s6], $0x2FFFF;
	_ =	strace $0x9FFFFFFF  }
0xc1: {  	(tm) =	ssettm $0x7FFFFFFF  }
tec
execute0_lowered:
.L_overlay_start_1:
0x0: {  	(tag) =	ssettag $0x1  }
0x1: {  	s1 =	srdreg.scid  }
0x2: {  	s0 =	stileid.u32;
	s4 =	rddreg [dreg:$0x0];
	s2 =	simm.s32 $0x0  }
0x3: {  	s9 =	simm.s32 $0x6400;
	s10 =	simm.s32 $0x9600;
	s11 =	simm.s32 $0x190  }
0x4: {  	s12 =	simm.s32 $0xC800;
	s13 =	simm.s32 $0x258;
	s14 =	simm.s32 $0xFA00  }
0x5: {  	s15 =	simm.s32 $0x2;
	s16 =	simm.s32 $0x3;
	s17 =	simm.s32 $0x4  }
0x6: {  	s18 =	simm.s32 $0x5;
	s19 =	simm.s32 $0x12C00;
	s20 =	simm.s32 $0x6  }
0x7: {  	s3 =	sand.u32 $0x1, s1;
	s5 =	sshll.u32 s0, $0x1;
	s1 =	rddreg [dreg:$0x1]  }
0x8: {  	s21 =	simm.s32 $0x0;
	[smem:$0x7FF] =	sst s2;
	s5 =	sor.u32 s3, s5  }
.Ltmp0:
0x9: {  	_ =	strace $0x80000047;
	s7 =	ssub.s32 $0x2, s3;
	(pc) =	sbr.rel .LBB2_1-.Ltmp0, $4  }
0xa: {  	s6 =	smul.u32 $0xC80, s5;
	s5 =	sshll.u32 s5, $0xA;
	s8 =	sshrl.u32 s7, $0x1  }
0xb: {  	s3 =	sadd.s32 $0xF42E00, s4;
	s5 =	sadd.s32 s5, s4;
	s7 =	ssub.s32 s7, s8  }
0xc: {  	s8 =	simm.s32 $0xC8;
	s6 =	sadd.s32 s6, s4;
	s5 =	sadd.s32 $0x19A00, s5  }
0xd: {  	s4 =	sadd.s32 $0xA00, s6;
	s6 =	smax.u32 s7, $0x1;
	s7 =	simm.s32 $0x1  }
.LBB2_12:
0xe: {  	s21 =	sadd.s32 $0x1, s21  }
0xf: {  	p0 =	sne.s32 s21, s6  }
.Ltmp1:
0x10: {  	_ = 	snop;
	(pc) =	sbr.rel @!p0 .LBB2_13-.Ltmp1, $4  }
0x11: {  	[hbm4b:s5+s2] =	stream.linear.scatter [tilespmem:s19], [sflag:$0x6], $0x2000, $0x38;
	[tilespmem:$0x14C00] =	vst v63  }
0x12: {  	_ =	swait.ge [sflag:s20], $0x2000  }
0x13: {  	[sflag:s20] =	ssyncset.done $0x0  }
0x14: {  	[sflag:s20] =	ssyncadd.s32 $0xFFFFE000  }
.LBB2_1:
0x15: {  	[tilespmem:s2], [sflag:$0x1] =	stream.linear.gather [hbm4b:s4+s2], $0x6400, $0x38;
	[tilespmem:$0x14C00] =	vst v63  }
0x16: {  	_ =	swait.ge [sflag:s7], $0x6400  }
0x17: {  	[sflag:s7] =	ssyncset.done $0x0  }
0x18: {  	[sflag:s7] =	ssyncadd.s32 $0xFFFF9C00  }
0x19: {  	[tilespmem:s9], [sflag:$0x2] =	stream.indirect.gather [hbm4b:s3+s8], $0x40, s2, s8, $0xb8;
	[tilespmem:$0x14C00] =	vst v63  }
0x1a: {  	_ = 	snop  }
0x1b: {  	[tilespmem:s10], [sflag:$0x3] =	stream.indirect.gather [hbm4b:s3+s8], $0x40, s8, s8, $0xb8;
	[tilespmem:$0x14C00] =	vst v63  }
0x1c: {  	_ = 	snop  }
0x1d: {  	[tilespmem:s12], [sflag:$0x4] =	stream.indirect.gather [hbm4b:s3+s8], $0x40, s11, s8, $0xb8;
	[tilespmem:$0x14C00] =	vst v63  }
0x1e: {  	s22 =	simm.s32 $0x0  }
0x1f: {  	[tilespmem:s14], [sflag:$0x5] =	stream.indirect.gather [hbm4b:s3+s8], $0x40, s13, s8, $0xb8;
	[tilespmem:$0x14C00] =	vst v63  }
.LBB2_2:
0x20: {  	_ =	swait.ge [sflag:s15], $0x3200  }
0x21: {  	[sflag:s15] =	ssyncset.done $0x0  }
0x22: {  	s24 =	simm.s32 $0x6500;
	[sflag:s15] =	ssyncadd.s32 $0xFFFFCE00  }
0x23: {  	v4 =	vld [tilespmem:s24+$0x80]  }
0x24: {  	v5 =	vld [tilespmem:s24+$0x90]  }
0x25: {  	v11 =	vld [tilespmem:s24+$0xA0]  }
0x26: {  	v12 =	vld [tilespmem:s24+$0xB0]  }
0x27: {  	v0 =	vld [tilespmem:s24+$0xC0]  }
0x28: {  	v1 =	vld [tilespmem:s24+$0xD0]  }
0x29: {  	v6 =	vld [tilespmem:s24+$0x0]  }
0x2a: {  	v7 =	vld [tilespmem:s24+$0x10]  }
0x2b: {  	v9 =	vld [tilespmem:s24+$0x20]  }
0x2c: {  	v10 =	vld [tilespmem:s24+$0x30]  }
0x2d: {  	v2 =	vld [tilespmem:s24+$0x40]  }
0x2e: {  	v3 =	vld [tilespmem:s24+$0x50]  }
0x2f: {  	v8 =	vld [tilespmem:s24+$0xFFFFFF80]  }
0x30: {  	v13 =	vld [tilespmem:s24+$0xFFFFFF90]  }
0x31: {  	v14 =	vld [tilespmem:s24+$0xFFFFFF00]  }
0x32: {  	v15 =	vld [tilespmem:s24+$0xFFFFFF10]  }
0x33: {  	v16 =	vld [tilespmem:s24+$0xFFFFFF20]  }
0x34: {  	v17 =	vld [tilespmem:s24+$0xFFFFFF30]  }
0x35: {  	v18 =	vld [tilespmem:s24+$0xFFFFFFA0]  }
0x36: {  	v19 =	vld [tilespmem:s24+$0xFFFFFFB0]  }
0x37: {  	v20 =	vimm.f32 $0.0e+00;
	v21 =	vld [tilespmem:s24+$0xFFFFFFC0]  }
0x38: {  	v22 =	vld [tilespmem:s24+$0xFFFFFFD0];
	v14 =	vadd.f32 v14, v20;
	v15 =	vadd.f32 v15, v20  }
0x39: {  	v23 =	vld [tilespmem:s24+$0xFFFFFF40];
	v16 =	vadd.f32 v16, v20;
	v17 =	vadd.f32 v17, v20  }
0x3a: {  	v24 =	vld [tilespmem:s24+$0xFFFFFF50];
	v8 =	vadd.f32 v8, v14;
	v13 =	vadd.f32 v13, v15  }
0x3b: {  	v14 =	vld [tilespmem:s24+$0xFFFFFF60];
	v15 =	vadd.f32 v18, v16;
	v16 =	vadd.f32 v19, v17  }
0x3c: {  	v17 =	vld [tilespmem:s24+$0xFFFFFF70];
	v6 =	vadd.f32 v6, v8;
	v13 =	vadd.f32 v7, v13  }
0x3d: {  	v8 =	vld [tilespmem:s24+$0xFFFFFFE0];
	v15 =	vadd.f32 v9, v15;
	v16 =	vadd.f32 v10, v16  }
0x3e: {  	v10 =	vld [tilespmem:s24+$0xFFFFFFF0];
	v7 =	vadd.f32 v4, v6;
	v6 =	vadd.f32 v5, v13  }
0x3f: {  	v9 =	vld [tilespmem:s24+$0x60];
	v5 =	vadd.f32 v11, v15;
	v4 =	vadd.f32 v12, v16  }
0x40: {  	v13 =	vadd.f32 v23, v20;
	v16 =	vadd.f32 v24, v20;
	v12 =	vld [tilespmem:s24+$0x70]  }
0x41: {  	v11 =	vld [tilespmem:s24+$0xE0];
	v15 =	vadd.f32 v14, v20;
	v14 =	vadd.f32 v17, v20  }
0x42: {  	s23 =	simm.s32 $0x0;
	v17 =	vadd.f32 v21, v13;
	v16 =	vadd.f32 v22, v16;
	v13 =	vld [tilespmem:s24+$0xF0];
	s24 =	simm.s32 $0x6700  }
.LBB2_3:
0x43: {  	v18 =	vld [tilespmem:s24+$0x80];
	v8 =	vadd.f32 v8, v15;
	v10 =	vadd.f32 v10, v14  }
0x44: {  	v14 =	vld [tilespmem:s24+$0x90];
	v2 =	vadd.f32 v2, v17;
	v3 =	vadd.f32 v3, v16  }
0x45: {  	v15 =	vld [tilespmem:s24+$0xA0];
	v8 =	vadd.f32 v9, v8;
	v9 =	vadd.f32 v12, v10  }
0x46: {  	v12 =	vld [tilespmem:s24+$0xB0];
	v16 =	vadd.f32 v0, v2;
	v17 =	vadd.f32 v1, v3  }
0x47: {  	v0 =	vld [tilespmem:s24+$0xC0];
	v11 =	vadd.f32 v11, v8;
	v13 =	vadd.f32 v13, v9  }
0x48: {  	v1 =	vld [tilespmem:s24+$0xD0]  }
0x49: {  	v8 =	vld [tilespmem:s24+$0x0]  }
0x4a: {  	v9 =	vld [tilespmem:s24+$0x10]  }
0x4b: {  	v10 =	vld [tilespmem:s24+$0x20]  }
0x4c: {  	v19 =	vld [tilespmem:s24+$0x30]  }
0x4d: {  	v2 =	vld [tilespmem:s24+$0x40]  }
0x4e: {  	v3 =	vld [tilespmem:s24+$0x50]  }
0x4f: {  	v20 =	vld [tilespmem:s24+$0xFFFFFF80]  }
0x50: {  	v21 =	vld [tilespmem:s24+$0xFFFFFF90]  }
0x51: {  	v22 =	vld [tilespmem:s24+$0xFFFFFF00]  }
0x52: {  	v23 =	vld [tilespmem:s24+$0xFFFFFF10]  }
0x53: {  	v24 =	vld [tilespmem:s24+$0xFFFFFF20]  }
0x54: {  	v25 =	vld [tilespmem:s24+$0xFFFFFF30]  }
0x55: {  	v26 =	vld [tilespmem:s24+$0xFFFFFFA0]  }
0x56: {  	v27 =	vld [tilespmem:s24+$0xFFFFFFB0]  }
0x57: {  	v28 =	vld [tilespmem:s24+$0xFFFFFFC0]  }
0x58: {  	v7 =	vadd.f32 v22, v7;
	v6 =	vadd.f32 v23, v6;
	v22 =	vld [tilespmem:s24+$0xFFFFFFD0]  }
0x59: {  	v5 =	vadd.f32 v24, v5;
	v4 =	vadd.f32 v25, v4;
	v23 =	vld [tilespmem:s24+$0xFFFFFF40]  }
0x5a: {  	v7 =	vadd.f32 v20, v7;
	v6 =	vadd.f32 v21, v6;
	v24 =	vld [tilespmem:s24+$0xFFFFFF50]  }
0x5b: {  	v5 =	vadd.f32 v26, v5;
	v20 =	vld [tilespmem:s24+$0xFFFFFF60];
	v4 =	vadd.f32 v27, v4  }
0x5c: {  	s23 =	sadd.s32 $0x8, s23;
	v7 =	vadd.f32 v8, v7;
	v6 =	vadd.f32 v9, v6;
	v21 =	vld [tilespmem:s24+$0xFFFFFF70]  }
0x5d: {  	p0 =	slt.u32 s23, $0xC0;
	v5 =	vadd.f32 v10, v5;
	v8 =	vld [tilespmem:s24+$0xFFFFFFE0];
	v4 =	vadd.f32 v19, v4  }
.Ltmp2:
0x5e: {  	v7 =	vadd.f32 v18, v7;
	v6 =	vadd.f32 v14, v6;
	v10 =	vld [tilespmem:s24+$0xFFFFFFF0];
	(pc) =	sbr.rel @p0 .LBB2_3-.Ltmp2, $4  }
0x5f: {  	v5 =	vadd.f32 v15, v5;
	v9 =	vld [tilespmem:s24+$0x60];
	v4 =	vadd.f32 v12, v4  }
0x60: {  	v16 =	vadd.f32 v23, v16;
	v18 =	vadd.f32 v24, v17;
	v12 =	vld [tilespmem:s24+$0x70]  }
0x61: {  	v15 =	vadd.f32 v20, v11;
	v14 =	vadd.f32 v21, v13;
	v11 =	vld [tilespmem:s24+$0xE0]  }
0x62: {  	v17 =	vadd.f32 v28, v16;
	v16 =	vadd.f32 v22, v18;
	v13 =	vld [tilespmem:s24+$0xF0];
	s24 =	sadd.s32 $0x200, s24  }
0x63: {  	_ = 	snop  }
0x64: {  	v8 =	vadd.f32 v8, v15;
	v2 =	vadd.f32 v2, v17  }
0x65: {  	v10 =	vadd.f32 v10, v14;
	v3 =	vadd.f32 v3, v16  }
0x66: {  	v8 =	vadd.f32 v9, v8;
	v0 =	vadd.f32 v0, v2  }
0x67: {  	v2 =	vadd.f32 v12, v10;
	v1 =	vadd.f32 v1, v3  }
0x68: {  	v3 =	vadd.f32 v11, v8;
	v0 =	vadd.f32 v0, v7  }
0x69: {  	v2 =	vadd.f32 v13, v2;
	v1 =	vadd.f32 v1, v6  }
0x6a: {  	s23 =	sshll.u32 s22, $0x8;
	v3 =	vadd.f32 v3, v5;
	v0 =	vmul.f32 $4.999999890e-03, v0  }
0x6b: {  	p0 =	seq.s32 s22, $0x1F;
	s23 =	sand.u32 $0x3FFFFF00, s23;
	v1 =	vmul.f32 $4.999999890e-03, v1;
	v2 =	vadd.f32 v2, v4  }
0x6c: {  	s24 =	smul.u32 @!p0 $0xC80, s22;
	[tilespmem:s23+$0x12C00] =	vst v0;
	v0 =	vmul.f32 $4.999999890e-03, v3  }
0x6d: {  	[tilespmem:s23+$0x12C10] =	vst v1;
	v1 =	vmul.f32 $4.999999890e-03, v2  }
0x6e: {  	s24 =	sshra.s32 @!p0 s24, $0x2;
	[tilespmem:s23+$0x12C20] =	vst v0  }
0x6f: {  	s26 =	simm.s32 @!p0 $0xC8;
	s28 =	simm.s32 @!p0 $0x6400;
	s25 =	sadd.s32 @!p0 $0x320, s24;
	[tilespmem:s23+$0x12C30] =	vst v1  }
0x70: {  	[tilespmem:s28], [sflag:$0x2] =	stream.indirect.gather @!p0 [hbm4b:s3+s26], $0x40, s25, s26, $0xb8;
	[tilespmem:$0x14C00] =	vst v63  }
0x71: {  	_ =	swait.ge [sflag:s16], $0x3200  }
0x72: {  	[sflag:s16] =	ssyncset.done $0x0  }
0x73: {  	s31 =	simm.s32 $0x97F0;
	[sflag:s16] =	ssyncadd.s32 $0xFFFFCE00  }
0x74: {  	v4 =	vld [tilespmem:s31+$0xFFFFFF90]  }
0x75: {  	v5 =	vld [tilespmem:s31+$0xFFFFFFA0]  }
0x76: {  	v6 =	vld [tilespmem:s31+$0xFFFFFFB0]  }
0x77: {  	v11 =	vld [tilespmem:s31+$0xFFFFFFC0]  }
0x78: {  	v0 =	vld [tilespmem:s31+$0xFFFFFFD0]  }
0x79: {  	v1 =	vld [tilespmem:s31+$0xFFFFFFE0]  }
0x7a: {  	v7 =	vld [tilespmem:s31+$0xFFFFFF10]  }
0x7b: {  	v8 =	vld [tilespmem:s31+$0xFFFFFF20]  }
0x7c: {  	v9 =	vld [tilespmem:s31+$0xFFFFFF30]  }
0x7d: {  	v10 =	vld [tilespmem:s31+$0xFFFFFF40]  }
0x7e: {  	v2 =	vld [tilespmem:s31+$0xFFFFFF50]  }
0x7f: {  	v3 =	vld [tilespmem:s31+$0xFFFFFF60]  }
0x80: {  	v12 =	vld [tilespmem:s31+$0xFFFFFE90]  }
0x81: {  	v13 =	vld [tilespmem:s31+$0xFFFFFEA0]  }
0x82: {  	v14 =	vld [tilespmem:s31+$0xFFFFFE10]  }
0x83: {  	v15 =	vld [tilespmem:s31+$0xFFFFFE20]  }
0x84: {  	v16 =	vld [tilespmem:s31+$0xFFFFFE30]  }
0x85: {  	v17 =	vld [tilespmem:s31+$0xFFFFFE40]  }
0x86: {  	v18 =	vld [tilespmem:s31+$0xFFFFFEB0]  }
0x87: {  	v19 =	vld [tilespmem:s31+$0xFFFFFEC0]  }
0x88: {  	v20 =	vimm.f32 $0.0e+00;
	v21 =	vld [tilespmem:s31+$0xFFFFFED0]  }
0x89: {  	v22 =	vld [tilespmem:s31+$0xFFFFFEE0];
	v14 =	vadd.f32 v14, v20;
	v15 =	vadd.f32 v15, v20  }
0x8a: {  	v24 =	vld [tilespmem:s31+$0xFFFFFE60];
	v16 =	vadd.f32 v16, v20;
	v17 =	vadd.f32 v17, v20  }
0x8b: {  	v23 =	vld [tilespmem:s31+$0xFFFFFE50];
	v12 =	vadd.f32 v12, v14;
	v13 =	vadd.f32 v13, v15  }
0x8c: {  	v14 =	vld [tilespmem:s31+$0xFFFFFE70];
	v15 =	vadd.f32 v18, v16;
	v16 =	vadd.f32 v19, v17  }
0x8d: {  	v17 =	vld [tilespmem:s31+$0xFFFFFE80];
	v7 =	vadd.f32 v7, v12;
	v12 =	vadd.f32 v8, v13  }
0x8e: {  	v8 =	vld [tilespmem:s31+$0xFFFFFEF0];
	v13 =	vadd.f32 v9, v15;
	v15 =	vadd.f32 v10, v16  }
0x8f: {  	v10 =	vld [tilespmem:s31+$0xFFFFFF00];
	v16 =	vadd.f32 v24, v20;
	v7 =	vadd.f32 v4, v7  }
0x90: {  	v9 =	vld [tilespmem:s31+$0xFFFFFF70];
	v5 =	vadd.f32 v5, v12;
	v6 =	vadd.f32 v6, v13  }
0x91: {  	v4 =	vadd.f32 v11, v15;
	v13 =	vadd.f32 v23, v20;
	v12 =	vld [tilespmem:s31+$0xFFFFFF80]  }
0x92: {  	v11 =	vld [tilespmem:s31+$0xFFFFFFF0];
	v15 =	vadd.f32 v14, v20;
	v14 =	vadd.f32 v17, v20  }
0x93: {  	s25 =	simm.s32 $0x0;
	s26 =	simm.s32 $0x99F0;
	v16 =	vadd.f32 v22, v16;
	v17 =	vadd.f32 v21, v13;
	v13 =	vld [tilespmem:s31+$0x0]  }
.LBB2_5:
0x94: {  	v18 =	vld [tilespmem:s26+$0xFFFFFF90];
	v8 =	vadd.f32 v8, v15;
	v10 =	vadd.f32 v10, v14  }
0x95: {  	v14 =	vld [tilespmem:s26+$0xFFFFFFA0];
	v2 =	vadd.f32 v2, v17;
	v3 =	vadd.f32 v3, v16  }
0x96: {  	v15 =	vld [tilespmem:s26+$0xFFFFFFB0];
	v8 =	vadd.f32 v9, v8;
	v9 =	vadd.f32 v12, v10  }
0x97: {  	v12 =	vld [tilespmem:s26+$0xFFFFFFC0];
	v16 =	vadd.f32 v0, v2;
	v17 =	vadd.f32 v1, v3  }
0x98: {  	v0 =	vld [tilespmem:s26+$0xFFFFFFD0];
	v11 =	vadd.f32 v11, v8;
	v13 =	vadd.f32 v13, v9  }
0x99: {  	v1 =	vld [tilespmem:s26+$0xFFFFFFE0]  }
0x9a: {  	v8 =	vld [tilespmem:s26+$0xFFFFFF10]  }
0x9b: {  	v9 =	vld [tilespmem:s26+$0xFFFFFF20]  }
0x9c: {  	v10 =	vld [tilespmem:s26+$0xFFFFFF30]  }
0x9d: {  	v19 =	vld [tilespmem:s26+$0xFFFFFF40]  }
0x9e: {  	v2 =	vld [tilespmem:s26+$0xFFFFFF50]  }
0x9f: {  	v3 =	vld [tilespmem:s26+$0xFFFFFF60]  }
0xa0: {  	v20 =	vld [tilespmem:s26+$0xFFFFFE90]  }
0xa1: {  	v21 =	vld [tilespmem:s26+$0xFFFFFEA0]  }
0xa2: {  	v22 =	vld [tilespmem:s26+$0xFFFFFE10]  }
0xa3: {  	v23 =	vld [tilespmem:s26+$0xFFFFFE20]  }
0xa4: {  	v24 =	vld [tilespmem:s26+$0xFFFFFE30]  }
0xa5: {  	v25 =	vld [tilespmem:s26+$0xFFFFFE40]  }
0xa6: {  	v26 =	vld [tilespmem:s26+$0xFFFFFEB0]  }
0xa7: {  	v27 =	vld [tilespmem:s26+$0xFFFFFEC0]  }
0xa8: {  	v28 =	vld [tilespmem:s26+$0xFFFFFED0]  }
0xa9: {  	v7 =	vadd.f32 v22, v7;
	v5 =	vadd.f32 v23, v5;
	v22 =	vld [tilespmem:s26+$0xFFFFFEE0]  }
0xaa: {  	v6 =	vadd.f32 v24, v6;
	v4 =	vadd.f32 v25, v4;
	v23 =	vld [tilespmem:s26+$0xFFFFFE50]  }
0xab: {  	v7 =	vadd.f32 v20, v7;
	v5 =	vadd.f32 v21, v5;
	v24 =	vld [tilespmem:s26+$0xFFFFFE60]  }
0xac: {  	v6 =	vadd.f32 v26, v6;
	v20 =	vld [tilespmem:s26+$0xFFFFFE70];
	v4 =	vadd.f32 v27, v4  }
0xad: {  	s25 =	sadd.s32 $0x8, s25;
	v7 =	vadd.f32 v8, v7;
	v5 =	vadd.f32 v9, v5;
	v21 =	vld [tilespmem:s26+$0xFFFFFE80]  }
0xae: {  	p1 =	slt.u32 s25, $0xC0;
	v6 =	vadd.f32 v10, v6;
	v8 =	vld [tilespmem:s26+$0xFFFFFEF0];
	v4 =	vadd.f32 v19, v4  }
.Ltmp3:
0xaf: {  	v7 =	vadd.f32 v18, v7;
	v5 =	vadd.f32 v14, v5;
	v10 =	vld [tilespmem:s26+$0xFFFFFF00];
	(pc) =	sbr.rel @p1 .LBB2_5-.Ltmp3, $4  }
0xb0: {  	v6 =	vadd.f32 v15, v6;
	v9 =	vld [tilespmem:s26+$0xFFFFFF70];
	v4 =	vadd.f32 v12, v4  }
0xb1: {  	v16 =	vadd.f32 v23, v16;
	v18 =	vadd.f32 v24, v17;
	v12 =	vld [tilespmem:s26+$0xFFFFFF80]  }
0xb2: {  	v15 =	vadd.f32 v20, v11;
	v14 =	vadd.f32 v21, v13;
	v11 =	vld [tilespmem:s26+$0xFFFFFFF0]  }
0xb3: {  	v17 =	vadd.f32 v28, v16;
	v16 =	vadd.f32 v22, v18;
	v13 =	vld [tilespmem:s26+$0x0];
	s26 =	sadd.s32 $0x200, s26  }
0xb4: {  	_ = 	snop  }
0xb5: {  	v8 =	vadd.f32 v8, v15;
	v2 =	vadd.f32 v2, v17  }
0xb6: {  	v10 =	vadd.f32 v10, v14;
	v3 =	vadd.f32 v3, v16  }
0xb7: {  	v8 =	vadd.f32 v9, v8;
	v0 =	vadd.f32 v0, v2  }
0xb8: {  	v2 =	vadd.f32 v12, v10;
	v1 =	vadd.f32 v1, v3  }
0xb9: {  	v3 =	vadd.f32 v11, v8;
	v0 =	vadd.f32 v0, v7  }
0xba: {  	v2 =	vadd.f32 v13, v2;
	v1 =	vadd.f32 v1, v5  }
0xbb: {  	v3 =	vadd.f32 v3, v6;
	v0 =	vmul.f32 $4.999999890e-03, v0  }
0xbc: {  	v1 =	vmul.f32 $4.999999890e-03, v1;
	v2 =	vadd.f32 v2, v4  }
0xbd: {  	[tilespmem:s23+$0x12C40] =	vst v0;
	v0 =	vmul.f32 $4.999999890e-03, v3  }
0xbe: {  	[tilespmem:s23+$0x12C50] =	vst v1;
	v1 =	vmul.f32 $4.999999890e-03, v2  }
0xbf: {  	[tilespmem:s23+$0x12C60] =	vst v0  }
0xc0: {  	s25 =	sadd.s32 @!p0 $0x3E8, s24;
	s26 =	simm.s32 @!p0 $0xC8;
	s28 =	simm.s32 @!p0 $0x9600;
	[tilespmem:s23+$0x12C70] =	vst v1  }
0xc1: {  	[tilespmem:s28], [sflag:$0x3] =	stream.indirect.gather @!p0 [hbm4b:s3+s26], $0x40, s25, s26, $0xb8;
	[tilespmem:$0x14C00] =	vst v63  }
0xc2: {  	_ =	swait.ge [sflag:s17], $0x3200  }
0xc3: {  	[sflag:s17] =	ssyncset.done $0x0  }
0xc4: {  	s31 =	simm.s32 $0xC800;
	[sflag:s17] =	ssyncadd.s32 $0xFFFFCE00  }
0xc5: {  	v4 =	vld [tilespmem:s31+$0x180]  }
0xc6: {  	v5 =	vld [tilespmem:s31+$0x190]  }
0xc7: {  	v6 =	vld [tilespmem:s31+$0x1A0]  }
0xc8: {  	v11 =	vld [tilespmem:s31+$0x1B0]  }
0xc9: {  	v0 =	vld [tilespmem:s31+$0x1C0]  }
0xca: {  	v1 =	vld [tilespmem:s31+$0x1D0]  }
0xcb: {  	v7 =	vld [tilespmem:s31+$0x100]  }
0xcc: {  	v8 =	vld [tilespmem:s31+$0x110]  }
0xcd: {  	v9 =	vld [tilespmem:s31+$0x120]  }
0xce: {  	v10 =	vld [tilespmem:s31+$0x130]  }
0xcf: {  	v2 =	vld [tilespmem:s31+$0x140]  }
0xd0: {  	v3 =	vld [tilespmem:s31+$0x150]  }
0xd1: {  	v12 =	vld [tilespmem:s31+$0x80]  }
0xd2: {  	v13 =	vld [tilespmem:s31+$0x90]  }
0xd3: {  	v14 =	vld [tilespmem:s31+$0x0]  }
0xd4: {  	v15 =	vld [tilespmem:s31+$0x10]  }
0xd5: {  	v16 =	vld [tilespmem:s31+$0x20]  }
0xd6: {  	v17 =	vld [tilespmem:s31+$0x30]  }
0xd7: {  	v18 =	vld [tilespmem:s31+$0xA0]  }
0xd8: {  	v19 =	vld [tilespmem:s31+$0xB0]  }
0xd9: {  	v20 =	vimm.f32 $0.0e+00;
	v21 =	vld [tilespmem:s31+$0xC0]  }
0xda: {  	v22 =	vld [tilespmem:s31+$0xD0];
	v14 =	vadd.f32 v14, v20;
	v15 =	vadd.f32 v15, v20  }
0xdb: {  	v24 =	vld [tilespmem:s31+$0x50];
	v16 =	vadd.f32 v16, v20;
	v17 =	vadd.f32 v17, v20  }
0xdc: {  	v23 =	vld [tilespmem:s31+$0x40];
	v12 =	vadd.f32 v12, v14;
	v13 =	vadd.f32 v13, v15  }
0xdd: {  	v14 =	vld [tilespmem:s31+$0x60];
	v15 =	vadd.f32 v18, v16;
	v16 =	vadd.f32 v19, v17  }
0xde: {  	v17 =	vld [tilespmem:s31+$0x70];
	v7 =	vadd.f32 v7, v12;
	v12 =	vadd.f32 v8, v13  }
0xdf: {  	v8 =	vld [tilespmem:s31+$0xE0];
	v13 =	vadd.f32 v9, v15;
	v15 =	vadd.f32 v10, v16  }
0xe0: {  	v10 =	vld [tilespmem:s31+$0xF0];
	v16 =	vadd.f32 v24, v20;
	v7 =	vadd.f32 v4, v7  }
0xe1: {  	v9 =	vld [tilespmem:s31+$0x160];
	v5 =	vadd.f32 v5, v12;
	v6 =	vadd.f32 v6, v13  }
0xe2: {  	v4 =	vadd.f32 v11, v15;
	v13 =	vadd.f32 v23, v20;
	v12 =	vld [tilespmem:s31+$0x170]  }
0xe3: {  	v11 =	vld [tilespmem:s31+$0x1E0];
	v15 =	vadd.f32 v14, v20;
	v14 =	vadd.f32 v17, v20  }
0xe4: {  	s25 =	simm.s32 $0x0;
	s26 =	simm.s32 $0xCA00;
	v16 =	vadd.f32 v22, v16;
	v17 =	vadd.f32 v21, v13;
	v13 =	vld [tilespmem:s31+$0x1F0]  }
.LBB2_7:
0xe5: {  	v18 =	vld [tilespmem:s26+$0x180];
	v8 =	vadd.f32 v8, v15;
	v10 =	vadd.f32 v10, v14  }
0xe6: {  	v14 =	vld [tilespmem:s26+$0x190];
	v2 =	vadd.f32 v2, v17;
	v3 =	vadd.f32 v3, v16  }
0xe7: {  	v15 =	vld [tilespmem:s26+$0x1A0];
	v8 =	vadd.f32 v9, v8;
	v9 =	vadd.f32 v12, v10  }
0xe8: {  	v12 =	vld [tilespmem:s26+$0x1B0];
	v16 =	vadd.f32 v0, v2;
	v17 =	vadd.f32 v1, v3  }
0xe9: {  	v0 =	vld [tilespmem:s26+$0x1C0];
	v11 =	vadd.f32 v11, v8;
	v13 =	vadd.f32 v13, v9  }
0xea: {  	v1 =	vld [tilespmem:s26+$0x1D0]  }
0xeb: {  	v8 =	vld [tilespmem:s26+$0x100]  }
0xec: {  	v9 =	vld [tilespmem:s26+$0x110]  }
0xed: {  	v10 =	vld [tilespmem:s26+$0x120]  }
0xee: {  	v19 =	vld [tilespmem:s26+$0x130]  }
0xef: {  	v2 =	vld [tilespmem:s26+$0x140]  }
0xf0: {  	v3 =	vld [tilespmem:s26+$0x150]  }
0xf1: {  	v20 =	vld [tilespmem:s26+$0x80]  }
0xf2: {  	v21 =	vld [tilespmem:s26+$0x90]  }
0xf3: {  	v22 =	vld [tilespmem:s26+$0x0]  }
0xf4: {  	v23 =	vld [tilespmem:s26+$0x10]  }
0xf5: {  	v24 =	vld [tilespmem:s26+$0x20]  }
0xf6: {  	v25 =	vld [tilespmem:s26+$0x30]  }
0xf7: {  	v26 =	vld [tilespmem:s26+$0xA0]  }
0xf8: {  	v27 =	vld [tilespmem:s26+$0xB0]  }
0xf9: {  	v28 =	vld [tilespmem:s26+$0xC0]  }
0xfa: {  	v7 =	vadd.f32 v22, v7;
	v5 =	vadd.f32 v23, v5;
	v22 =	vld [tilespmem:s26+$0xD0]  }
0xfb: {  	v6 =	vadd.f32 v24, v6;
	v4 =	vadd.f32 v25, v4;
	v23 =	vld [tilespmem:s26+$0x40]  }
0xfc: {  	v7 =	vadd.f32 v20, v7;
	v5 =	vadd.f32 v21, v5;
	v24 =	vld [tilespmem:s26+$0x50]  }
0xfd: {  	v6 =	vadd.f32 v26, v6;
	v20 =	vld [tilespmem:s26+$0x60];
	v4 =	vadd.f32 v27, v4  }
0xfe: {  	s25 =	sadd.s32 $0x8, s25;
	v7 =	vadd.f32 v8, v7;
	v5 =	vadd.f32 v9, v5;
	v21 =	vld [tilespmem:s26+$0x70]  }
0xff: {  	p1 =	slt.u32 s25, $0xC0;
	v6 =	vadd.f32 v10, v6;
	v8 =	vld [tilespmem:s26+$0xE0];
	v4 =	vadd.f32 v19, v4  }
.Ltmp4:
0x100: {  	v7 =	vadd.f32 v18, v7;
	v5 =	vadd.f32 v14, v5;
	v10 =	vld [tilespmem:s26+$0xF0];
	(pc) =	sbr.rel @p1 .LBB2_7-.Ltmp4, $4  }
0x101: {  	v6 =	vadd.f32 v15, v6;
	v9 =	vld [tilespmem:s26+$0x160];
	v4 =	vadd.f32 v12, v4  }
0x102: {  	v16 =	vadd.f32 v23, v16;
	v18 =	vadd.f32 v24, v17;
	v12 =	vld [tilespmem:s26+$0x170]  }
0x103: {  	v15 =	vadd.f32 v20, v11;
	v14 =	vadd.f32 v21, v13;
	v11 =	vld [tilespmem:s26+$0x1E0]  }
0x104: {  	v17 =	vadd.f32 v28, v16;
	v16 =	vadd.f32 v22, v18;
	v13 =	vld [tilespmem:s26+$0x1F0];
	s26 =	sadd.s32 $0x200, s26  }
0x105: {  	_ = 	snop  }
0x106: {  	v8 =	vadd.f32 v8, v15;
	v2 =	vadd.f32 v2, v17  }
0x107: {  	v10 =	vadd.f32 v10, v14;
	v3 =	vadd.f32 v3, v16  }
0x108: {  	v8 =	vadd.f32 v9, v8;
	v0 =	vadd.f32 v0, v2  }
0x109: {  	v2 =	vadd.f32 v12, v10;
	v1 =	vadd.f32 v1, v3  }
0x10a: {  	v3 =	vadd.f32 v11, v8;
	v0 =	vadd.f32 v0, v7  }
0x10b: {  	v2 =	vadd.f32 v13, v2;
	v1 =	vadd.f32 v1, v5  }
0x10c: {  	v3 =	vadd.f32 v3, v6;
	v0 =	vmul.f32 $4.999999890e-03, v0  }
0x10d: {  	v1 =	vmul.f32 $4.999999890e-03, v1;
	v2 =	vadd.f32 v2, v4  }
0x10e: {  	[tilespmem:s23+$0x12C80] =	vst v0;
	v0 =	vmul.f32 $4.999999890e-03, v3  }
0x10f: {  	[tilespmem:s23+$0x12C90] =	vst v1;
	v1 =	vmul.f32 $4.999999890e-03, v2  }
0x110: {  	[tilespmem:s23+$0x12CA0] =	vst v0  }
0x111: {  	s24 =	sadd.s32 @!p0 $0x4B0, s24;
	s25 =	simm.s32 @!p0 $0xC8;
	s26 =	simm.s32 @!p0 $0xC800;
	[tilespmem:s23+$0x12CB0] =	vst v1  }
0x112: {  	[tilespmem:s26], [sflag:$0x4] =	stream.indirect.gather @!p0 [hbm4b:s3+s25], $0x40, s24, s25, $0xb8;
	[tilespmem:$0x14C00] =	vst v63  }
0x113: {  	_ =	swait.ge [sflag:s18], $0x3200  }
0x114: {  	[sflag:s18] =	ssyncset.done $0x0  }
0x115: {  	s31 =	simm.s32 $0xFA00;
	[sflag:s18] =	ssyncadd.s32 $0xFFFFCE00  }
0x116: {  	v4 =	vld [tilespmem:s31+$0x180]  }
0x117: {  	v5 =	vld [tilespmem:s31+$0x190]  }
0x118: {  	v6 =	vld [tilespmem:s31+$0x1A0]  }
0x119: {  	v11 =	vld [tilespmem:s31+$0x1B0]  }
0x11a: {  	v0 =	vld [tilespmem:s31+$0x1C0]  }
0x11b: {  	v1 =	vld [tilespmem:s31+$0x1D0]  }
0x11c: {  	v7 =	vld [tilespmem:s31+$0x100]  }
0x11d: {  	v8 =	vld [tilespmem:s31+$0x110]  }
0x11e: {  	v9 =	vld [tilespmem:s31+$0x120]  }
0x11f: {  	v10 =	vld [tilespmem:s31+$0x130]  }
0x120: {  	v2 =	vld [tilespmem:s31+$0x140]  }
0x121: {  	v3 =	vld [tilespmem:s31+$0x150]  }
0x122: {  	v12 =	vld [tilespmem:s31+$0x80]  }
0x123: {  	v13 =	vld [tilespmem:s31+$0x90]  }
0x124: {  	v14 =	vld [tilespmem:s31+$0x0]  }
0x125: {  	v15 =	vld [tilespmem:s31+$0x10]  }
0x126: {  	v16 =	vld [tilespmem:s31+$0x20]  }
0x127: {  	v17 =	vld [tilespmem:s31+$0x30]  }
0x128: {  	v18 =	vld [tilespmem:s31+$0xA0]  }
0x129: {  	v19 =	vld [tilespmem:s31+$0xB0]  }
0x12a: {  	v20 =	vimm.f32 $0.0e+00;
	v21 =	vld [tilespmem:s31+$0xC0]  }
0x12b: {  	v22 =	vld [tilespmem:s31+$0xD0];
	v14 =	vadd.f32 v14, v20;
	v15 =	vadd.f32 v15, v20  }
0x12c: {  	v24 =	vld [tilespmem:s31+$0x50];
	v16 =	vadd.f32 v16, v20;
	v17 =	vadd.f32 v17, v20  }
0x12d: {  	v23 =	vld [tilespmem:s31+$0x40];
	v12 =	vadd.f32 v12, v14;
	v13 =	vadd.f32 v13, v15  }
0x12e: {  	v14 =	vld [tilespmem:s31+$0x60];
	v15 =	vadd.f32 v18, v16;
	v16 =	vadd.f32 v19, v17  }
0x12f: {  	v17 =	vld [tilespmem:s31+$0x70];
	v7 =	vadd.f32 v7, v12;
	v12 =	vadd.f32 v8, v13  }
0x130: {  	v8 =	vld [tilespmem:s31+$0xE0];
	v13 =	vadd.f32 v9, v15;
	v15 =	vadd.f32 v10, v16  }
0x131: {  	v10 =	vld [tilespmem:s31+$0xF0];
	v16 =	vadd.f32 v24, v20;
	v7 =	vadd.f32 v4, v7  }
0x132: {  	v9 =	vld [tilespmem:s31+$0x160];
	v5 =	vadd.f32 v5, v12;
	v6 =	vadd.f32 v6, v13  }
0x133: {  	v4 =	vadd.f32 v11, v15;
	v13 =	vadd.f32 v23, v20;
	v12 =	vld [tilespmem:s31+$0x170]  }
0x134: {  	v11 =	vld [tilespmem:s31+$0x1E0];
	v15 =	vadd.f32 v14, v20;
	v14 =	vadd.f32 v17, v20  }
0x135: {  	s24 =	simm.s32 $0x0;
	s25 =	simm.s32 $0xFC00;
	v16 =	vadd.f32 v22, v16;
	v17 =	vadd.f32 v21, v13;
	v13 =	vld [tilespmem:s31+$0x1F0]  }
.LBB2_9:
0x136: {  	v18 =	vld [tilespmem:s25+$0x180];
	v8 =	vadd.f32 v8, v15;
	v10 =	vadd.f32 v10, v14  }
0x137: {  	v14 =	vld [tilespmem:s25+$0x190];
	v2 =	vadd.f32 v2, v17;
	v3 =	vadd.f32 v3, v16  }
0x138: {  	v15 =	vld [tilespmem:s25+$0x1A0];
	v8 =	vadd.f32 v9, v8;
	v9 =	vadd.f32 v12, v10  }
0x139: {  	v12 =	vld [tilespmem:s25+$0x1B0];
	v16 =	vadd.f32 v0, v2;
	v17 =	vadd.f32 v1, v3  }
0x13a: {  	v0 =	vld [tilespmem:s25+$0x1C0];
	v11 =	vadd.f32 v11, v8;
	v13 =	vadd.f32 v13, v9  }
0x13b: {  	v1 =	vld [tilespmem:s25+$0x1D0]  }
0x13c: {  	v8 =	vld [tilespmem:s25+$0x100]  }
0x13d: {  	v9 =	vld [tilespmem:s25+$0x110]  }
0x13e: {  	v10 =	vld [tilespmem:s25+$0x120]  }
0x13f: {  	v19 =	vld [tilespmem:s25+$0x130]  }
0x140: {  	v2 =	vld [tilespmem:s25+$0x140]  }
0x141: {  	v3 =	vld [tilespmem:s25+$0x150]  }
0x142: {  	v20 =	vld [tilespmem:s25+$0x80]  }
0x143: {  	v21 =	vld [tilespmem:s25+$0x90]  }
0x144: {  	v22 =	vld [tilespmem:s25+$0x0]  }
0x145: {  	v23 =	vld [tilespmem:s25+$0x10]  }
0x146: {  	v24 =	vld [tilespmem:s25+$0x20]  }
0x147: {  	v25 =	vld [tilespmem:s25+$0x30]  }
0x148: {  	v26 =	vld [tilespmem:s25+$0xA0]  }
0x149: {  	v27 =	vld [tilespmem:s25+$0xB0]  }
0x14a: {  	v28 =	vld [tilespmem:s25+$0xC0]  }
0x14b: {  	v7 =	vadd.f32 v22, v7;
	v5 =	vadd.f32 v23, v5;
	v22 =	vld [tilespmem:s25+$0xD0]  }
0x14c: {  	v6 =	vadd.f32 v24, v6;
	v4 =	vadd.f32 v25, v4;
	v23 =	vld [tilespmem:s25+$0x40]  }
0x14d: {  	v7 =	vadd.f32 v20, v7;
	v5 =	vadd.f32 v21, v5;
	v24 =	vld [tilespmem:s25+$0x50]  }
0x14e: {  	v6 =	vadd.f32 v26, v6;
	v20 =	vld [tilespmem:s25+$0x60];
	v4 =	vadd.f32 v27, v4  }
0x14f: {  	s24 =	sadd.s32 $0x8, s24;
	v7 =	vadd.f32 v8, v7;
	v5 =	vadd.f32 v9, v5;
	v21 =	vld [tilespmem:s25+$0x70]  }
0x150: {  	p1 =	slt.u32 s24, $0xC0;
	v6 =	vadd.f32 v10, v6;
	v8 =	vld [tilespmem:s25+$0xE0];
	v4 =	vadd.f32 v19, v4  }
.Ltmp5:
0x151: {  	v7 =	vadd.f32 v18, v7;
	v5 =	vadd.f32 v14, v5;
	v10 =	vld [tilespmem:s25+$0xF0];
	(pc) =	sbr.rel @p1 .LBB2_9-.Ltmp5, $4  }
0x152: {  	v6 =	vadd.f32 v15, v6;
	v9 =	vld [tilespmem:s25+$0x160];
	v4 =	vadd.f32 v12, v4  }
0x153: {  	v16 =	vadd.f32 v23, v16;
	v18 =	vadd.f32 v24, v17;
	v12 =	vld [tilespmem:s25+$0x170]  }
0x154: {  	v15 =	vadd.f32 v20, v11;
	v14 =	vadd.f32 v21, v13;
	v11 =	vld [tilespmem:s25+$0x1E0]  }
0x155: {  	v17 =	vadd.f32 v28, v16;
	v16 =	vadd.f32 v22, v18;
	v13 =	vld [tilespmem:s25+$0x1F0];
	s25 =	sadd.s32 $0x200, s25  }
0x156: {  	_ = 	snop  }
0x157: {  	v8 =	vadd.f32 v8, v15;
	v2 =	vadd.f32 v2, v17  }
0x158: {  	v10 =	vadd.f32 v10, v14;
	v3 =	vadd.f32 v3, v16  }
0x159: {  	v8 =	vadd.f32 v9, v8;
	v0 =	vadd.f32 v0, v2  }
0x15a: {  	v60 =	vadd.f32 v12, v10;
	v1 =	vadd.f32 v1, v3  }
0x15b: {  	v61 =	vadd.f32 v11, v8;
	v0 =	vadd.f32 v0, v7  }
0x15c: {  	v2 =	vadd.f32 v13, v60;
	v1 =	vadd.f32 v1, v5  }
0x15d: {  	v3 =	vadd.f32 v61, v6;
	v0 =	vmul.f32 $4.999999890e-03, v0  }
.Ltmp6:
0x15e: {  	v2 =	vadd.f32 v2, v4;
	v1 =	vmul.f32 $4.999999890e-03, v1;
	(pc) =	sbr.rel @p0 .LBB2_12-.Ltmp6, $4  }
0x15f: {  	v62 =	vmul.f32 $4.999999890e-03, v3;
	[tilespmem:s23+$0x12CC0] =	vst v0  }
0x160: {  	v63 =	vmul.f32 $4.999999890e-03, v2;
	[tilespmem:s23+$0x12CD0] =	vst v1  }
0x161: {  	[tilespmem:s23+$0x12CE0] =	vst v62  }
0x162: {  	[tilespmem:s23+$0x12CF0] =	vst v63  }
0x163: {  	s23 =	smul.u32 $0xC80, s22  }
.Ltmp7:
0x164: {  	_ = 	snop;
	(pc) =	sbr.rel .LBB2_2-.Ltmp7, $4  }
0x165: {  	_ = 	snop  }
0x166: {  	s23 =	sshra.s32 s23, $0x2  }
0x167: {  	s22 =	sadd.s32 $0x1, s22;
	s23 =	sadd.s32 $0x578, s23  }
0x168: {  	[tilespmem:s14], [sflag:$0x5] =	stream.indirect.gather [hbm4b:s3+s8], $0x40, s23, s8, $0xb8;
	[tilespmem:$0x14C00] =	vst v63  }
.LBB2_13:
0x169: {  	_ =	sfence.sel $0x180000  }
0x16a: {  	[bflag:$0x0] =	sbarrier.arrive $0xFFFF  }
0x16b: {  	p0 =	sne.s32 s0, $0x0;
	_ =	strace $0x90000047  }
0x16c: {  	s0 =	sadd.s32 @!p0 $0x100000, s1;
	[bflag:$0x2] =	sbarrier.arrive $0xFFFF  }
0x16d: {  	[sflag:s0] =	ssyncadd.tile.s32 @!p0 $0x1;
	_ =	shalt  }
.Lfunc_end2:
_tile_overlayer_lowered:
.L_overlay_start_2:
0x16e: {  	(tag) =	ssettag $0x2  }
0x16f: {  	s0 =	rddreg [dreg:$0x0];
	s2 =	stileid.u32  }
0x170: {  	s1 =	rddreg [dreg:$0x1];
	p0 =	sne.s32 s2, $0x0  }
0x171: {  	s3 =	rddreg [dreg:$0x2];
	[bflag:$0x3] =	sbarrier.arrive $0xFFFF;
	s2 =	simm.s32 @!p0 $0x1C06  }
0x172: {  	[timem:s3], [sflag:s2] =	dma.local @!p0 [hbm:s0], s1  }
0x173: {  	s0 =	simm.s32 @!p0 $0x6  }
0x174: {  	_ =	swait.ge @!p0 [sflag:s0], s1  }
0x175: {  	s1 =	ssub.s32 @!p0 $0x0, s1;
	[sflag:s0] =	ssyncset.done @!p0 $0x0  }
0x176: {  	[sflag:s0] =	ssyncadd.s32 @!p0 s1  }
0x177: {  	[bflag:$0x3] =	sbarrier.arrive $0xFFFF  }
0x178: {  	_ =	shalt  }

</sc_bundles>
